<compile_context>
chip_gen: v7x
topology: tpu7x:2x2x1
jax: 0.10.2.dev20260603
libtpu: 0.0.44.dev20260713+nightly
codegen_flags: <defaults>
</compile_context>

<pallas_src>
import jax
import jax.numpy as jnp
from jax import lax
from jax.experimental import pallas as pl
from jax.experimental.pallas import tpu as pltpu
import jax.experimental.pallas.tpu_sc as plsc

N = 10000
E = 320000
F = 128
G = 64

NC = 2
NS = 16
NW = NC * NS
EW = E // NW
K = 96
NCHUNK = EW // K
TAIL = EW - NCHUNK * K
RA = 624
RB = 640

NBUF = 3
LEAD = 2

PACK = 16384


def _aggr_body(x_hbm, packed_hbm, zeros_hbm, out0_hbm, out1_hbm,
               packed_all, srcb, dstb, rows_v, tsrc, tdst, trows, aggr_sh,
               *sems):
    gsem = sems[:NBUF]
    ssem = sems[NBUF:]
    c = lax.axis_index("c")
    s = lax.axis_index("s")
    wid = s * NC + c

    isem = sems[2 * NBUF]

    @pl.when(s < NS - 1)
    def _():
        pltpu.async_copy(zeros_hbm.at[pl.ds(0, RA)],
                         aggr_sh.at[pl.ds(s * RA, RA)], isem)

    @pl.when(s == NS - 1)
    def _():
        pltpu.async_copy(zeros_hbm, aggr_sh.at[pl.ds((NS - 1) * RA, RB)],
                         isem)

    pltpu.sync_copy(packed_hbm.at[pl.ds(wid * EW, EW)], packed_all)

    def refill(i, b):
        for j in range(K // 16):
            v = packed_all[pl.ds(i * K + j * 16, 16)]
            srcb[b, pl.ds(j * 16, 16)] = lax.shift_right_logical(v, 14)
            dstb[b, pl.ds(j * 16, 16)] = jnp.bitwise_and(v, PACK - 1)
        pltpu.async_copy(x_hbm.at[srcb.at[b]], rows_v.at[b], gsem[b])

    def gather_wait(b):
        pltpu.make_async_copy(x_hbm.at[pl.ds(0, K)], rows_v.at[b],
                              gsem[b]).wait()

    def scatter_wait(b):
        pltpu.make_async_copy(rows_v.at[b], aggr_sh.at[pl.ds(0, K)],
                              ssem[b]).wait()

    def step(i, b, do_wait_s):
        gather_wait(b)
        pltpu.async_copy(rows_v.at[b], aggr_sh.at[dstb.at[b]], ssem[b],
                         add=True)
        nb = (b + LEAD) % NBUF
        if do_wait_s:
            scatter_wait(nb)

        @pl.when(i + LEAD < NCHUNK)
        def _():
            refill(i + LEAD, nb)

    for i in range(LEAD):
        refill(i, i)

    @pl.when(s < NS - 1)
    def _():
        pltpu.make_async_copy(zeros_hbm.at[pl.ds(0, RA)],
                              aggr_sh.at[pl.ds(0, RA)], isem).wait()

    @pl.when(s == NS - 1)
    def _():
        pltpu.make_async_copy(zeros_hbm, aggr_sh.at[pl.ds(0, RB)],
                              isem).wait()

    plsc.subcore_barrier()

    for i in range(NBUF):
        step(i, i % NBUF, i + LEAD - NBUF >= 0)

    def group(j, carry):
        for b in range(NBUF):
            step(j * NBUF + b, b, True)
        return carry

    lax.fori_loop(1, NCHUNK // NBUF, group, 0, unroll=False)
    for i in range((NCHUNK // NBUF) * NBUF, NCHUNK):
        step(i, i % NBUF, True)
    for i in range(NCHUNK - (NBUF - LEAD), NCHUNK):
        scatter_wait(i % NBUF)

    v = packed_all[pl.ds(NCHUNK * K, TAIL)]
    tsrc[...] = lax.shift_right_logical(v, 14)
    tdst[...] = jnp.bitwise_and(v, PACK - 1)
    pltpu.async_copy(x_hbm.at[tsrc], trows, gsem[0])
    pltpu.make_async_copy(x_hbm.at[pl.ds(0, TAIL)], trows, gsem[0]).wait()
    pltpu.sync_copy(trows, aggr_sh.at[tdst], add=True)

    plsc.subcore_barrier()
    @pl.when((s < NS - 1) & (c == 0))
    def _():
        pltpu.sync_copy(aggr_sh.at[pl.ds(s * RA, RA)],
                        out0_hbm.at[pl.ds(s * RA, RA)])

    @pl.when((s < NS - 1) & (c == 1))
    def _():
        pltpu.sync_copy(aggr_sh.at[pl.ds(s * RA, RA)],
                        out1_hbm.at[pl.ds(s * RA, RA)])

    @pl.when((s == NS - 1) & (c == 0))
    def _():
        pltpu.sync_copy(aggr_sh.at[pl.ds((NS - 1) * RA, RB)],
                        out0_hbm.at[pl.ds((NS - 1) * RA, RB)])

    @pl.when((s == NS - 1) & (c == 1))
    def _():
        pltpu.sync_copy(aggr_sh.at[pl.ds((NS - 1) * RA, RB)],
                        out1_hbm.at[pl.ds((NS - 1) * RA, RB)])


@jax.jit
def _sc_aggregate(x, packed, zeros_rows):
    mesh = plsc.VectorSubcoreMesh(core_axis_name="c", subcore_axis_name="s")
    f = pl.kernel(
        _aggr_body,
        out_type=[jax.ShapeDtypeStruct((N, F), jnp.float32),
                  jax.ShapeDtypeStruct((N, F), jnp.float32)],
        mesh=mesh,
        scratch_types=[
            pltpu.VMEM((EW,), jnp.int32),
            pltpu.VMEM((NBUF, K), jnp.int32),
            pltpu.VMEM((NBUF, K), jnp.int32),
            pltpu.VMEM((NBUF, K, F), jnp.float32),
            pltpu.VMEM((TAIL,), jnp.int32),
            pltpu.VMEM((TAIL,), jnp.int32),
            pltpu.VMEM((TAIL, F), jnp.float32),
            pltpu.VMEM_SHARED((N, F), jnp.float32),
        ] + [pltpu.SemaphoreType.DMA] * (2 * NBUF + 1),
    )
    return f(x, packed, zeros_rows)


def _layer_tc_body(x_ref, a0_ref, a1_ref, w1_ref, b1_ref, w2_ref, b2_ref,
                   g_ref, be_ref, o_ref):
    h = x_ref[...] + a0_ref[...] + a1_ref[...]
    h = jnp.dot(h, w1_ref[...], preferred_element_type=jnp.float32) + b1_ref[...]
    h = jnp.maximum(h, 0.0)
    y = jnp.dot(h, w2_ref[...], preferred_element_type=jnp.float32) + b2_ref[...]
    y = jnp.maximum(y, 0.0)
    mean = jnp.mean(y, axis=0, keepdims=True)
    d = y - mean
    var = jnp.mean(d * d, axis=0, keepdims=True)
    o_ref[...] = d * lax.rsqrt(var + 1e-5) * g_ref[...] + be_ref[...]


@jax.jit
def _layer_tc(x, a0, a1, w1, b1, w2, b2, gamma, beta):
    return pl.pallas_call(
        _layer_tc_body,
        out_shape=jax.ShapeDtypeStruct((N, F), jnp.float32),
    )(x, a0, a1, w1, b1.reshape(1, F), w2, b2.reshape(1, F),
      gamma.reshape(1, F), beta.reshape(1, F))


def _layer3_tc_body(x_ref, a0_ref, a1_ref, w1_ref, b1_ref, w2_ref, b2_ref,
                    g_ref, be_ref, batch_ref, o_ref):
    h = x_ref[...] + a0_ref[...] + a1_ref[...]
    h = jnp.dot(h, w1_ref[...], preferred_element_type=jnp.float32) + b1_ref[...]
    h = jnp.maximum(h, 0.0)
    y = jnp.dot(h, w2_ref[...], preferred_element_type=jnp.float32) + b2_ref[...]
    y = jnp.maximum(y, 0.0)
    mean = jnp.mean(y, axis=0, keepdims=True)
    d = y - mean
    var = jnp.mean(d * d, axis=0, keepdims=True)
    hn = d * lax.rsqrt(var + 1e-5) * g_ref[...] + be_ref[...]
    gid = lax.broadcasted_iota(jnp.int32, (G, N), 0)
    onehot = (gid == batch_ref[...]).astype(jnp.float32)
    o_ref[...] = jnp.dot(onehot, hn, preferred_element_type=jnp.float32)


@jax.jit
def _layer3_tc(x, a0, a1, w1, b1, w2, b2, gamma, beta, batch2):
    return pl.pallas_call(
        _layer3_tc_body,
        out_shape=jax.ShapeDtypeStruct((G, F), jnp.float32),
    )(x, a0, a1, w1, b1.reshape(1, F), w2, b2.reshape(1, F),
      gamma.reshape(1, F), beta.reshape(1, F), batch2)


def kernel(x, edge_index, batch, W1_1, b1_1, W1_2, b1_2, gamma1, beta1,
           W2_1, b2_1, W2_2, b2_2, gamma2, beta2,
           W3_1, b3_1, W3_2, b3_2, gamma3, beta3):
    packed = edge_index[0] * PACK + edge_index[1]
    zeros_rows = jnp.zeros((RB, F), dtype=jnp.float32)
    batch2 = batch.reshape(1, N)

    a0, a1 = _sc_aggregate(x, packed, zeros_rows)
    h = _layer_tc(x, a0, a1, W1_1, b1_1, W1_2, b1_2, gamma1, beta1)
    a0, a1 = _sc_aggregate(h, packed, zeros_rows)
    h = _layer_tc(h, a0, a1, W2_1, b2_1, W2_2, b2_2, gamma2, beta2)
    a0, a1 = _sc_aggregate(h, packed, zeros_rows)
    return _layer3_tc(h, a0, a1, W3_1, b3_1, W3_2, b3_2, gamma3, beta3,
                      batch2)

# --- scband reference (transcript-rebuilt; emitter-appended) ---
"""Pipeline reference for scband-ginencoder-16114717295311 (READ-ONLY COPY).

The authoritative reference and input builder live on the scoring server;
editing this copy changes nothing except your own understanding.
"""

import jax, jax.numpy as jnp
import numpy as np

N = 10000
E = 320000
F_IN = 128
DIM = 128
G = 64

def setup_inputs(seed: int = 0):
    key = jax.random.key(seed)
    ks = jax.random.split(key, 16)
    inp = {}
    inp["x"] = jax.random.normal(ks[0], (N, F_IN), dtype=jnp.float32)
    inp["edge_index"] = jax.random.randint(ks[1], (2, E), 0, N, dtype=jnp.int32)
    inp["batch"] = jnp.sort(jax.random.randint(ks[2], (N,), 0, G, dtype=jnp.int32))
    dims = [(F_IN, DIM), (DIM, DIM), (DIM, DIM)]
    i = 3
    for l, (fin, dout) in enumerate(dims, start=1):
        inp["W{}_1".format(l)] = jax.random.normal(ks[i], (fin, dout), dtype=jnp.float32) / np.sqrt(fin); i += 1
        inp["b{}_1".format(l)] = jnp.zeros((dout,), dtype=jnp.float32)
        inp["W{}_2".format(l)] = jax.random.normal(ks[i], (dout, dout), dtype=jnp.float32) / np.sqrt(dout); i += 1
        inp["b{}_2".format(l)] = jnp.zeros((dout,), dtype=jnp.float32)
        inp["gamma{}".format(l)] = jnp.ones((dout,), dtype=jnp.float32)
        inp["beta{}".format(l)] = jnp.zeros((dout,), dtype=jnp.float32)
    return inp

def _gin_conv(x, edge_index, W1, b1, W2, b2):
    # PyG GINConv with eps=0: mlp(x + sum_{j in N(i)} x_j), messages src->dst
    src = edge_index[0]
    dst = edge_index[1]
    aggr = jax.ops.segment_sum(x[src], dst, num_segments=x.shape[0])
    h = x + aggr
    h = jnp.maximum(h @ W1 + b1, 0.0)
    return h @ W2 + b2

def _batch_norm(x, gamma, beta, eps=1e-5):
    mean = jnp.mean(x, axis=0)
    var = jnp.var(x, axis=0)
    return (x - mean) / jnp.sqrt(var + eps) * gamma + beta

def reference(x, edge_index, batch, W1_1, b1_1, W1_2, b1_2, gamma1, beta1, W2_1, b2_1, W2_2, b2_2, gamma2, beta2, W3_1, b3_1, W3_2, b3_2, gamma3, beta3):
    h = jnp.maximum(_gin_conv(x, edge_index, W1_1, b1_1, W1_2, b1_2), 0.0)
    h = _batch_norm(h, gamma1, beta1)
    h = jnp.maximum(_gin_conv(h, edge_index, W2_1, b2_1, W2_2, b2_2), 0.0)
    h = _batch_norm(h, gamma2, beta2)
    h = jnp.maximum(_gin_conv(h, edge_index, W3_1, b3_1, W3_2, b3_2), 0.0)
    h = _batch_norm(h, gamma3, beta3)
    out = jax.ops.segment_sum(h, batch, num_segments=G)
    return out

if __name__ == "__main__":
    import jax
    _d = setup_inputs()
    print(jax.jit(kernel)(*tuple(_d.values())))

</pallas_src>

<mosaic_0001>
#map = affine_map<(d0, d1) -> (0, 0)>
#map1 = affine_map<(d0, d1) -> (0)>
module attributes {stable_mosaic.version = 14 : i64} {
  func.func @_aggr_body(%arg0: i32, %arg1: i32, %arg2: memref<10000x128xf32, #tpu.memory_space<hbm>>, %arg3: memref<320000xi32, #tpu.memory_space<hbm>>, %arg4: memref<640x128xf32, #tpu.memory_space<hbm>>, %arg5: memref<10000x128xf32, #tpu.memory_space<hbm>>, %arg6: memref<10000x128xf32, #tpu.memory_space<hbm>>, %arg7: memref<10000xi32, #tpu.memory_space<vmem>>, %arg8: memref<3x96xi32, #tpu.memory_space<vmem>>, %arg9: memref<3x96xi32, #tpu.memory_space<vmem>>, %arg10: memref<3x96x128xf32, #tpu.memory_space<vmem>>, %arg11: memref<16xi32, #tpu.memory_space<vmem>>, %arg12: memref<16xi32, #tpu.memory_space<vmem>>, %arg13: memref<16x128xf32, #tpu.memory_space<vmem>>, %arg14: memref<10000x128xf32, #tpu.memory_space<vmem_shared>>, %arg15: memref<!tpu.dma_semaphore, #tpu.memory_space<semaphore_mem>>, %arg16: memref<!tpu.dma_semaphore, #tpu.memory_space<semaphore_mem>>, %arg17: memref<!tpu.dma_semaphore, #tpu.memory_space<semaphore_mem>>, %arg18: memref<!tpu.dma_semaphore, #tpu.memory_space<semaphore_mem>>, %arg19: memref<!tpu.dma_semaphore, #tpu.memory_space<semaphore_mem>>, %arg20: memref<!tpu.dma_semaphore, #tpu.memory_space<semaphore_mem>>, %arg21: memref<!tpu.dma_semaphore, #tpu.memory_space<semaphore_mem>>) attributes {dimension_semantics = [#tpu.dimension_semantics<core_parallel>, #tpu.dimension_semantics<subcore_parallel>], iteration_bounds = array<i64: 2, 16>, scalar_prefetch = 0 : i64, scratch_operands = 15 : i64, tpu.core_type = #tpu.core_type<sc_vector_subcore>, window_params = [{transform_indices = #map}, {transform_indices = #map1}, {transform_indices = #map}, {transform_indices = #map}, {transform_indices = #map}]} {
    %mul3A = arith.constant 2 : i32
    %mul3A_0 = arith.muli %arg1, %mul3A : i32
    %add3A = arith.addi %mul3A_0, %arg0 : i32
    %lt3A = arith.constant 15 : i32
    %lt3A_1 = arith.cmpi slt, %arg1, %lt3A : i32
    %convert_element_type3A = arith.extui %lt3A_1 : i1 to i32
    %cond3A = arith.constant 0 : i32
    %cond3A_2 = arith.cmpi ne, %convert_element_type3A, %cond3A : i32
    scf.if %cond3A_2 {
      %mul3A_977 = arith.constant 624 : i32
      %mul3A_978 = arith.muli %arg1, %mul3A_977 : i32
      %dma_start3A_979 = arith.constant 0 : i32
      %dma_start3A_980 = tpu.memref_slice %arg14[%mul3A_978, %dma_start3A_979] : memref<10000x128xf32, #tpu.memory_space<vmem_shared>> -> memref<624x128xf32, #tpu.memory_space<vmem_shared>>
      %dma_start3A_981 = arith.constant 0 : i32
      %dma_start3A_982 = arith.constant 0 : i32
      %dma_start3A_983 = tpu.memref_slice %arg4[%dma_start3A_981, %dma_start3A_982] : memref<640x128xf32, #tpu.memory_space<hbm>> -> memref<624x128xf32, #tpu.memory_space<hbm>>
      tpu.enqueue_dma source(%dma_start3A_983 : memref<624x128xf32, #tpu.memory_space<hbm>>) target(%dma_start3A_980 : memref<624x128xf32, #tpu.memory_space<vmem_shared>>) target_semaphore(%arg21 : memref<!tpu.dma_semaphore, #tpu.memory_space<semaphore_mem>>)
    } else {
    }
    %eq3A = arith.constant 15 : i32
    %eq3A_3 = arith.cmpi eq, %arg1, %eq3A : i32
    %convert_element_type3A_4 = arith.extui %eq3A_3 : i1 to i32
    %cond3A_5 = arith.constant 0 : i32
    %cond3A_6 = arith.cmpi ne, %convert_element_type3A_4, %cond3A_5 : i32
    scf.if %cond3A_6 {
      %dma_start3A_977 = arith.constant 9360 : i32
      %dma_start3A_978 = arith.constant 0 : i32
      %dma_start3A_979 = tpu.memref_slice %arg14[%dma_start3A_977, %dma_start3A_978] : memref<10000x128xf32, #tpu.memory_space<vmem_shared>> -> memref<640x128xf32, #tpu.memory_space<vmem_shared>>
      tpu.enqueue_dma source(%arg4 : memref<640x128xf32, #tpu.memory_space<hbm>>) target(%dma_start3A_979 : memref<640x128xf32, #tpu.memory_space<vmem_shared>>) target_semaphore(%arg21 : memref<!tpu.dma_semaphore, #tpu.memory_space<semaphore_mem>>)
    } else {
    }
    %mul3A_7 = arith.constant 10000 : i32
    %mul3A_8 = arith.muli %add3A, %mul3A_7 : i32
    "tpu.region"() ({
      %run_scoped3A = tpu.sem_alloc : memref<!tpu.dma_semaphore, #tpu.memory_space<semaphore_mem>>
      %dma_start3A_977 = tpu.memref_slice %arg3[%mul3A_8] : memref<320000xi32, #tpu.memory_space<hbm>> -> memref<10000xi32, #tpu.memory_space<hbm>>
      %dma_start3A_978 = tpu.memref_slice %arg3[%mul3A_8] : memref<320000xi32, #tpu.memory_space<hbm>> -> memref<10000xi32, #tpu.memory_space<hbm>>
      tpu.enqueue_dma source(%dma_start3A_978 : memref<10000xi32, #tpu.memory_space<hbm>>) target(%arg7 : memref<10000xi32, #tpu.memory_space<vmem>>) target_semaphore(%run_scoped3A : memref<!tpu.dma_semaphore, #tpu.memory_space<semaphore_mem>>)
      %dma_wait3A_979 = tpu.memref_slice %arg3[%mul3A_8] : memref<320000xi32, #tpu.memory_space<hbm>> -> memref<10000xi32, #tpu.memory_space<hbm>>
      %dma_wait3A_980 = tpu.memref_slice %arg3[%mul3A_8] : memref<320000xi32, #tpu.memory_space<hbm>> -> memref<10000xi32, #tpu.memory_space<hbm>>
      tpu.wait_dma2 semaphore(%run_scoped3A : memref<!tpu.dma_semaphore, #tpu.memory_space<semaphore_mem>>) src(%dma_wait3A_980 : memref<10000xi32, #tpu.memory_space<hbm>>) dst(%arg7 : memref<10000xi32, #tpu.memory_space<vmem>>)
      tpu.yield
    }) : () -> ()
    %get3A = arith.constant 0 : index
    %get3A_9 = tpu.vector_load %arg7[%get3A] {strides = array<i32>} : memref<10000xi32, #tpu.memory_space<vmem>>, vector<16xi32>,
    %get3A_10 = vector.shape_cast %get3A_9 : vector<16xi32> to vector<16xi32>
    %shift_right_logical3A = arith.constant 14 : i32
    %shift_right_logical3A_11 = vector.broadcast %shift_right_logical3A : i32 to vector<16xi32>
    %shift_right_logical3A_12 = arith.shrui %get3A_10, %shift_right_logical3A_11 : vector<16xi32>
    %swap3A = arith.constant 0 : i32
    %swap3A_13 = arith.index_cast %swap3A : i32 to index
    %swap3A_14 = arith.constant 0 : index
    %swap3A_15 = tpu.vector_load %arg8[%swap3A_13, %swap3A_14] {strides = array<i32>} : memref<3x96xi32, #tpu.memory_space<vmem>>, vector<1x16xi32>,
    %swap3A_16 = vector.shape_cast %swap3A_15 : vector<1x16xi32> to vector<16xi32>
    %swap3A_17 = vector.shape_cast %shift_right_logical3A_12 : vector<16xi32> to vector<1x16xi32>
    tpu.vector_store %arg8[%swap3A_13, %swap3A_14], %swap3A_17 {strides = array<i32>} : memref<3x96xi32, #tpu.memory_space<vmem>>, vector<1x16xi32>,
    %and3A = arith.constant 16383 : i32
    %and3A_18 = vector.broadcast %and3A : i32 to vector<16xi32>
    %and3A_19 = arith.andi %get3A_10, %and3A_18 : vector<16xi32>
    %swap3A_20 = arith.constant 0 : i32
    %swap3A_21 = arith.index_cast %swap3A_20 : i32 to index
    %swap3A_22 = arith.constant 0 : index
    %swap3A_23 = tpu.vector_load %arg9[%swap3A_21, %swap3A_22] {strides = array<i32>} : memref<3x96xi32, #tpu.memory_space<vmem>>, vector<1x16xi32>,
    %swap3A_24 = vector.shape_cast %swap3A_23 : vector<1x16xi32> to vector<16xi32>
    %swap3A_25 = vector.shape_cast %and3A_19 : vector<16xi32> to vector<1x16xi32>
    tpu.vector_store %arg9[%swap3A_21, %swap3A_22], %swap3A_25 {strides = array<i32>} : memref<3x96xi32, #tpu.memory_space<vmem>>, vector<1x16xi32>,
    %get3A_26 = arith.constant 16 : index
    %get3A_27 = tpu.vector_load %arg7[%get3A_26] {strides = array<i32>} : memref<10000xi32, #tpu.memory_space<vmem>>, vector<16xi32>,
    %get3A_28 = vector.shape_cast %get3A_27 : vector<16xi32> to vector<16xi32>
    %shift_right_logical3A_29 = arith.constant 14 : i32
    %shift_right_logical3A_30 = vector.broadcast %shift_right_logical3A_29 : i32 to vector<16xi32>
    %shift_right_logical3A_31 = arith.shrui %get3A_28, %shift_right_logical3A_30 : vector<16xi32>
    %swap3A_32 = arith.constant 0 : i32
    %swap3A_33 = arith.index_cast %swap3A_32 : i32 to index
    %swap3A_34 = arith.constant 16 : index
    %swap3A_35 = tpu.vector_load %arg8[%swap3A_33, %swap3A_34] {strides = array<i32>} : memref<3x96xi32, #tpu.memory_space<vmem>>, vector<1x16xi32>,
    %swap3A_36 = vector.shape_cast %swap3A_35 : vector<1x16xi32> to vector<16xi32>
    %swap3A_37 = vector.shape_cast %shift_right_logical3A_31 : vector<16xi32> to vector<1x16xi32>
    tpu.vector_store %arg8[%swap3A_33, %swap3A_34], %swap3A_37 {strides = array<i32>} : memref<3x96xi32, #tpu.memory_space<vmem>>, vector<1x16xi32>,
    %and3A_38 = arith.constant 16383 : i32
    %and3A_39 = vector.broadcast %and3A_38 : i32 to vector<16xi32>
    %and3A_40 = arith.andi %get3A_28, %and3A_39 : vector<16xi32>
    %swap3A_41 = arith.constant 0 : i32
    %swap3A_42 = arith.index_cast %swap3A_41 : i32 to index
    %swap3A_43 = arith.constant 16 : index
    %swap3A_44 = tpu.vector_load %arg9[%swap3A_42, %swap3A_43] {strides = array<i32>} : memref<3x96xi32, #tpu.memory_space<vmem>>, vector<1x16xi32>,
    %swap3A_45 = vector.shape_cast %swap3A_44 : vector<1x16xi32> to vector<16xi32>
    %swap3A_46 = vector.shape_cast %and3A_40 : vector<16xi32> to vector<1x16xi32>
    tpu.vector_store %arg9[%swap3A_42, %swap3A_43], %swap3A_46 {strides = array<i32>} : memref<3x96xi32, #tpu.memory_space<vmem>>, vector<1x16xi32>,
    %get3A_47 = arith.constant 32 : index
    %get3A_48 = tpu.vector_load %arg7[%get3A_47] {strides = array<i32>} : memref<10000xi32, #tpu.memory_space<vmem>>, vector<16xi32>,
    %get3A_49 = vector.shape_cast %get3A_48 : vector<16xi32> to vector<16xi32>
    %shift_right_logical3A_50 = arith.constant 14 : i32
    %shift_right_logical3A_51 = vector.broadcast %shift_right_logical3A_50 : i32 to vector<16xi32>
    %shift_right_logical3A_52 = arith.shrui %get3A_49, %shift_right_logical3A_51 : vector<16xi32>
    %swap3A_53 = arith.constant 0 : i32
    %swap3A_54 = arith.index_cast %swap3A_53 : i32 to index
    %swap3A_55 = arith.constant 32 : index
    %swap3A_56 = tpu.vector_load %arg8[%swap3A_54, %swap3A_55] {strides = array<i32>} : memref<3x96xi32, #tpu.memory_space<vmem>>, vector<1x16xi32>,
    %swap3A_57 = vector.shape_cast %swap3A_56 : vector<1x16xi32> to vector<16xi32>
    %swap3A_58 = vector.shape_cast %shift_right_logical3A_52 : vector<16xi32> to vector<1x16xi32>
    tpu.vector_store %arg8[%swap3A_54, %swap3A_55], %swap3A_58 {strides = array<i32>} : memref<3x96xi32, #tpu.memory_space<vmem>>, vector<1x16xi32>,
    %and3A_59 = arith.constant 16383 : i32
    %and3A_60 = vector.broadcast %and3A_59 : i32 to vector<16xi32>
    %and3A_61 = arith.andi %get3A_49, %and3A_60 : vector<16xi32>
    %swap3A_62 = arith.constant 0 : i32
    %swap3A_63 = arith.index_cast %swap3A_62 : i32 to index
    %swap3A_64 = arith.constant 32 : index
    %swap3A_65 = tpu.vector_load %arg9[%swap3A_63, %swap3A_64] {strides = array<i32>} : memref<3x96xi32, #tpu.memory_space<vmem>>, vector<1x16xi32>,
    %swap3A_66 = vector.shape_cast %swap3A_65 : vector<1x16xi32> to vector<16xi32>
    %swap3A_67 = vector.shape_cast %and3A_61 : vector<16xi32> to vector<1x16xi32>
    tpu.vector_store %arg9[%swap3A_63, %swap3A_64], %swap3A_67 {strides = array<i32>} : memref<3x96xi32, #tpu.memory_space<vmem>>, vector<1x16xi32>,
    %get3A_68 = arith.constant 48 : index
    %get3A_69 = tpu.vector_load %arg7[%get3A_68] {strides = array<i32>} : memref<10000xi32, #tpu.memory_space<vmem>>, vector<16xi32>,
    %get3A_70 = vector.shape_cast %get3A_69 : vector<16xi32> to vector<16xi32>
    %shift_right_logical3A_71 = arith.constant 14 : i32
    %shift_right_logical3A_72 = vector.broadcast %shift_right_logical3A_71 : i32 to vector<16xi32>
    %shift_right_logical3A_73 = arith.shrui %get3A_70, %shift_right_logical3A_72 : vector<16xi32>
    %swap3A_74 = arith.constant 0 : i32
    %swap3A_75 = arith.index_cast %swap3A_74 : i32 to index
    %swap3A_76 = arith.constant 48 : index
    %swap3A_77 = tpu.vector_load %arg8[%swap3A_75, %swap3A_76] {strides = array<i32>} : memref<3x96xi32, #tpu.memory_space<vmem>>, vector<1x16xi32>,
    %swap3A_78 = vector.shape_cast %swap3A_77 : vector<1x16xi32> to vector<16xi32>
    %swap3A_79 = vector.shape_cast %shift_right_logical3A_73 : vector<16xi32> to vector<1x16xi32>
    tpu.vector_store %arg8[%swap3A_75, %swap3A_76], %swap3A_79 {strides = array<i32>} : memref<3x96xi32, #tpu.memory_space<vmem>>, vector<1x16xi32>,
    %and3A_80 = arith.constant 16383 : i32
    %and3A_81 = vector.broadcast %and3A_80 : i32 to vector<16xi32>
    %and3A_82 = arith.andi %get3A_70, %and3A_81 : vector<16xi32>
    %swap3A_83 = arith.constant 0 : i32
    %swap3A_84 = arith.index_cast %swap3A_83 : i32 to index
    %swap3A_85 = arith.constant 48 : index
    %swap3A_86 = tpu.vector_load %arg9[%swap3A_84, %swap3A_85] {strides = array<i32>} : memref<3x96xi32, #tpu.memory_space<vmem>>, vector<1x16xi32>,
    %swap3A_87 = vector.shape_cast %swap3A_86 : vector<1x16xi32> to vector<16xi32>
    %swap3A_88 = vector.shape_cast %and3A_82 : vector<16xi32> to vector<1x16xi32>
    tpu.vector_store %arg9[%swap3A_84, %swap3A_85], %swap3A_88 {strides = array<i32>} : memref<3x96xi32, #tpu.memory_space<vmem>>, vector<1x16xi32>,
    %get3A_89 = arith.constant 64 : index
    %get3A_90 = tpu.vector_load %arg7[%get3A_89] {strides = array<i32>} : memref<10000xi32, #tpu.memory_space<vmem>>, vector<16xi32>,
    %get3A_91 = vector.shape_cast %get3A_90 : vector<16xi32> to vector<16xi32>
    %shift_right_logical3A_92 = arith.constant 14 : i32
    %shift_right_logical3A_93 = vector.broadcast %shift_right_logical3A_92 : i32 to vector<16xi32>
    %shift_right_logical3A_94 = arith.shrui %get3A_91, %shift_right_logical3A_93 : vector<16xi32>
    %swap3A_95 = arith.constant 0 : i32
    %swap3A_96 = arith.index_cast %swap3A_95 : i32 to index
    %swap3A_97 = arith.constant 64 : index
    %swap3A_98 = tpu.vector_load %arg8[%swap3A_96, %swap3A_97] {strides = array<i32>} : memref<3x96xi32, #tpu.memory_space<vmem>>, vector<1x16xi32>,
    %swap3A_99 = vector.shape_cast %swap3A_98 : vector<1x16xi32> to vector<16xi32>
    %swap3A_100 = vector.shape_cast %shift_right_logical3A_94 : vector<16xi32> to vector<1x16xi32>
    tpu.vector_store %arg8[%swap3A_96, %swap3A_97], %swap3A_100 {strides = array<i32>} : memref<3x96xi32, #tpu.memory_space<vmem>>, vector<1x16xi32>,
    %and3A_101 = arith.constant 16383 : i32
    %and3A_102 = vector.broadcast %and3A_101 : i32 to vector<16xi32>
    %and3A_103 = arith.andi %get3A_91, %and3A_102 : vector<16xi32>
    %swap3A_104 = arith.constant 0 : i32
    %swap3A_105 = arith.index_cast %swap3A_104 : i32 to index
    %swap3A_106 = arith.constant 64 : index
    %swap3A_107 = tpu.vector_load %arg9[%swap3A_105, %swap3A_106] {strides = array<i32>} : memref<3x96xi32, #tpu.memory_space<vmem>>, vector<1x16xi32>,
    %swap3A_108 = vector.shape_cast %swap3A_107 : vector<1x16xi32> to vector<16xi32>
    %swap3A_109 = vector.shape_cast %and3A_103 : vector<16xi32> to vector<1x16xi32>
    tpu.vector_store %arg9[%swap3A_105, %swap3A_106], %swap3A_109 {strides = array<i32>} : memref<3x96xi32, #tpu.memory_space<vmem>>, vector<1x16xi32>,
    %get3A_110 = arith.constant 80 : index
    %get3A_111 = tpu.vector_load %arg7[%get3A_110] {strides = array<i32>} : memref<10000xi32, #tpu.memory_space<vmem>>, vector<16xi32>,
    %get3A_112 = vector.shape_cast %get3A_111 : vector<16xi32> to vector<16xi32>
    %shift_right_logical3A_113 = arith.constant 14 : i32
    %shift_right_logical3A_114 = vector.broadcast %shift_right_logical3A_113 : i32 to vector<16xi32>
    %shift_right_logical3A_115 = arith.shrui %get3A_112, %shift_right_logical3A_114 : vector<16xi32>
    %swap3A_116 = arith.constant 0 : i32
    %swap3A_117 = arith.index_cast %swap3A_116 : i32 to index
    %swap3A_118 = arith.constant 80 : index
    %swap3A_119 = tpu.vector_load %arg8[%swap3A_117, %swap3A_118] {strides = array<i32>} : memref<3x96xi32, #tpu.memory_space<vmem>>, vector<1x16xi32>,
    %swap3A_120 = vector.shape_cast %swap3A_119 : vector<1x16xi32> to vector<16xi32>
    %swap3A_121 = vector.shape_cast %shift_right_logical3A_115 : vector<16xi32> to vector<1x16xi32>
    tpu.vector_store %arg8[%swap3A_117, %swap3A_118], %swap3A_121 {strides = array<i32>} : memref<3x96xi32, #tpu.memory_space<vmem>>, vector<1x16xi32>,
    %and3A_122 = arith.constant 16383 : i32
    %and3A_123 = vector.broadcast %and3A_122 : i32 to vector<16xi32>
    %and3A_124 = arith.andi %get3A_112, %and3A_123 : vector<16xi32>
    %swap3A_125 = arith.constant 0 : i32
    %swap3A_126 = arith.index_cast %swap3A_125 : i32 to index
    %swap3A_127 = arith.constant 80 : index
    %swap3A_128 = tpu.vector_load %arg9[%swap3A_126, %swap3A_127] {strides = array<i32>} : memref<3x96xi32, #tpu.memory_space<vmem>>, vector<1x16xi32>,
    %swap3A_129 = vector.shape_cast %swap3A_128 : vector<1x16xi32> to vector<16xi32>
    %swap3A_130 = vector.shape_cast %and3A_124 : vector<16xi32> to vector<1x16xi32>
    tpu.vector_store %arg9[%swap3A_126, %swap3A_127], %swap3A_130 {strides = array<i32>} : memref<3x96xi32, #tpu.memory_space<vmem>>, vector<1x16xi32>,
    %dma_start3A = arith.constant 0 : i32
    %dma_start3A_131 = arith.constant 0 : i32
    %dma_start3A_132 = arith.constant 0 : i32
    %dma_start3A_133 = arith.constant 0 : i32
    %dma_start3A_134 = tpu.memref_slice %arg10[%dma_start3A_131, %dma_start3A_132, %dma_start3A_133] : memref<3x96x128xf32, #tpu.memory_space<vmem>> -> memref<1x96x128xf32, #tpu.memory_space<vmem>>
    %dma_start3A_135 = tpu.memref_squeeze %dma_start3A_134 : memref<1x96x128xf32, #tpu.memory_space<vmem>> -> memref<96x128xf32, #tpu.memory_space<vmem>>
    %dma_start3A_136 = arith.constant 0 : i32
    %dma_start3A_137 = tpu.memref_slice %arg8[%dma_start3A, %dma_start3A_136] : memref<3x96xi32, #tpu.memory_space<vmem>> -> memref<1x96xi32, #tpu.memory_space<vmem>>
    %dma_start3A_138 = tpu.memref_squeeze %dma_start3A_137 : memref<1x96xi32, #tpu.memory_space<vmem>> -> memref<96xi32, #tpu.memory_space<vmem>>
    %dma_start3A_139 = arith.constant 0 : i32
    %dma_start3A_140 = arith.constant 0 : i32
    %dma_start3A_141 = tpu.memref_slice %arg2[%dma_start3A_139, %dma_start3A_140] : memref<10000x128xf32, #tpu.memory_space<hbm>> -> memref<10000x128xf32, #tpu.memory_space<hbm>>
    tpu.enqueue_indirect_dma source(%dma_start3A_141 : memref<10000x128xf32, #tpu.memory_space<hbm>>) target(%dma_start3A_135 : memref<96x128xf32, #tpu.memory_space<vmem>>) offsets(%dma_start3A_138 : memref<96xi32, #tpu.memory_space<vmem>>) semaphore(%arg15 : memref<!tpu.dma_semaphore, #tpu.memory_space<semaphore_mem>>)
    %get3A_142 = arith.constant 96 : index
    %get3A_143 = tpu.vector_load %arg7[%get3A_142] {strides = array<i32>} : memref<10000xi32, #tpu.memory_space<vmem>>, vector<16xi32>,
    %get3A_144 = vector.shape_cast %get3A_143 : vector<16xi32> to vector<16xi32>
    %shift_right_logical3A_145 = arith.constant 14 : i32
    %shift_right_logical3A_146 = vector.broadcast %shift_right_logical3A_145 : i32 to vector<16xi32>
    %shift_right_logical3A_147 = arith.shrui %get3A_144, %shift_right_logical3A_146 : vector<16xi32>
    %swap3A_148 = arith.constant 1 : i32
    %swap3A_149 = arith.index_cast %swap3A_148 : i32 to index
    %swap3A_150 = arith.constant 0 : index
    %swap3A_151 = tpu.vector_load %arg8[%swap3A_149, %swap3A_150] {strides = array<i32>} : memref<3x96xi32, #tpu.memory_space<vmem>>, vector<1x16xi32>,
    %swap3A_152 = vector.shape_cast %swap3A_151 : vector<1x16xi32> to vector<16xi32>
    %swap3A_153 = vector.shape_cast %shift_right_logical3A_147 : vector<16xi32> to vector<1x16xi32>
    tpu.vector_store %arg8[%swap3A_149, %swap3A_150], %swap3A_153 {strides = array<i32>} : memref<3x96xi32, #tpu.memory_space<vmem>>, vector<1x16xi32>,
    %and3A_154 = arith.constant 16383 : i32
    %and3A_155 = vector.broadcast %and3A_154 : i32 to vector<16xi32>
    %and3A_156 = arith.andi %get3A_144, %and3A_155 : vector<16xi32>
    %swap3A_157 = arith.constant 1 : i32
    %swap3A_158 = arith.index_cast %swap3A_157 : i32 to index
    %swap3A_159 = arith.constant 0 : index
    %swap3A_160 = tpu.vector_load %arg9[%swap3A_158, %swap3A_159] {strides = array<i32>} : memref<3x96xi32, #tpu.memory_space<vmem>>, vector<1x16xi32>,
    %swap3A_161 = vector.shape_cast %swap3A_160 : vector<1x16xi32> to vector<16xi32>
    %swap3A_162 = vector.shape_cast %and3A_156 : vector<16xi32> to vector<1x16xi32>
    tpu.vector_store %arg9[%swap3A_158, %swap3A_159], %swap3A_162 {strides = array<i32>} : memref<3x96xi32, #tpu.memory_space<vmem>>, vector<1x16xi32>,
    %get3A_163 = arith.constant 112 : index
    %get3A_164 = tpu.vector_load %arg7[%get3A_163] {strides = array<i32>} : memref<10000xi32, #tpu.memory_space<vmem>>, vector<16xi32>,
    %get3A_165 = vector.shape_cast %get3A_164 : vector<16xi32> to vector<16xi32>
    %shift_right_logical3A_166 = arith.constant 14 : i32
    %shift_right_logical3A_167 = vector.broadcast %shift_right_logical3A_166 : i32 to vector<16xi32>
    %shift_right_logical3A_168 = arith.shrui %get3A_165, %shift_right_logical3A_167 : vector<16xi32>
    %swap3A_169 = arith.constant 1 : i32
    %swap3A_170 = arith.index_cast %swap3A_169 : i32 to index
    %swap3A_171 = arith.constant 16 : index
    %swap3A_172 = tpu.vector_load %arg8[%swap3A_170, %swap3A_171] {strides = array<i32>} : memref<3x96xi32, #tpu.memory_space<vmem>>, vector<1x16xi32>,
    %swap3A_173 = vector.shape_cast %swap3A_172 : vector<1x16xi32> to vector<16xi32>
    %swap3A_174 = vector.shape_cast %shift_right_logical3A_168 : vector<16xi32> to vector<1x16xi32>
    tpu.vector_store %arg8[%swap3A_170, %swap3A_171], %swap3A_174 {strides = array<i32>} : memref<3x96xi32, #tpu.memory_space<vmem>>, vector<1x16xi32>,
    %and3A_175 = arith.constant 16383 : i32
    %and3A_176 = vector.broadcast %and3A_175 : i32 to vector<16xi32>
    %and3A_177 = arith.andi %get3A_165, %and3A_176 : vector<16xi32>
    %swap3A_178 = arith.constant 1 : i32
    %swap3A_179 = arith.index_cast %swap3A_178 : i32 to index
    %swap3A_180 = arith.constant 16 : index
    %swap3A_181 = tpu.vector_load %arg9[%swap3A_179, %swap3A_180] {strides = array<i32>} : memref<3x96xi32, #tpu.memory_space<vmem>>, vector<1x16xi32>,
    %swap3A_182 = vector.shape_cast %swap3A_181 : vector<1x16xi32> to vector<16xi32>
    %swap3A_183 = vector.shape_cast %and3A_177 : vector<16xi32> to vector<1x16xi32>
    tpu.vector_store %arg9[%swap3A_179, %swap3A_180], %swap3A_183 {strides = array<i32>} : memref<3x96xi32, #tpu.memory_space<vmem>>, vector<1x16xi32>,
    %get3A_184 = arith.constant 128 : index
    %get3A_185 = tpu.vector_load %arg7[%get3A_184] {strides = array<i32>} : memref<10000xi32, #tpu.memory_space<vmem>>, vector<16xi32>,
    %get3A_186 = vector.shape_cast %get3A_185 : vector<16xi32> to vector<16xi32>
    %shift_right_logical3A_187 = arith.constant 14 : i32
    %shift_right_logical3A_188 = vector.broadcast %shift_right_logical3A_187 : i32 to vector<16xi32>
    %shift_right_logical3A_189 = arith.shrui %get3A_186, %shift_right_logical3A_188 : vector<16xi32>
    %swap3A_190 = arith.constant 1 : i32
    %swap3A_191 = arith.index_cast %swap3A_190 : i32 to index
    %swap3A_192 = arith.constant 32 : index
    %swap3A_193 = tpu.vector_load %arg8[%swap3A_191, %swap3A_192] {strides = array<i32>} : memref<3x96xi32, #tpu.memory_space<vmem>>, vector<1x16xi32>,
    %swap3A_194 = vector.shape_cast %swap3A_193 : vector<1x16xi32> to vector<16xi32>
    %swap3A_195 = vector.shape_cast %shift_right_logical3A_189 : vector<16xi32> to vector<1x16xi32>
    tpu.vector_store %arg8[%swap3A_191, %swap3A_192], %swap3A_195 {strides = array<i32>} : memref<3x96xi32, #tpu.memory_space<vmem>>, vector<1x16xi32>,
    %and3A_196 = arith.constant 16383 : i32
    %and3A_197 = vector.broadcast %and3A_196 : i32 to vector<16xi32>
    %and3A_198 = arith.andi %get3A_186, %and3A_197 : vector<16xi32>
    %swap3A_199 = arith.constant 1 : i32
    %swap3A_200 = arith.index_cast %swap3A_199 : i32 to index
    %swap3A_201 = arith.constant 32 : index
    %swap3A_202 = tpu.vector_load %arg9[%swap3A_200, %swap3A_201] {strides = array<i32>} : memref<3x96xi32, #tpu.memory_space<vmem>>, vector<1x16xi32>,
    %swap3A_203 = vector.shape_cast %swap3A_202 : vector<1x16xi32> to vector<16xi32>
    %swap3A_204 = vector.shape_cast %and3A_198 : vector<16xi32> to vector<1x16xi32>
    tpu.vector_store %arg9[%swap3A_200, %swap3A_201], %swap3A_204 {strides = array<i32>} : memref<3x96xi32, #tpu.memory_space<vmem>>, vector<1x16xi32>,
    %get3A_205 = arith.constant 144 : index
    %get3A_206 = tpu.vector_load %arg7[%get3A_205] {strides = array<i32>} : memref<10000xi32, #tpu.memory_space<vmem>>, vector<16xi32>,
    %get3A_207 = vector.shape_cast %get3A_206 : vector<16xi32> to vector<16xi32>
    %shift_right_logical3A_208 = arith.constant 14 : i32
    %shift_right_logical3A_209 = vector.broadcast %shift_right_logical3A_208 : i32 to vector<16xi32>
    %shift_right_logical3A_210 = arith.shrui %get3A_207, %shift_right_logical3A_209 : vector<16xi32>
    %swap3A_211 = arith.constant 1 : i32
    %swap3A_212 = arith.index_cast %swap3A_211 : i32 to index
    %swap3A_213 = arith.constant 48 : index
    %swap3A_214 = tpu.vector_load %arg8[%swap3A_212, %swap3A_213] {strides = array<i32>} : memref<3x96xi32, #tpu.memory_space<vmem>>, vector<1x16xi32>,
    %swap3A_215 = vector.shape_cast %swap3A_214 : vector<1x16xi32> to vector<16xi32>
    %swap3A_216 = vector.shape_cast %shift_right_logical3A_210 : vector<16xi32> to vector<1x16xi32>
    tpu.vector_store %arg8[%swap3A_212, %swap3A_213], %swap3A_216 {strides = array<i32>} : memref<3x96xi32, #tpu.memory_space<vmem>>, vector<1x16xi32>,
    %and3A_217 = arith.constant 16383 : i32
    %and3A_218 = vector.broadcast %and3A_217 : i32 to vector<16xi32>
    %and3A_219 = arith.andi %get3A_207, %and3A_218 : vector<16xi32>
    %swap3A_220 = arith.constant 1 : i32
    %swap3A_221 = arith.index_cast %swap3A_220 : i32 to index
    %swap3A_222 = arith.constant 48 : index
    %swap3A_223 = tpu.vector_load %arg9[%swap3A_221, %swap3A_222] {strides = array<i32>} : memref<3x96xi32, #tpu.memory_space<vmem>>, vector<1x16xi32>,
    %swap3A_224 = vector.shape_cast %swap3A_223 : vector<1x16xi32> to vector<16xi32>
    %swap3A_225 = vector.shape_cast %and3A_219 : vector<16xi32> to vector<1x16xi32>
    tpu.vector_store %arg9[%swap3A_221, %swap3A_222], %swap3A_225 {strides = array<i32>} : memref<3x96xi32, #tpu.memory_space<vmem>>, vector<1x16xi32>,
    %get3A_226 = arith.constant 160 : index
    %get3A_227 = tpu.vector_load %arg7[%get3A_226] {strides = array<i32>} : memref<10000xi32, #tpu.memory_space<vmem>>, vector<16xi32>,
    %get3A_228 = vector.shape_cast %get3A_227 : vector<16xi32> to vector<16xi32>
    %shift_right_logical3A_229 = arith.constant 14 : i32
    %shift_right_logical3A_230 = vector.broadcast %shift_right_logical3A_229 : i32 to vector<16xi32>
    %shift_right_logical3A_231 = arith.shrui %get3A_228, %shift_right_logical3A_230 : vector<16xi32>
    %swap3A_232 = arith.constant 1 : i32
    %swap3A_233 = arith.index_cast %swap3A_232 : i32 to index
    %swap3A_234 = arith.constant 64 : index
    %swap3A_235 = tpu.vector_load %arg8[%swap3A_233, %swap3A_234] {strides = array<i32>} : memref<3x96xi32, #tpu.memory_space<vmem>>, vector<1x16xi32>,
    %swap3A_236 = vector.shape_cast %swap3A_235 : vector<1x16xi32> to vector<16xi32>
    %swap3A_237 = vector.shape_cast %shift_right_logical3A_231 : vector<16xi32> to vector<1x16xi32>
    tpu.vector_store %arg8[%swap3A_233, %swap3A_234], %swap3A_237 {strides = array<i32>} : memref<3x96xi32, #tpu.memory_space<vmem>>, vector<1x16xi32>,
    %and3A_238 = arith.constant 16383 : i32
    %and3A_239 = vector.broadcast %and3A_238 : i32 to vector<16xi32>
    %and3A_240 = arith.andi %get3A_228, %and3A_239 : vector<16xi32>
    %swap3A_241 = arith.constant 1 : i32
    %swap3A_242 = arith.index_cast %swap3A_241 : i32 to index
    %swap3A_243 = arith.constant 64 : index
    %swap3A_244 = tpu.vector_load %arg9[%swap3A_242, %swap3A_243] {strides = array<i32>} : memref<3x96xi32, #tpu.memory_space<vmem>>, vector<1x16xi32>,
    %swap3A_245 = vector.shape_cast %swap3A_244 : vector<1x16xi32> to vector<16xi32>
    %swap3A_246 = vector.shape_cast %and3A_240 : vector<16xi32> to vector<1x16xi32>
    tpu.vector_store %arg9[%swap3A_242, %swap3A_243], %swap3A_246 {strides = array<i32>} : memref<3x96xi32, #tpu.memory_space<vmem>>, vector<1x16xi32>,
    %get3A_247 = arith.constant 176 : index
    %get3A_248 = tpu.vector_load %arg7[%get3A_247] {strides = array<i32>} : memref<10000xi32, #tpu.memory_space<vmem>>, vector<16xi32>,
    %get3A_249 = vector.shape_cast %get3A_248 : vector<16xi32> to vector<16xi32>
    %shift_right_logical3A_250 = arith.constant 14 : i32
    %shift_right_logical3A_251 = vector.broadcast %shift_right_logical3A_250 : i32 to vector<16xi32>
    %shift_right_logical3A_252 = arith.shrui %get3A_249, %shift_right_logical3A_251 : vector<16xi32>
    %swap3A_253 = arith.constant 1 : i32
    %swap3A_254 = arith.index_cast %swap3A_253 : i32 to index
    %swap3A_255 = arith.constant 80 : index
    %swap3A_256 = tpu.vector_load %arg8[%swap3A_254, %swap3A_255] {strides = array<i32>} : memref<3x96xi32, #tpu.memory_space<vmem>>, vector<1x16xi32>,
    %swap3A_257 = vector.shape_cast %swap3A_256 : vector<1x16xi32> to vector<16xi32>
    %swap3A_258 = vector.shape_cast %shift_right_logical3A_252 : vector<16xi32> to vector<1x16xi32>
    tpu.vector_store %arg8[%swap3A_254, %swap3A_255], %swap3A_258 {strides = array<i32>} : memref<3x96xi32, #tpu.memory_space<vmem>>, vector<1x16xi32>,
    %and3A_259 = arith.constant 16383 : i32
    %and3A_260 = vector.broadcast %and3A_259 : i32 to vector<16xi32>
    %and3A_261 = arith.andi %get3A_249, %and3A_260 : vector<16xi32>
    %swap3A_262 = arith.constant 1 : i32
    %swap3A_263 = arith.index_cast %swap3A_262 : i32 to index
    %swap3A_264 = arith.constant 80 : index
    %swap3A_265 = tpu.vector_load %arg9[%swap3A_263, %swap3A_264] {strides = array<i32>} : memref<3x96xi32, #tpu.memory_space<vmem>>, vector<1x16xi32>,
    %swap3A_266 = vector.shape_cast %swap3A_265 : vector<1x16xi32> to vector<16xi32>
    %swap3A_267 = vector.shape_cast %and3A_261 : vector<16xi32> to vector<1x16xi32>
    tpu.vector_store %arg9[%swap3A_263, %swap3A_264], %swap3A_267 {strides = array<i32>} : memref<3x96xi32, #tpu.memory_space<vmem>>, vector<1x16xi32>,
    %dma_start3A_268 = arith.constant 1 : i32
    %dma_start3A_269 = arith.constant 1 : i32
    %dma_start3A_270 = arith.constant 0 : i32
    %dma_start3A_271 = arith.constant 0 : i32
    %dma_start3A_272 = tpu.memref_slice %arg10[%dma_start3A_269, %dma_start3A_270, %dma_start3A_271] : memref<3x96x128xf32, #tpu.memory_space<vmem>> -> memref<1x96x128xf32, #tpu.memory_space<vmem>>
    %dma_start3A_273 = tpu.memref_squeeze %dma_start3A_272 : memref<1x96x128xf32, #tpu.memory_space<vmem>> -> memref<96x128xf32, #tpu.memory_space<vmem>>
    %dma_start3A_274 = arith.constant 0 : i32
    %dma_start3A_275 = tpu.memref_slice %arg8[%dma_start3A_268, %dma_start3A_274] : memref<3x96xi32, #tpu.memory_space<vmem>> -> memref<1x96xi32, #tpu.memory_space<vmem>>
    %dma_start3A_276 = tpu.memref_squeeze %dma_start3A_275 : memref<1x96xi32, #tpu.memory_space<vmem>> -> memref<96xi32, #tpu.memory_space<vmem>>
    %dma_start3A_277 = arith.constant 0 : i32
    %dma_start3A_278 = arith.constant 0 : i32
    %dma_start3A_279 = tpu.memref_slice %arg2[%dma_start3A_277, %dma_start3A_278] : memref<10000x128xf32, #tpu.memory_space<hbm>> -> memref<10000x128xf32, #tpu.memory_space<hbm>>
    tpu.enqueue_indirect_dma source(%dma_start3A_279 : memref<10000x128xf32, #tpu.memory_space<hbm>>) target(%dma_start3A_273 : memref<96x128xf32, #tpu.memory_space<vmem>>) offsets(%dma_start3A_276 : memref<96xi32, #tpu.memory_space<vmem>>) semaphore(%arg16 : memref<!tpu.dma_semaphore, #tpu.memory_space<semaphore_mem>>)
    %lt3A_280 = arith.constant 15 : i32
    %lt3A_281 = arith.cmpi slt, %arg1, %lt3A_280 : i32
    %convert_element_type3A_282 = arith.extui %lt3A_281 : i1 to i32
    %cond3A_283 = arith.constant 0 : i32
    %cond3A_284 = arith.cmpi ne, %convert_element_type3A_282, %cond3A_283 : i32
    scf.if %cond3A_284 {
      %dma_wait3A_977 = arith.constant 0 : i32
      %dma_wait3A_978 = arith.constant 0 : i32
      %dma_wait3A_979 = tpu.memref_slice %arg14[%dma_wait3A_977, %dma_wait3A_978] : memref<10000x128xf32, #tpu.memory_space<vmem_shared>> -> memref<624x128xf32, #tpu.memory_space<vmem_shared>>
      %dma_wait3A_980 = arith.constant 0 : i32
      %dma_wait3A_981 = arith.constant 0 : i32
      %dma_wait3A_982 = tpu.memref_slice %arg4[%dma_wait3A_980, %dma_wait3A_981] : memref<640x128xf32, #tpu.memory_space<hbm>> -> memref<624x128xf32, #tpu.memory_space<hbm>>
      tpu.wait_dma2 semaphore(%arg21 : memref<!tpu.dma_semaphore, #tpu.memory_space<semaphore_mem>>) src(%dma_wait3A_982 : memref<624x128xf32, #tpu.memory_space<hbm>>) dst(%dma_wait3A_979 : memref<624x128xf32, #tpu.memory_space<vmem_shared>>)
    } else {
    }
    %eq3A_285 = arith.constant 15 : i32
    %eq3A_286 = arith.cmpi eq, %arg1, %eq3A_285 : i32
    %convert_element_type3A_287 = arith.extui %eq3A_286 : i1 to i32
    %cond3A_288 = arith.constant 0 : i32
    %cond3A_289 = arith.cmpi ne, %convert_element_type3A_287, %cond3A_288 : i32
    scf.if %cond3A_289 {
      %dma_wait3A_977 = arith.constant 0 : i32
      %dma_wait3A_978 = arith.constant 0 : i32
      %dma_wait3A_979 = tpu.memref_slice %arg14[%dma_wait3A_977, %dma_wait3A_978] : memref<10000x128xf32, #tpu.memory_space<vmem_shared>> -> memref<640x128xf32, #tpu.memory_space<vmem_shared>>
      tpu.wait_dma2 semaphore(%arg21 : memref<!tpu.dma_semaphore, #tpu.memory_space<semaphore_mem>>) src(%arg4 : memref<640x128xf32, #tpu.memory_space<hbm>>) dst(%dma_wait3A_979 : memref<640x128xf32, #tpu.memory_space<vmem_shared>>)
    } else {
    }
    %barrier3A = arith.constant 0 : index
    tpu.barrier barrier_id(%barrier3A)
    %dma_wait3A = arith.constant 0 : i32
    %dma_wait3A_290 = arith.constant 0 : i32
    %dma_wait3A_291 = arith.constant 0 : i32
    %dma_wait3A_292 = tpu.memref_slice %arg10[%dma_wait3A, %dma_wait3A_290, %dma_wait3A_291] : memref<3x96x128xf32, #tpu.memory_space<vmem>> -> memref<1x96x128xf32, #tpu.memory_space<vmem>>
    %dma_wait3A_293 = tpu.memref_squeeze %dma_wait3A_292 : memref<1x96x128xf32, #tpu.memory_space<vmem>> -> memref<96x128xf32, #tpu.memory_space<vmem>>
    %dma_wait3A_294 = arith.constant 0 : i32
    %dma_wait3A_295 = arith.constant 0 : i32
    %dma_wait3A_296 = tpu.memref_slice %arg2[%dma_wait3A_294, %dma_wait3A_295] : memref<10000x128xf32, #tpu.memory_space<hbm>> -> memref<96x128xf32, #tpu.memory_space<hbm>>
    %dma_wait3A_297 = arith.constant 0 : i32
    %dma_wait3A_298 = arith.constant 0 : i32
    %dma_wait3A_299 = tpu.memref_slice %arg10[%dma_wait3A, %dma_wait3A_297, %dma_wait3A_298] : memref<3x96x128xf32, #tpu.memory_space<vmem>> -> memref<1x96x128xf32, #tpu.memory_space<vmem>>
    %dma_wait3A_300 = tpu.memref_squeeze %dma_wait3A_299 : memref<1x96x128xf32, #tpu.memory_space<vmem>> -> memref<96x128xf32, #tpu.memory_space<vmem>>
    %dma_wait3A_301 = arith.constant 0 : i32
    %dma_wait3A_302 = arith.constant 0 : i32
    %dma_wait3A_303 = tpu.memref_slice %arg2[%dma_wait3A_301, %dma_wait3A_302] : memref<10000x128xf32, #tpu.memory_space<hbm>> -> memref<96x128xf32, #tpu.memory_space<hbm>>
    tpu.wait_dma2 semaphore(%arg15 : memref<!tpu.dma_semaphore, #tpu.memory_space<semaphore_mem>>) src(%dma_wait3A_303 : memref<96x128xf32, #tpu.memory_space<hbm>>) dst(%dma_wait3A_300 : memref<96x128xf32, #tpu.memory_space<vmem>>)
    %dma_start3A_304 = arith.constant 0 : i32
    %dma_start3A_305 = arith.constant 0 : i32
    %dma_start3A_306 = arith.constant 0 : i32
    %dma_start3A_307 = arith.constant 0 : i32
    %dma_start3A_308 = tpu.memref_slice %arg10[%dma_start3A_304, %dma_start3A_306, %dma_start3A_307] : memref<3x96x128xf32, #tpu.memory_space<vmem>> -> memref<1x96x128xf32, #tpu.memory_space<vmem>>
    %dma_start3A_309 = tpu.memref_squeeze %dma_start3A_308 : memref<1x96x128xf32, #tpu.memory_space<vmem>> -> memref<96x128xf32, #tpu.memory_space<vmem>>
    %dma_start3A_310 = arith.constant 0 : i32
    %dma_start3A_311 = tpu.memref_slice %arg9[%dma_start3A_305, %dma_start3A_310] : memref<3x96xi32, #tpu.memory_space<vmem>> -> memref<1x96xi32, #tpu.memory_space<vmem>>
    %dma_start3A_312 = tpu.memref_squeeze %dma_start3A_311 : memref<1x96xi32, #tpu.memory_space<vmem>> -> memref<96xi32, #tpu.memory_space<vmem>>
    %dma_start3A_313 = arith.constant 0 : i32
    %dma_start3A_314 = arith.constant 0 : i32
    %dma_start3A_315 = tpu.memref_slice %arg14[%dma_start3A_313, %dma_start3A_314] : memref<10000x128xf32, #tpu.memory_space<vmem_shared>> -> memref<10000x128xf32, #tpu.memory_space<vmem_shared>>
    tpu.enqueue_indirect_dma source(%dma_start3A_309 : memref<96x128xf32, #tpu.memory_space<vmem>>) target(%dma_start3A_315 : memref<10000x128xf32, #tpu.memory_space<vmem_shared>>) offsets(%dma_start3A_312 : memref<96xi32, #tpu.memory_space<vmem>>) semaphore(%arg18 : memref<!tpu.dma_semaphore, #tpu.memory_space<semaphore_mem>>) {add = true}
    %get3A_316 = arith.constant 192 : index
    %get3A_317 = tpu.vector_load %arg7[%get3A_316] {strides = array<i32>} : memref<10000xi32, #tpu.memory_space<vmem>>, vector<16xi32>,
    %get3A_318 = vector.shape_cast %get3A_317 : vector<16xi32> to vector<16xi32>
    %shift_right_logical3A_319 = arith.constant 14 : i32
    %shift_right_logical3A_320 = vector.broadcast %shift_right_logical3A_319 : i32 to vector<16xi32>
    %shift_right_logical3A_321 = arith.shrui %get3A_318, %shift_right_logical3A_320 : vector<16xi32>
    %swap3A_322 = arith.constant 2 : i32
    %swap3A_323 = arith.index_cast %swap3A_322 : i32 to index
    %swap3A_324 = arith.constant 0 : index
    %swap3A_325 = tpu.vector_load %arg8[%swap3A_323, %swap3A_324] {strides = array<i32>} : memref<3x96xi32, #tpu.memory_space<vmem>>, vector<1x16xi32>,
    %swap3A_326 = vector.shape_cast %swap3A_325 : vector<1x16xi32> to vector<16xi32>
    %swap3A_327 = vector.shape_cast %shift_right_logical3A_321 : vector<16xi32> to vector<1x16xi32>
    tpu.vector_store %arg8[%swap3A_323, %swap3A_324], %swap3A_327 {strides = array<i32>} : memref<3x96xi32, #tpu.memory_space<vmem>>, vector<1x16xi32>,
    %and3A_328 = arith.constant 16383 : i32
    %and3A_329 = vector.broadcast %and3A_328 : i32 to vector<16xi32>
    %and3A_330 = arith.andi %get3A_318, %and3A_329 : vector<16xi32>
    %swap3A_331 = arith.constant 2 : i32
    %swap3A_332 = arith.index_cast %swap3A_331 : i32 to index
    %swap3A_333 = arith.constant 0 : index
    %swap3A_334 = tpu.vector_load %arg9[%swap3A_332, %swap3A_333] {strides = array<i32>} : memref<3x96xi32, #tpu.memory_space<vmem>>, vector<1x16xi32>,
    %swap3A_335 = vector.shape_cast %swap3A_334 : vector<1x16xi32> to vector<16xi32>
    %swap3A_336 = vector.shape_cast %and3A_330 : vector<16xi32> to vector<1x16xi32>
    tpu.vector_store %arg9[%swap3A_332, %swap3A_333], %swap3A_336 {strides = array<i32>} : memref<3x96xi32, #tpu.memory_space<vmem>>, vector<1x16xi32>,
    %get3A_337 = arith.constant 208 : index
    %get3A_338 = tpu.vector_load %arg7[%get3A_337] {strides = array<i32>} : memref<10000xi32, #tpu.memory_space<vmem>>, vector<16xi32>,
    %get3A_339 = vector.shape_cast %get3A_338 : vector<16xi32> to vector<16xi32>
    %shift_right_logical3A_340 = arith.constant 14 : i32
    %shift_right_logical3A_341 = vector.broadcast %shift_right_logical3A_340 : i32 to vector<16xi32>
    %shift_right_logical3A_342 = arith.shrui %get3A_339, %shift_right_logical3A_341 : vector<16xi32>
    %swap3A_343 = arith.constant 2 : i32
    %swap3A_344 = arith.index_cast %swap3A_343 : i32 to index
    %swap3A_345 = arith.constant 16 : index
    %swap3A_346 = tpu.vector_load %arg8[%swap3A_344, %swap3A_345] {strides = array<i32>} : memref<3x96xi32, #tpu.memory_space<vmem>>, vector<1x16xi32>,
    %swap3A_347 = vector.shape_cast %swap3A_346 : vector<1x16xi32> to vector<16xi32>
    %swap3A_348 = vector.shape_cast %shift_right_logical3A_342 : vector<16xi32> to vector<1x16xi32>
    tpu.vector_store %arg8[%swap3A_344, %swap3A_345], %swap3A_348 {strides = array<i32>} : memref<3x96xi32, #tpu.memory_space<vmem>>, vector<1x16xi32>,
    %and3A_349 = arith.constant 16383 : i32
    %and3A_350 = vector.broadcast %and3A_349 : i32 to vector<16xi32>
    %and3A_351 = arith.andi %get3A_339, %and3A_350 : vector<16xi32>
    %swap3A_352 = arith.constant 2 : i32
    %swap3A_353 = arith.index_cast %swap3A_352 : i32 to index
    %swap3A_354 = arith.constant 16 : index
    %swap3A_355 = tpu.vector_load %arg9[%swap3A_353, %swap3A_354] {strides = array<i32>} : memref<3x96xi32, #tpu.memory_space<vmem>>, vector<1x16xi32>,
    %swap3A_356 = vector.shape_cast %swap3A_355 : vector<1x16xi32> to vector<16xi32>
    %swap3A_357 = vector.shape_cast %and3A_351 : vector<16xi32> to vector<1x16xi32>
    tpu.vector_store %arg9[%swap3A_353, %swap3A_354], %swap3A_357 {strides = array<i32>} : memref<3x96xi32, #tpu.memory_space<vmem>>, vector<1x16xi32>,
    %get3A_358 = arith.constant 224 : index
    %get3A_359 = tpu.vector_load %arg7[%get3A_358] {strides = array<i32>} : memref<10000xi32, #tpu.memory_space<vmem>>, vector<16xi32>,
    %get3A_360 = vector.shape_cast %get3A_359 : vector<16xi32> to vector<16xi32>
    %shift_right_logical3A_361 = arith.constant 14 : i32
    %shift_right_logical3A_362 = vector.broadcast %shift_right_logical3A_361 : i32 to vector<16xi32>
    %shift_right_logical3A_363 = arith.shrui %get3A_360, %shift_right_logical3A_362 : vector<16xi32>
    %swap3A_364 = arith.constant 2 : i32
    %swap3A_365 = arith.index_cast %swap3A_364 : i32 to index
    %swap3A_366 = arith.constant 32 : index
    %swap3A_367 = tpu.vector_load %arg8[%swap3A_365, %swap3A_366] {strides = array<i32>} : memref<3x96xi32, #tpu.memory_space<vmem>>, vector<1x16xi32>,
    %swap3A_368 = vector.shape_cast %swap3A_367 : vector<1x16xi32> to vector<16xi32>
    %swap3A_369 = vector.shape_cast %shift_right_logical3A_363 : vector<16xi32> to vector<1x16xi32>
    tpu.vector_store %arg8[%swap3A_365, %swap3A_366], %swap3A_369 {strides = array<i32>} : memref<3x96xi32, #tpu.memory_space<vmem>>, vector<1x16xi32>,
    %and3A_370 = arith.constant 16383 : i32
    %and3A_371 = vector.broadcast %and3A_370 : i32 to vector<16xi32>
    %and3A_372 = arith.andi %get3A_360, %and3A_371 : vector<16xi32>
    %swap3A_373 = arith.constant 2 : i32
    %swap3A_374 = arith.index_cast %swap3A_373 : i32 to index
    %swap3A_375 = arith.constant 32 : index
    %swap3A_376 = tpu.vector_load %arg9[%swap3A_374, %swap3A_375] {strides = array<i32>} : memref<3x96xi32, #tpu.memory_space<vmem>>, vector<1x16xi32>,
    %swap3A_377 = vector.shape_cast %swap3A_376 : vector<1x16xi32> to vector<16xi32>
    %swap3A_378 = vector.shape_cast %and3A_372 : vector<16xi32> to vector<1x16xi32>
    tpu.vector_store %arg9[%swap3A_374, %swap3A_375], %swap3A_378 {strides = array<i32>} : memref<3x96xi32, #tpu.memory_space<vmem>>, vector<1x16xi32>,
    %get3A_379 = arith.constant 240 : index
    %get3A_380 = tpu.vector_load %arg7[%get3A_379] {strides = array<i32>} : memref<10000xi32, #tpu.memory_space<vmem>>, vector<16xi32>,
    %get3A_381 = vector.shape_cast %get3A_380 : vector<16xi32> to vector<16xi32>
    %shift_right_logical3A_382 = arith.constant 14 : i32
    %shift_right_logical3A_383 = vector.broadcast %shift_right_logical3A_382 : i32 to vector<16xi32>
    %shift_right_logical3A_384 = arith.shrui %get3A_381, %shift_right_logical3A_383 : vector<16xi32>
    %swap3A_385 = arith.constant 2 : i32
    %swap3A_386 = arith.index_cast %swap3A_385 : i32 to index
    %swap3A_387 = arith.constant 48 : index
    %swap3A_388 = tpu.vector_load %arg8[%swap3A_386, %swap3A_387] {strides = array<i32>} : memref<3x96xi32, #tpu.memory_space<vmem>>, vector<1x16xi32>,
    %swap3A_389 = vector.shape_cast %swap3A_388 : vector<1x16xi32> to vector<16xi32>
    %swap3A_390 = vector.shape_cast %shift_right_logical3A_384 : vector<16xi32> to vector<1x16xi32>
    tpu.vector_store %arg8[%swap3A_386, %swap3A_387], %swap3A_390 {strides = array<i32>} : memref<3x96xi32, #tpu.memory_space<vmem>>, vector<1x16xi32>,
    %and3A_391 = arith.constant 16383 : i32
    %and3A_392 = vector.broadcast %and3A_391 : i32 to vector<16xi32>
    %and3A_393 = arith.andi %get3A_381, %and3A_392 : vector<16xi32>
    %swap3A_394 = arith.constant 2 : i32
    %swap3A_395 = arith.index_cast %swap3A_394 : i32 to index
    %swap3A_396 = arith.constant 48 : index
    %swap3A_397 = tpu.vector_load %arg9[%swap3A_395, %swap3A_396] {strides = array<i32>} : memref<3x96xi32, #tpu.memory_space<vmem>>, vector<1x16xi32>,
    %swap3A_398 = vector.shape_cast %swap3A_397 : vector<1x16xi32> to vector<16xi32>
    %swap3A_399 = vector.shape_cast %and3A_393 : vector<16xi32> to vector<1x16xi32>
    tpu.vector_store %arg9[%swap3A_395, %swap3A_396], %swap3A_399 {strides = array<i32>} : memref<3x96xi32, #tpu.memory_space<vmem>>, vector<1x16xi32>,
    %get3A_400 = arith.constant 256 : index
    %get3A_401 = tpu.vector_load %arg7[%get3A_400] {strides = array<i32>} : memref<10000xi32, #tpu.memory_space<vmem>>, vector<16xi32>,
    %get3A_402 = vector.shape_cast %get3A_401 : vector<16xi32> to vector<16xi32>
    %shift_right_logical3A_403 = arith.constant 14 : i32
    %shift_right_logical3A_404 = vector.broadcast %shift_right_logical3A_403 : i32 to vector<16xi32>
    %shift_right_logical3A_405 = arith.shrui %get3A_402, %shift_right_logical3A_404 : vector<16xi32>
    %swap3A_406 = arith.constant 2 : i32
    %swap3A_407 = arith.index_cast %swap3A_406 : i32 to index
    %swap3A_408 = arith.constant 64 : index
    %swap3A_409 = tpu.vector_load %arg8[%swap3A_407, %swap3A_408] {strides = array<i32>} : memref<3x96xi32, #tpu.memory_space<vmem>>, vector<1x16xi32>,
    %swap3A_410 = vector.shape_cast %swap3A_409 : vector<1x16xi32> to vector<16xi32>
    %swap3A_411 = vector.shape_cast %shift_right_logical3A_405 : vector<16xi32> to vector<1x16xi32>
    tpu.vector_store %arg8[%swap3A_407, %swap3A_408], %swap3A_411 {strides = array<i32>} : memref<3x96xi32, #tpu.memory_space<vmem>>, vector<1x16xi32>,
    %and3A_412 = arith.constant 16383 : i32
    %and3A_413 = vector.broadcast %and3A_412 : i32 to vector<16xi32>
    %and3A_414 = arith.andi %get3A_402, %and3A_413 : vector<16xi32>
    %swap3A_415 = arith.constant 2 : i32
    %swap3A_416 = arith.index_cast %swap3A_415 : i32 to index
    %swap3A_417 = arith.constant 64 : index
    %swap3A_418 = tpu.vector_load %arg9[%swap3A_416, %swap3A_417] {strides = array<i32>} : memref<3x96xi32, #tpu.memory_space<vmem>>, vector<1x16xi32>,
    %swap3A_419 = vector.shape_cast %swap3A_418 : vector<1x16xi32> to vector<16xi32>
    %swap3A_420 = vector.shape_cast %and3A_414 : vector<16xi32> to vector<1x16xi32>
    tpu.vector_store %arg9[%swap3A_416, %swap3A_417], %swap3A_420 {strides = array<i32>} : memref<3x96xi32, #tpu.memory_space<vmem>>, vector<1x16xi32>,
    %get3A_421 = arith.constant 272 : index
    %get3A_422 = tpu.vector_load %arg7[%get3A_421] {strides = array<i32>} : memref<10000xi32, #tpu.memory_space<vmem>>, vector<16xi32>,
    %get3A_423 = vector.shape_cast %get3A_422 : vector<16xi32> to vector<16xi32>
    %shift_right_logical3A_424 = arith.constant 14 : i32
    %shift_right_logical3A_425 = vector.broadcast %shift_right_logical3A_424 : i32 to vector<16xi32>
    %shift_right_logical3A_426 = arith.shrui %get3A_423, %shift_right_logical3A_425 : vector<16xi32>
    %swap3A_427 = arith.constant 2 : i32
    %swap3A_428 = arith.index_cast %swap3A_427 : i32 to index
    %swap3A_429 = arith.constant 80 : index
    %swap3A_430 = tpu.vector_load %arg8[%swap3A_428, %swap3A_429] {strides = array<i32>} : memref<3x96xi32, #tpu.memory_space<vmem>>, vector<1x16xi32>,
    %swap3A_431 = vector.shape_cast %swap3A_430 : vector<1x16xi32> to vector<16xi32>
    %swap3A_432 = vector.shape_cast %shift_right_logical3A_426 : vector<16xi32> to vector<1x16xi32>
    tpu.vector_store %arg8[%swap3A_428, %swap3A_429], %swap3A_432 {strides = array<i32>} : memref<3x96xi32, #tpu.memory_space<vmem>>, vector<1x16xi32>,
    %and3A_433 = arith.constant 16383 : i32
    %and3A_434 = vector.broadcast %and3A_433 : i32 to vector<16xi32>
    %and3A_435 = arith.andi %get3A_423, %and3A_434 : vector<16xi32>
    %swap3A_436 = arith.constant 2 : i32
    %swap3A_437 = arith.index_cast %swap3A_436 : i32 to index
    %swap3A_438 = arith.constant 80 : index
    %swap3A_439 = tpu.vector_load %arg9[%swap3A_437, %swap3A_438] {strides = array<i32>} : memref<3x96xi32, #tpu.memory_space<vmem>>, vector<1x16xi32>,
    %swap3A_440 = vector.shape_cast %swap3A_439 : vector<1x16xi32> to vector<16xi32>
    %swap3A_441 = vector.shape_cast %and3A_435 : vector<16xi32> to vector<1x16xi32>
    tpu.vector_store %arg9[%swap3A_437, %swap3A_438], %swap3A_441 {strides = array<i32>} : memref<3x96xi32, #tpu.memory_space<vmem>>, vector<1x16xi32>,
    %dma_start3A_442 = arith.constant 2 : i32
    %dma_start3A_443 = arith.constant 2 : i32
    %dma_start3A_444 = arith.constant 0 : i32
    %dma_start3A_445 = arith.constant 0 : i32
    %dma_start3A_446 = tpu.memref_slice %arg10[%dma_start3A_443, %dma_start3A_444, %dma_start3A_445] : memref<3x96x128xf32, #tpu.memory_space<vmem>> -> memref<1x96x128xf32, #tpu.memory_space<vmem>>
    %dma_start3A_447 = tpu.memref_squeeze %dma_start3A_446 : memref<1x96x128xf32, #tpu.memory_space<vmem>> -> memref<96x128xf32, #tpu.memory_space<vmem>>
    %dma_start3A_448 = arith.constant 0 : i32
    %dma_start3A_449 = tpu.memref_slice %arg8[%dma_start3A_442, %dma_start3A_448] : memref<3x96xi32, #tpu.memory_space<vmem>> -> memref<1x96xi32, #tpu.memory_space<vmem>>
    %dma_start3A_450 = tpu.memref_squeeze %dma_start3A_449 : memref<1x96xi32, #tpu.memory_space<vmem>> -> memref<96xi32, #tpu.memory_space<vmem>>
    %dma_start3A_451 = arith.constant 0 : i32
    %dma_start3A_452 = arith.constant 0 : i32
    %dma_start3A_453 = tpu.memref_slice %arg2[%dma_start3A_451, %dma_start3A_452] : memref<10000x128xf32, #tpu.memory_space<hbm>> -> memref<10000x128xf32, #tpu.memory_space<hbm>>
    tpu.enqueue_indirect_dma source(%dma_start3A_453 : memref<10000x128xf32, #tpu.memory_space<hbm>>) target(%dma_start3A_447 : memref<96x128xf32, #tpu.memory_space<vmem>>) offsets(%dma_start3A_450 : memref<96xi32, #tpu.memory_space<vmem>>) semaphore(%arg17 : memref<!tpu.dma_semaphore, #tpu.memory_space<semaphore_mem>>)
    %dma_wait3A_454 = arith.constant 1 : i32
    %dma_wait3A_455 = arith.constant 0 : i32
    %dma_wait3A_456 = arith.constant 0 : i32
    %dma_wait3A_457 = tpu.memref_slice %arg10[%dma_wait3A_454, %dma_wait3A_455, %dma_wait3A_456] : memref<3x96x128xf32, #tpu.memory_space<vmem>> -> memref<1x96x128xf32, #tpu.memory_space<vmem>>
    %dma_wait3A_458 = tpu.memref_squeeze %dma_wait3A_457 : memref<1x96x128xf32, #tpu.memory_space<vmem>> -> memref<96x128xf32, #tpu.memory_space<vmem>>
    %dma_wait3A_459 = arith.constant 0 : i32
    %dma_wait3A_460 = arith.constant 0 : i32
    %dma_wait3A_461 = tpu.memref_slice %arg2[%dma_wait3A_459, %dma_wait3A_460] : memref<10000x128xf32, #tpu.memory_space<hbm>> -> memref<96x128xf32, #tpu.memory_space<hbm>>
    %dma_wait3A_462 = arith.constant 0 : i32
    %dma_wait3A_463 = arith.constant 0 : i32
    %dma_wait3A_464 = tpu.memref_slice %arg10[%dma_wait3A_454, %dma_wait3A_462, %dma_wait3A_463] : memref<3x96x128xf32, #tpu.memory_space<vmem>> -> memref<1x96x128xf32, #tpu.memory_space<vmem>>
    %dma_wait3A_465 = tpu.memref_squeeze %dma_wait3A_464 : memref<1x96x128xf32, #tpu.memory_space<vmem>> -> memref<96x128xf32, #tpu.memory_space<vmem>>
    %dma_wait3A_466 = arith.constant 0 : i32
    %dma_wait3A_467 = arith.constant 0 : i32
    %dma_wait3A_468 = tpu.memref_slice %arg2[%dma_wait3A_466, %dma_wait3A_467] : memref<10000x128xf32, #tpu.memory_space<hbm>> -> memref<96x128xf32, #tpu.memory_space<hbm>>
    tpu.wait_dma2 semaphore(%arg16 : memref<!tpu.dma_semaphore, #tpu.memory_space<semaphore_mem>>) src(%dma_wait3A_468 : memref<96x128xf32, #tpu.memory_space<hbm>>) dst(%dma_wait3A_465 : memref<96x128xf32, #tpu.memory_space<vmem>>)
    %dma_start3A_469 = arith.constant 1 : i32
    %dma_start3A_470 = arith.constant 1 : i32
    %dma_start3A_471 = arith.constant 0 : i32
    %dma_start3A_472 = arith.constant 0 : i32
    %dma_start3A_473 = tpu.memref_slice %arg10[%dma_start3A_469, %dma_start3A_471, %dma_start3A_472] : memref<3x96x128xf32, #tpu.memory_space<vmem>> -> memref<1x96x128xf32, #tpu.memory_space<vmem>>
    %dma_start3A_474 = tpu.memref_squeeze %dma_start3A_473 : memref<1x96x128xf32, #tpu.memory_space<vmem>> -> memref<96x128xf32, #tpu.memory_space<vmem>>
    %dma_start3A_475 = arith.constant 0 : i32
    %dma_start3A_476 = tpu.memref_slice %arg9[%dma_start3A_470, %dma_start3A_475] : memref<3x96xi32, #tpu.memory_space<vmem>> -> memref<1x96xi32, #tpu.memory_space<vmem>>
    %dma_start3A_477 = tpu.memref_squeeze %dma_start3A_476 : memref<1x96xi32, #tpu.memory_space<vmem>> -> memref<96xi32, #tpu.memory_space<vmem>>
    %dma_start3A_478 = arith.constant 0 : i32
    %dma_start3A_479 = arith.constant 0 : i32
    %dma_start3A_480 = tpu.memref_slice %arg14[%dma_start3A_478, %dma_start3A_479] : memref<10000x128xf32, #tpu.memory_space<vmem_shared>> -> memref<10000x128xf32, #tpu.memory_space<vmem_shared>>
    tpu.enqueue_indirect_dma source(%dma_start3A_474 : memref<96x128xf32, #tpu.memory_space<vmem>>) target(%dma_start3A_480 : memref<10000x128xf32, #tpu.memory_space<vmem_shared>>) offsets(%dma_start3A_477 : memref<96xi32, #tpu.memory_space<vmem>>) semaphore(%arg19 : memref<!tpu.dma_semaphore, #tpu.memory_space<semaphore_mem>>) {add = true}
    %dma_wait3A_481 = arith.constant 0 : i32
    %dma_wait3A_482 = arith.constant 0 : i32
    %dma_wait3A_483 = arith.constant 0 : i32
    %dma_wait3A_484 = tpu.memref_slice %arg10[%dma_wait3A_481, %dma_wait3A_482, %dma_wait3A_483] : memref<3x96x128xf32, #tpu.memory_space<vmem>> -> memref<1x96x128xf32, #tpu.memory_space<vmem>>
    %dma_wait3A_485 = tpu.memref_squeeze %dma_wait3A_484 : memref<1x96x128xf32, #tpu.memory_space<vmem>> -> memref<96x128xf32, #tpu.memory_space<vmem>>
    %dma_wait3A_486 = arith.constant 0 : i32
    %dma_wait3A_487 = arith.constant 0 : i32
    %dma_wait3A_488 = tpu.memref_slice %arg14[%dma_wait3A_486, %dma_wait3A_487] : memref<10000x128xf32, #tpu.memory_space<vmem_shared>> -> memref<96x128xf32, #tpu.memory_space<vmem_shared>>
    %dma_wait3A_489 = arith.constant 0 : i32
    %dma_wait3A_490 = arith.constant 0 : i32
    %dma_wait3A_491 = tpu.memref_slice %arg14[%dma_wait3A_489, %dma_wait3A_490] : memref<10000x128xf32, #tpu.memory_space<vmem_shared>> -> memref<96x128xf32, #tpu.memory_space<vmem_shared>>
    %dma_wait3A_492 = arith.constant 0 : i32
    %dma_wait3A_493 = arith.constant 0 : i32
    %dma_wait3A_494 = tpu.memref_slice %arg10[%dma_wait3A_481, %dma_wait3A_492, %dma_wait3A_493] : memref<3x96x128xf32, #tpu.memory_space<vmem>> -> memref<1x96x128xf32, #tpu.memory_space<vmem>>
    %dma_wait3A_495 = tpu.memref_squeeze %dma_wait3A_494 : memref<1x96x128xf32, #tpu.memory_space<vmem>> -> memref<96x128xf32, #tpu.memory_space<vmem>>
    tpu.wait_dma2 semaphore(%arg18 : memref<!tpu.dma_semaphore, #tpu.memory_space<semaphore_mem>>) src(%dma_wait3A_495 : memref<96x128xf32, #tpu.memory_space<vmem>>) dst(%dma_wait3A_491 : memref<96x128xf32, #tpu.memory_space<vmem_shared>>)
    %get3A_496 = arith.constant 288 : index
    %get3A_497 = tpu.vector_load %arg7[%get3A_496] {strides = array<i32>} : memref<10000xi32, #tpu.memory_space<vmem>>, vector<16xi32>,
    %get3A_498 = vector.shape_cast %get3A_497 : vector<16xi32> to vector<16xi32>
    %shift_right_logical3A_499 = arith.constant 14 : i32
    %shift_right_logical3A_500 = vector.broadcast %shift_right_logical3A_499 : i32 to vector<16xi32>
    %shift_right_logical3A_501 = arith.shrui %get3A_498, %shift_right_logical3A_500 : vector<16xi32>
    %swap3A_502 = arith.constant 0 : i32
    %swap3A_503 = arith.index_cast %swap3A_502 : i32 to index
    %swap3A_504 = arith.constant 0 : index
    %swap3A_505 = tpu.vector_load %arg8[%swap3A_503, %swap3A_504] {strides = array<i32>} : memref<3x96xi32, #tpu.memory_space<vmem>>, vector<1x16xi32>,
    %swap3A_506 = vector.shape_cast %swap3A_505 : vector<1x16xi32> to vector<16xi32>
    %swap3A_507 = vector.shape_cast %shift_right_logical3A_501 : vector<16xi32> to vector<1x16xi32>
    tpu.vector_store %arg8[%swap3A_503, %swap3A_504], %swap3A_507 {strides = array<i32>} : memref<3x96xi32, #tpu.memory_space<vmem>>, vector<1x16xi32>,
    %and3A_508 = arith.constant 16383 : i32
    %and3A_509 = vector.broadcast %and3A_508 : i32 to vector<16xi32>
    %and3A_510 = arith.andi %get3A_498, %and3A_509 : vector<16xi32>
    %swap3A_511 = arith.constant 0 : i32
    %swap3A_512 = arith.index_cast %swap3A_511 : i32 to index
    %swap3A_513 = arith.constant 0 : index
    %swap3A_514 = tpu.vector_load %arg9[%swap3A_512, %swap3A_513] {strides = array<i32>} : memref<3x96xi32, #tpu.memory_space<vmem>>, vector<1x16xi32>,
    %swap3A_515 = vector.shape_cast %swap3A_514 : vector<1x16xi32> to vector<16xi32>
    %swap3A_516 = vector.shape_cast %and3A_510 : vector<16xi32> to vector<1x16xi32>
    tpu.vector_store %arg9[%swap3A_512, %swap3A_513], %swap3A_516 {strides = array<i32>} : memref<3x96xi32, #tpu.memory_space<vmem>>, vector<1x16xi32>,
    %get3A_517 = arith.constant 304 : index
    %get3A_518 = tpu.vector_load %arg7[%get3A_517] {strides = array<i32>} : memref<10000xi32, #tpu.memory_space<vmem>>, vector<16xi32>,
    %get3A_519 = vector.shape_cast %get3A_518 : vector<16xi32> to vector<16xi32>
    %shift_right_logical3A_520 = arith.constant 14 : i32
    %shift_right_logical3A_521 = vector.broadcast %shift_right_logical3A_520 : i32 to vector<16xi32>
    %shift_right_logical3A_522 = arith.shrui %get3A_519, %shift_right_logical3A_521 : vector<16xi32>
    %swap3A_523 = arith.constant 0 : i32
    %swap3A_524 = arith.index_cast %swap3A_523 : i32 to index
    %swap3A_525 = arith.constant 16 : index
    %swap3A_526 = tpu.vector_load %arg8[%swap3A_524, %swap3A_525] {strides = array<i32>} : memref<3x96xi32, #tpu.memory_space<vmem>>, vector<1x16xi32>,
    %swap3A_527 = vector.shape_cast %swap3A_526 : vector<1x16xi32> to vector<16xi32>
    %swap3A_528 = vector.shape_cast %shift_right_logical3A_522 : vector<16xi32> to vector<1x16xi32>
    tpu.vector_store %arg8[%swap3A_524, %swap3A_525], %swap3A_528 {strides = array<i32>} : memref<3x96xi32, #tpu.memory_space<vmem>>, vector<1x16xi32>,
    %and3A_529 = arith.constant 16383 : i32
    %and3A_530 = vector.broadcast %and3A_529 : i32 to vector<16xi32>
    %and3A_531 = arith.andi %get3A_519, %and3A_530 : vector<16xi32>
    %swap3A_532 = arith.constant 0 : i32
    %swap3A_533 = arith.index_cast %swap3A_532 : i32 to index
    %swap3A_534 = arith.constant 16 : index
    %swap3A_535 = tpu.vector_load %arg9[%swap3A_533, %swap3A_534] {strides = array<i32>} : memref<3x96xi32, #tpu.memory_space<vmem>>, vector<1x16xi32>,
    %swap3A_536 = vector.shape_cast %swap3A_535 : vector<1x16xi32> to vector<16xi32>
    %swap3A_537 = vector.shape_cast %and3A_531 : vector<16xi32> to vector<1x16xi32>
    tpu.vector_store %arg9[%swap3A_533, %swap3A_534], %swap3A_537 {strides = array<i32>} : memref<3x96xi32, #tpu.memory_space<vmem>>, vector<1x16xi32>,
    %get3A_538 = arith.constant 320 : index
    %get3A_539 = tpu.vector_load %arg7[%get3A_538] {strides = array<i32>} : memref<10000xi32, #tpu.memory_space<vmem>>, vector<16xi32>,
    %get3A_540 = vector.shape_cast %get3A_539 : vector<16xi32> to vector<16xi32>
    %shift_right_logical3A_541 = arith.constant 14 : i32
    %shift_right_logical3A_542 = vector.broadcast %shift_right_logical3A_541 : i32 to vector<16xi32>
    %shift_right_logical3A_543 = arith.shrui %get3A_540, %shift_right_logical3A_542 : vector<16xi32>
    %swap3A_544 = arith.constant 0 : i32
    %swap3A_545 = arith.index_cast %swap3A_544 : i32 to index
    %swap3A_546 = arith.constant 32 : index
    %swap3A_547 = tpu.vector_load %arg8[%swap3A_545, %swap3A_546] {strides = array<i32>} : memref<3x96xi32, #tpu.memory_space<vmem>>, vector<1x16xi32>,
    %swap3A_548 = vector.shape_cast %swap3A_547 : vector<1x16xi32> to vector<16xi32>
    %swap3A_549 = vector.shape_cast %shift_right_logical3A_543 : vector<16xi32> to vector<1x16xi32>
    tpu.vector_store %arg8[%swap3A_545, %swap3A_546], %swap3A_549 {strides = array<i32>} : memref<3x96xi32, #tpu.memory_space<vmem>>, vector<1x16xi32>,
    %and3A_550 = arith.constant 16383 : i32
    %and3A_551 = vector.broadcast %and3A_550 : i32 to vector<16xi32>
    %and3A_552 = arith.andi %get3A_540, %and3A_551 : vector<16xi32>
    %swap3A_553 = arith.constant 0 : i32
    %swap3A_554 = arith.index_cast %swap3A_553 : i32 to index
    %swap3A_555 = arith.constant 32 : index
    %swap3A_556 = tpu.vector_load %arg9[%swap3A_554, %swap3A_555] {strides = array<i32>} : memref<3x96xi32, #tpu.memory_space<vmem>>, vector<1x16xi32>,
    %swap3A_557 = vector.shape_cast %swap3A_556 : vector<1x16xi32> to vector<16xi32>
    %swap3A_558 = vector.shape_cast %and3A_552 : vector<16xi32> to vector<1x16xi32>
    tpu.vector_store %arg9[%swap3A_554, %swap3A_555], %swap3A_558 {strides = array<i32>} : memref<3x96xi32, #tpu.memory_space<vmem>>, vector<1x16xi32>,
    %get3A_559 = arith.constant 336 : index
    %get3A_560 = tpu.vector_load %arg7[%get3A_559] {strides = array<i32>} : memref<10000xi32, #tpu.memory_space<vmem>>, vector<16xi32>,
    %get3A_561 = vector.shape_cast %get3A_560 : vector<16xi32> to vector<16xi32>
    %shift_right_logical3A_562 = arith.constant 14 : i32
    %shift_right_logical3A_563 = vector.broadcast %shift_right_logical3A_562 : i32 to vector<16xi32>
    %shift_right_logical3A_564 = arith.shrui %get3A_561, %shift_right_logical3A_563 : vector<16xi32>
    %swap3A_565 = arith.constant 0 : i32
    %swap3A_566 = arith.index_cast %swap3A_565 : i32 to index
    %swap3A_567 = arith.constant 48 : index
    %swap3A_568 = tpu.vector_load %arg8[%swap3A_566, %swap3A_567] {strides = array<i32>} : memref<3x96xi32, #tpu.memory_space<vmem>>, vector<1x16xi32>,
    %swap3A_569 = vector.shape_cast %swap3A_568 : vector<1x16xi32> to vector<16xi32>
    %swap3A_570 = vector.shape_cast %shift_right_logical3A_564 : vector<16xi32> to vector<1x16xi32>
    tpu.vector_store %arg8[%swap3A_566, %swap3A_567], %swap3A_570 {strides = array<i32>} : memref<3x96xi32, #tpu.memory_space<vmem>>, vector<1x16xi32>,
    %and3A_571 = arith.constant 16383 : i32
    %and3A_572 = vector.broadcast %and3A_571 : i32 to vector<16xi32>
    %and3A_573 = arith.andi %get3A_561, %and3A_572 : vector<16xi32>
    %swap3A_574 = arith.constant 0 : i32
    %swap3A_575 = arith.index_cast %swap3A_574 : i32 to index
    %swap3A_576 = arith.constant 48 : index
    %swap3A_577 = tpu.vector_load %arg9[%swap3A_575, %swap3A_576] {strides = array<i32>} : memref<3x96xi32, #tpu.memory_space<vmem>>, vector<1x16xi32>,
    %swap3A_578 = vector.shape_cast %swap3A_577 : vector<1x16xi32> to vector<16xi32>
    %swap3A_579 = vector.shape_cast %and3A_573 : vector<16xi32> to vector<1x16xi32>
    tpu.vector_store %arg9[%swap3A_575, %swap3A_576], %swap3A_579 {strides = array<i32>} : memref<3x96xi32, #tpu.memory_space<vmem>>, vector<1x16xi32>,
    %get3A_580 = arith.constant 352 : index
    %get3A_581 = tpu.vector_load %arg7[%get3A_580] {strides = array<i32>} : memref<10000xi32, #tpu.memory_space<vmem>>, vector<16xi32>,
    %get3A_582 = vector.shape_cast %get3A_581 : vector<16xi32> to vector<16xi32>
    %shift_right_logical3A_583 = arith.constant 14 : i32
    %shift_right_logical3A_584 = vector.broadcast %shift_right_logical3A_583 : i32 to vector<16xi32>
    %shift_right_logical3A_585 = arith.shrui %get3A_582, %shift_right_logical3A_584 : vector<16xi32>
    %swap3A_586 = arith.constant 0 : i32
    %swap3A_587 = arith.index_cast %swap3A_586 : i32 to index
    %swap3A_588 = arith.constant 64 : index
    %swap3A_589 = tpu.vector_load %arg8[%swap3A_587, %swap3A_588] {strides = array<i32>} : memref<3x96xi32, #tpu.memory_space<vmem>>, vector<1x16xi32>,
    %swap3A_590 = vector.shape_cast %swap3A_589 : vector<1x16xi32> to vector<16xi32>
    %swap3A_591 = vector.shape_cast %shift_right_logical3A_585 : vector<16xi32> to vector<1x16xi32>
    tpu.vector_store %arg8[%swap3A_587, %swap3A_588], %swap3A_591 {strides = array<i32>} : memref<3x96xi32, #tpu.memory_space<vmem>>, vector<1x16xi32>,
    %and3A_592 = arith.constant 16383 : i32
    %and3A_593 = vector.broadcast %and3A_592 : i32 to vector<16xi32>
    %and3A_594 = arith.andi %get3A_582, %and3A_593 : vector<16xi32>
    %swap3A_595 = arith.constant 0 : i32
    %swap3A_596 = arith.index_cast %swap3A_595 : i32 to index
    %swap3A_597 = arith.constant 64 : index
    %swap3A_598 = tpu.vector_load %arg9[%swap3A_596, %swap3A_597] {strides = array<i32>} : memref<3x96xi32, #tpu.memory_space<vmem>>, vector<1x16xi32>,
    %swap3A_599 = vector.shape_cast %swap3A_598 : vector<1x16xi32> to vector<16xi32>
    %swap3A_600 = vector.shape_cast %and3A_594 : vector<16xi32> to vector<1x16xi32>
    tpu.vector_store %arg9[%swap3A_596, %swap3A_597], %swap3A_600 {strides = array<i32>} : memref<3x96xi32, #tpu.memory_space<vmem>>, vector<1x16xi32>,
    %get3A_601 = arith.constant 368 : index
    %get3A_602 = tpu.vector_load %arg7[%get3A_601] {strides = array<i32>} : memref<10000xi32, #tpu.memory_space<vmem>>, vector<16xi32>,
    %get3A_603 = vector.shape_cast %get3A_602 : vector<16xi32> to vector<16xi32>
    %shift_right_logical3A_604 = arith.constant 14 : i32
    %shift_right_logical3A_605 = vector.broadcast %shift_right_logical3A_604 : i32 to vector<16xi32>
    %shift_right_logical3A_606 = arith.shrui %get3A_603, %shift_right_logical3A_605 : vector<16xi32>
    %swap3A_607 = arith.constant 0 : i32
    %swap3A_608 = arith.index_cast %swap3A_607 : i32 to index
    %swap3A_609 = arith.constant 80 : index
    %swap3A_610 = tpu.vector_load %arg8[%swap3A_608, %swap3A_609] {strides = array<i32>} : memref<3x96xi32, #tpu.memory_space<vmem>>, vector<1x16xi32>,
    %swap3A_611 = vector.shape_cast %swap3A_610 : vector<1x16xi32> to vector<16xi32>
    %swap3A_612 = vector.shape_cast %shift_right_logical3A_606 : vector<16xi32> to vector<1x16xi32>
    tpu.vector_store %arg8[%swap3A_608, %swap3A_609], %swap3A_612 {strides = array<i32>} : memref<3x96xi32, #tpu.memory_space<vmem>>, vector<1x16xi32>,
    %and3A_613 = arith.constant 16383 : i32
    %and3A_614 = vector.broadcast %and3A_613 : i32 to vector<16xi32>
    %and3A_615 = arith.andi %get3A_603, %and3A_614 : vector<16xi32>
    %swap3A_616 = arith.constant 0 : i32
    %swap3A_617 = arith.index_cast %swap3A_616 : i32 to index
    %swap3A_618 = arith.constant 80 : index
    %swap3A_619 = tpu.vector_load %arg9[%swap3A_617, %swap3A_618] {strides = array<i32>} : memref<3x96xi32, #tpu.memory_space<vmem>>, vector<1x16xi32>,
    %swap3A_620 = vector.shape_cast %swap3A_619 : vector<1x16xi32> to vector<16xi32>
    %swap3A_621 = vector.shape_cast %and3A_615 : vector<16xi32> to vector<1x16xi32>
    tpu.vector_store %arg9[%swap3A_617, %swap3A_618], %swap3A_621 {strides = array<i32>} : memref<3x96xi32, #tpu.memory_space<vmem>>, vector<1x16xi32>,
    %dma_start3A_622 = arith.constant 0 : i32
    %dma_start3A_623 = arith.constant 0 : i32
    %dma_start3A_624 = arith.constant 0 : i32
    %dma_start3A_625 = arith.constant 0 : i32
    %dma_start3A_626 = tpu.memref_slice %arg10[%dma_start3A_623, %dma_start3A_624, %dma_start3A_625] : memref<3x96x128xf32, #tpu.memory_space<vmem>> -> memref<1x96x128xf32, #tpu.memory_space<vmem>>
    %dma_start3A_627 = tpu.memref_squeeze %dma_start3A_626 : memref<1x96x128xf32, #tpu.memory_space<vmem>> -> memref<96x128xf32, #tpu.memory_space<vmem>>
    %dma_start3A_628 = arith.constant 0 : i32
    %dma_start3A_629 = tpu.memref_slice %arg8[%dma_start3A_622, %dma_start3A_628] : memref<3x96xi32, #tpu.memory_space<vmem>> -> memref<1x96xi32, #tpu.memory_space<vmem>>
    %dma_start3A_630 = tpu.memref_squeeze %dma_start3A_629 : memref<1x96xi32, #tpu.memory_space<vmem>> -> memref<96xi32, #tpu.memory_space<vmem>>
    %dma_start3A_631 = arith.constant 0 : i32
    %dma_start3A_632 = arith.constant 0 : i32
    %dma_start3A_633 = tpu.memref_slice %arg2[%dma_start3A_631, %dma_start3A_632] : memref<10000x128xf32, #tpu.memory_space<hbm>> -> memref<10000x128xf32, #tpu.memory_space<hbm>>
    tpu.enqueue_indirect_dma source(%dma_start3A_633 : memref<10000x128xf32, #tpu.memory_space<hbm>>) target(%dma_start3A_627 : memref<96x128xf32, #tpu.memory_space<vmem>>) offsets(%dma_start3A_630 : memref<96xi32, #tpu.memory_space<vmem>>) semaphore(%arg15 : memref<!tpu.dma_semaphore, #tpu.memory_space<semaphore_mem>>)
    %dma_wait3A_634 = arith.constant 2 : i32
    %dma_wait3A_635 = arith.constant 0 : i32
    %dma_wait3A_636 = arith.constant 0 : i32
    %dma_wait3A_637 = tpu.memref_slice %arg10[%dma_wait3A_634, %dma_wait3A_635, %dma_wait3A_636] : memref<3x96x128xf32, #tpu.memory_space<vmem>> -> memref<1x96x128xf32, #tpu.memory_space<vmem>>
    %dma_wait3A_638 = tpu.memref_squeeze %dma_wait3A_637 : memref<1x96x128xf32, #tpu.memory_space<vmem>> -> memref<96x128xf32, #tpu.memory_space<vmem>>
    %dma_wait3A_639 = arith.constant 0 : i32
    %dma_wait3A_640 = arith.constant 0 : i32
    %dma_wait3A_641 = tpu.memref_slice %arg2[%dma_wait3A_639, %dma_wait3A_640] : memref<10000x128xf32, #tpu.memory_space<hbm>> -> memref<96x128xf32, #tpu.memory_space<hbm>>
    %dma_wait3A_642 = arith.constant 0 : i32
    %dma_wait3A_643 = arith.constant 0 : i32
    %dma_wait3A_644 = tpu.memref_slice %arg10[%dma_wait3A_634, %dma_wait3A_642, %dma_wait3A_643] : memref<3x96x128xf32, #tpu.memory_space<vmem>> -> memref<1x96x128xf32, #tpu.memory_space<vmem>>
    %dma_wait3A_645 = tpu.memref_squeeze %dma_wait3A_644 : memref<1x96x128xf32, #tpu.memory_space<vmem>> -> memref<96x128xf32, #tpu.memory_space<vmem>>
    %dma_wait3A_646 = arith.constant 0 : i32
    %dma_wait3A_647 = arith.constant 0 : i32
    %dma_wait3A_648 = tpu.memref_slice %arg2[%dma_wait3A_646, %dma_wait3A_647] : memref<10000x128xf32, #tpu.memory_space<hbm>> -> memref<96x128xf32, #tpu.memory_space<hbm>>
    tpu.wait_dma2 semaphore(%arg17 : memref<!tpu.dma_semaphore, #tpu.memory_space<semaphore_mem>>) src(%dma_wait3A_648 : memref<96x128xf32, #tpu.memory_space<hbm>>) dst(%dma_wait3A_645 : memref<96x128xf32, #tpu.memory_space<vmem>>)
    %dma_start3A_649 = arith.constant 2 : i32
    %dma_start3A_650 = arith.constant 2 : i32
    %dma_start3A_651 = arith.constant 0 : i32
    %dma_start3A_652 = arith.constant 0 : i32
    %dma_start3A_653 = tpu.memref_slice %arg10[%dma_start3A_649, %dma_start3A_651, %dma_start3A_652] : memref<3x96x128xf32, #tpu.memory_space<vmem>> -> memref<1x96x128xf32, #tpu.memory_space<vmem>>
    %dma_start3A_654 = tpu.memref_squeeze %dma_start3A_653 : memref<1x96x128xf32, #tpu.memory_space<vmem>> -> memref<96x128xf32, #tpu.memory_space<vmem>>
    %dma_start3A_655 = arith.constant 0 : i32
    %dma_start3A_656 = tpu.memref_slice %arg9[%dma_start3A_650, %dma_start3A_655] : memref<3x96xi32, #tpu.memory_space<vmem>> -> memref<1x96xi32, #tpu.memory_space<vmem>>
    %dma_start3A_657 = tpu.memref_squeeze %dma_start3A_656 : memref<1x96xi32, #tpu.memory_space<vmem>> -> memref<96xi32, #tpu.memory_space<vmem>>
    %dma_start3A_658 = arith.constant 0 : i32
    %dma_start3A_659 = arith.constant 0 : i32
    %dma_start3A_660 = tpu.memref_slice %arg14[%dma_start3A_658, %dma_start3A_659] : memref<10000x128xf32, #tpu.memory_space<vmem_shared>> -> memref<10000x128xf32, #tpu.memory_space<vmem_shared>>
    tpu.enqueue_indirect_dma source(%dma_start3A_654 : memref<96x128xf32, #tpu.memory_space<vmem>>) target(%dma_start3A_660 : memref<10000x128xf32, #tpu.memory_space<vmem_shared>>) offsets(%dma_start3A_657 : memref<96xi32, #tpu.memory_space<vmem>>) semaphore(%arg20 : memref<!tpu.dma_semaphore, #tpu.memory_space<semaphore_mem>>) {add = true}
    %dma_wait3A_661 = arith.constant 1 : i32
    %dma_wait3A_662 = arith.constant 0 : i32
    %dma_wait3A_663 = arith.constant 0 : i32
    %dma_wait3A_664 = tpu.memref_slice %arg10[%dma_wait3A_661, %dma_wait3A_662, %dma_wait3A_663] : memref<3x96x128xf32, #tpu.memory_space<vmem>> -> memref<1x96x128xf32, #tpu.memory_space<vmem>>
    %dma_wait3A_665 = tpu.memref_squeeze %dma_wait3A_664 : memref<1x96x128xf32, #tpu.memory_space<vmem>> -> memref<96x128xf32, #tpu.memory_space<vmem>>
    %dma_wait3A_666 = arith.constant 0 : i32
    %dma_wait3A_667 = arith.constant 0 : i32
    %dma_wait3A_668 = tpu.memref_slice %arg14[%dma_wait3A_666, %dma_wait3A_667] : memref<10000x128xf32, #tpu.memory_space<vmem_shared>> -> memref<96x128xf32, #tpu.memory_space<vmem_shared>>
    %dma_wait3A_669 = arith.constant 0 : i32
    %dma_wait3A_670 = arith.constant 0 : i32
    %dma_wait3A_671 = tpu.memref_slice %arg14[%dma_wait3A_669, %dma_wait3A_670] : memref<10000x128xf32, #tpu.memory_space<vmem_shared>> -> memref<96x128xf32, #tpu.memory_space<vmem_shared>>
    %dma_wait3A_672 = arith.constant 0 : i32
    %dma_wait3A_673 = arith.constant 0 : i32
    %dma_wait3A_674 = tpu.memref_slice %arg10[%dma_wait3A_661, %dma_wait3A_672, %dma_wait3A_673] : memref<3x96x128xf32, #tpu.memory_space<vmem>> -> memref<1x96x128xf32, #tpu.memory_space<vmem>>
    %dma_wait3A_675 = tpu.memref_squeeze %dma_wait3A_674 : memref<1x96x128xf32, #tpu.memory_space<vmem>> -> memref<96x128xf32, #tpu.memory_space<vmem>>
    tpu.wait_dma2 semaphore(%arg19 : memref<!tpu.dma_semaphore, #tpu.memory_space<semaphore_mem>>) src(%dma_wait3A_675 : memref<96x128xf32, #tpu.memory_space<vmem>>) dst(%dma_wait3A_671 : memref<96x128xf32, #tpu.memory_space<vmem_shared>>)
    %get3A_676 = arith.constant 384 : index
    %get3A_677 = tpu.vector_load %arg7[%get3A_676] {strides = array<i32>} : memref<10000xi32, #tpu.memory_space<vmem>>, vector<16xi32>,
    %get3A_678 = vector.shape_cast %get3A_677 : vector<16xi32> to vector<16xi32>
    %shift_right_logical3A_679 = arith.constant 14 : i32
    %shift_right_logical3A_680 = vector.broadcast %shift_right_logical3A_679 : i32 to vector<16xi32>
    %shift_right_logical3A_681 = arith.shrui %get3A_678, %shift_right_logical3A_680 : vector<16xi32>
    %swap3A_682 = arith.constant 1 : i32
    %swap3A_683 = arith.index_cast %swap3A_682 : i32 to index
    %swap3A_684 = arith.constant 0 : index
    %swap3A_685 = tpu.vector_load %arg8[%swap3A_683, %swap3A_684] {strides = array<i32>} : memref<3x96xi32, #tpu.memory_space<vmem>>, vector<1x16xi32>,
    %swap3A_686 = vector.shape_cast %swap3A_685 : vector<1x16xi32> to vector<16xi32>
    %swap3A_687 = vector.shape_cast %shift_right_logical3A_681 : vector<16xi32> to vector<1x16xi32>
    tpu.vector_store %arg8[%swap3A_683, %swap3A_684], %swap3A_687 {strides = array<i32>} : memref<3x96xi32, #tpu.memory_space<vmem>>, vector<1x16xi32>,
    %and3A_688 = arith.constant 16383 : i32
    %and3A_689 = vector.broadcast %and3A_688 : i32 to vector<16xi32>
    %and3A_690 = arith.andi %get3A_678, %and3A_689 : vector<16xi32>
    %swap3A_691 = arith.constant 1 : i32
    %swap3A_692 = arith.index_cast %swap3A_691 : i32 to index
    %swap3A_693 = arith.constant 0 : index
    %swap3A_694 = tpu.vector_load %arg9[%swap3A_692, %swap3A_693] {strides = array<i32>} : memref<3x96xi32, #tpu.memory_space<vmem>>, vector<1x16xi32>,
    %swap3A_695 = vector.shape_cast %swap3A_694 : vector<1x16xi32> to vector<16xi32>
    %swap3A_696 = vector.shape_cast %and3A_690 : vector<16xi32> to vector<1x16xi32>
    tpu.vector_store %arg9[%swap3A_692, %swap3A_693], %swap3A_696 {strides = array<i32>} : memref<3x96xi32, #tpu.memory_space<vmem>>, vector<1x16xi32>,
    %get3A_697 = arith.constant 400 : index
    %get3A_698 = tpu.vector_load %arg7[%get3A_697] {strides = array<i32>} : memref<10000xi32, #tpu.memory_space<vmem>>, vector<16xi32>,
    %get3A_699 = vector.shape_cast %get3A_698 : vector<16xi32> to vector<16xi32>
    %shift_right_logical3A_700 = arith.constant 14 : i32
    %shift_right_logical3A_701 = vector.broadcast %shift_right_logical3A_700 : i32 to vector<16xi32>
    %shift_right_logical3A_702 = arith.shrui %get3A_699, %shift_right_logical3A_701 : vector<16xi32>
    %swap3A_703 = arith.constant 1 : i32
    %swap3A_704 = arith.index_cast %swap3A_703 : i32 to index
    %swap3A_705 = arith.constant 16 : index
    %swap3A_706 = tpu.vector_load %arg8[%swap3A_704, %swap3A_705] {strides = array<i32>} : memref<3x96xi32, #tpu.memory_space<vmem>>, vector<1x16xi32>,
    %swap3A_707 = vector.shape_cast %swap3A_706 : vector<1x16xi32> to vector<16xi32>
    %swap3A_708 = vector.shape_cast %shift_right_logical3A_702 : vector<16xi32> to vector<1x16xi32>
    tpu.vector_store %arg8[%swap3A_704, %swap3A_705], %swap3A_708 {strides = array<i32>} : memref<3x96xi32, #tpu.memory_space<vmem>>, vector<1x16xi32>,
    %and3A_709 = arith.constant 16383 : i32
    %and3A_710 = vector.broadcast %and3A_709 : i32 to vector<16xi32>
    %and3A_711 = arith.andi %get3A_699, %and3A_710 : vector<16xi32>
    %swap3A_712 = arith.constant 1 : i32
    %swap3A_713 = arith.index_cast %swap3A_712 : i32 to index
    %swap3A_714 = arith.constant 16 : index
    %swap3A_715 = tpu.vector_load %arg9[%swap3A_713, %swap3A_714] {strides = array<i32>} : memref<3x96xi32, #tpu.memory_space<vmem>>, vector<1x16xi32>,
    %swap3A_716 = vector.shape_cast %swap3A_715 : vector<1x16xi32> to vector<16xi32>
    %swap3A_717 = vector.shape_cast %and3A_711 : vector<16xi32> to vector<1x16xi32>
    tpu.vector_store %arg9[%swap3A_713, %swap3A_714], %swap3A_717 {strides = array<i32>} : memref<3x96xi32, #tpu.memory_space<vmem>>, vector<1x16xi32>,
    %get3A_718 = arith.constant 416 : index
    %get3A_719 = tpu.vector_load %arg7[%get3A_718] {strides = array<i32>} : memref<10000xi32, #tpu.memory_space<vmem>>, vector<16xi32>,
    %get3A_720 = vector.shape_cast %get3A_719 : vector<16xi32> to vector<16xi32>
    %shift_right_logical3A_721 = arith.constant 14 : i32
    %shift_right_logical3A_722 = vector.broadcast %shift_right_logical3A_721 : i32 to vector<16xi32>
    %shift_right_logical3A_723 = arith.shrui %get3A_720, %shift_right_logical3A_722 : vector<16xi32>
    %swap3A_724 = arith.constant 1 : i32
    %swap3A_725 = arith.index_cast %swap3A_724 : i32 to index
    %swap3A_726 = arith.constant 32 : index
    %swap3A_727 = tpu.vector_load %arg8[%swap3A_725, %swap3A_726] {strides = array<i32>} : memref<3x96xi32, #tpu.memory_space<vmem>>, vector<1x16xi32>,
    %swap3A_728 = vector.shape_cast %swap3A_727 : vector<1x16xi32> to vector<16xi32>
    %swap3A_729 = vector.shape_cast %shift_right_logical3A_723 : vector<16xi32> to vector<1x16xi32>
    tpu.vector_store %arg8[%swap3A_725, %swap3A_726], %swap3A_729 {strides = array<i32>} : memref<3x96xi32, #tpu.memory_space<vmem>>, vector<1x16xi32>,
    %and3A_730 = arith.constant 16383 : i32
    %and3A_731 = vector.broadcast %and3A_730 : i32 to vector<16xi32>
    %and3A_732 = arith.andi %get3A_720, %and3A_731 : vector<16xi32>
    %swap3A_733 = arith.constant 1 : i32
    %swap3A_734 = arith.index_cast %swap3A_733 : i32 to index
    %swap3A_735 = arith.constant 32 : index
    %swap3A_736 = tpu.vector_load %arg9[%swap3A_734, %swap3A_735] {strides = array<i32>} : memref<3x96xi32, #tpu.memory_space<vmem>>, vector<1x16xi32>,
    %swap3A_737 = vector.shape_cast %swap3A_736 : vector<1x16xi32> to vector<16xi32>
    %swap3A_738 = vector.shape_cast %and3A_732 : vector<16xi32> to vector<1x16xi32>
    tpu.vector_store %arg9[%swap3A_734, %swap3A_735], %swap3A_738 {strides = array<i32>} : memref<3x96xi32, #tpu.memory_space<vmem>>, vector<1x16xi32>,
    %get3A_739 = arith.constant 432 : index
    %get3A_740 = tpu.vector_load %arg7[%get3A_739] {strides = array<i32>} : memref<10000xi32, #tpu.memory_space<vmem>>, vector<16xi32>,
    %get3A_741 = vector.shape_cast %get3A_740 : vector<16xi32> to vector<16xi32>
    %shift_right_logical3A_742 = arith.constant 14 : i32
    %shift_right_logical3A_743 = vector.broadcast %shift_right_logical3A_742 : i32 to vector<16xi32>
    %shift_right_logical3A_744 = arith.shrui %get3A_741, %shift_right_logical3A_743 : vector<16xi32>
    %swap3A_745 = arith.constant 1 : i32
    %swap3A_746 = arith.index_cast %swap3A_745 : i32 to index
    %swap3A_747 = arith.constant 48 : index
    %swap3A_748 = tpu.vector_load %arg8[%swap3A_746, %swap3A_747] {strides = array<i32>} : memref<3x96xi32, #tpu.memory_space<vmem>>, vector<1x16xi32>,
    %swap3A_749 = vector.shape_cast %swap3A_748 : vector<1x16xi32> to vector<16xi32>
    %swap3A_750 = vector.shape_cast %shift_right_logical3A_744 : vector<16xi32> to vector<1x16xi32>
    tpu.vector_store %arg8[%swap3A_746, %swap3A_747], %swap3A_750 {strides = array<i32>} : memref<3x96xi32, #tpu.memory_space<vmem>>, vector<1x16xi32>,
    %and3A_751 = arith.constant 16383 : i32
    %and3A_752 = vector.broadcast %and3A_751 : i32 to vector<16xi32>
    %and3A_753 = arith.andi %get3A_741, %and3A_752 : vector<16xi32>
    %swap3A_754 = arith.constant 1 : i32
    %swap3A_755 = arith.index_cast %swap3A_754 : i32 to index
    %swap3A_756 = arith.constant 48 : index
    %swap3A_757 = tpu.vector_load %arg9[%swap3A_755, %swap3A_756] {strides = array<i32>} : memref<3x96xi32, #tpu.memory_space<vmem>>, vector<1x16xi32>,
    %swap3A_758 = vector.shape_cast %swap3A_757 : vector<1x16xi32> to vector<16xi32>
    %swap3A_759 = vector.shape_cast %and3A_753 : vector<16xi32> to vector<1x16xi32>
    tpu.vector_store %arg9[%swap3A_755, %swap3A_756], %swap3A_759 {strides = array<i32>} : memref<3x96xi32, #tpu.memory_space<vmem>>, vector<1x16xi32>,
    %get3A_760 = arith.constant 448 : index
    %get3A_761 = tpu.vector_load %arg7[%get3A_760] {strides = array<i32>} : memref<10000xi32, #tpu.memory_space<vmem>>, vector<16xi32>,
    %get3A_762 = vector.shape_cast %get3A_761 : vector<16xi32> to vector<16xi32>
    %shift_right_logical3A_763 = arith.constant 14 : i32
    %shift_right_logical3A_764 = vector.broadcast %shift_right_logical3A_763 : i32 to vector<16xi32>
    %shift_right_logical3A_765 = arith.shrui %get3A_762, %shift_right_logical3A_764 : vector<16xi32>
    %swap3A_766 = arith.constant 1 : i32
    %swap3A_767 = arith.index_cast %swap3A_766 : i32 to index
    %swap3A_768 = arith.constant 64 : index
    %swap3A_769 = tpu.vector_load %arg8[%swap3A_767, %swap3A_768] {strides = array<i32>} : memref<3x96xi32, #tpu.memory_space<vmem>>, vector<1x16xi32>,
    %swap3A_770 = vector.shape_cast %swap3A_769 : vector<1x16xi32> to vector<16xi32>
    %swap3A_771 = vector.shape_cast %shift_right_logical3A_765 : vector<16xi32> to vector<1x16xi32>
    tpu.vector_store %arg8[%swap3A_767, %swap3A_768], %swap3A_771 {strides = array<i32>} : memref<3x96xi32, #tpu.memory_space<vmem>>, vector<1x16xi32>,
    %and3A_772 = arith.constant 16383 : i32
    %and3A_773 = vector.broadcast %and3A_772 : i32 to vector<16xi32>
    %and3A_774 = arith.andi %get3A_762, %and3A_773 : vector<16xi32>
    %swap3A_775 = arith.constant 1 : i32
    %swap3A_776 = arith.index_cast %swap3A_775 : i32 to index
    %swap3A_777 = arith.constant 64 : index
    %swap3A_778 = tpu.vector_load %arg9[%swap3A_776, %swap3A_777] {strides = array<i32>} : memref<3x96xi32, #tpu.memory_space<vmem>>, vector<1x16xi32>,
    %swap3A_779 = vector.shape_cast %swap3A_778 : vector<1x16xi32> to vector<16xi32>
    %swap3A_780 = vector.shape_cast %and3A_774 : vector<16xi32> to vector<1x16xi32>
    tpu.vector_store %arg9[%swap3A_776, %swap3A_777], %swap3A_780 {strides = array<i32>} : memref<3x96xi32, #tpu.memory_space<vmem>>, vector<1x16xi32>,
    %get3A_781 = arith.constant 464 : index
    %get3A_782 = tpu.vector_load %arg7[%get3A_781] {strides = array<i32>} : memref<10000xi32, #tpu.memory_space<vmem>>, vector<16xi32>,
    %get3A_783 = vector.shape_cast %get3A_782 : vector<16xi32> to vector<16xi32>
    %shift_right_logical3A_784 = arith.constant 14 : i32
    %shift_right_logical3A_785 = vector.broadcast %shift_right_logical3A_784 : i32 to vector<16xi32>
    %shift_right_logical3A_786 = arith.shrui %get3A_783, %shift_right_logical3A_785 : vector<16xi32>
    %swap3A_787 = arith.constant 1 : i32
    %swap3A_788 = arith.index_cast %swap3A_787 : i32 to index
    %swap3A_789 = arith.constant 80 : index
    %swap3A_790 = tpu.vector_load %arg8[%swap3A_788, %swap3A_789] {strides = array<i32>} : memref<3x96xi32, #tpu.memory_space<vmem>>, vector<1x16xi32>,
    %swap3A_791 = vector.shape_cast %swap3A_790 : vector<1x16xi32> to vector<16xi32>
    %swap3A_792 = vector.shape_cast %shift_right_logical3A_786 : vector<16xi32> to vector<1x16xi32>
    tpu.vector_store %arg8[%swap3A_788, %swap3A_789], %swap3A_792 {strides = array<i32>} : memref<3x96xi32, #tpu.memory_space<vmem>>, vector<1x16xi32>,
    %and3A_793 = arith.constant 16383 : i32
    %and3A_794 = vector.broadcast %and3A_793 : i32 to vector<16xi32>
    %and3A_795 = arith.andi %get3A_783, %and3A_794 : vector<16xi32>
    %swap3A_796 = arith.constant 1 : i32
    %swap3A_797 = arith.index_cast %swap3A_796 : i32 to index
    %swap3A_798 = arith.constant 80 : index
    %swap3A_799 = tpu.vector_load %arg9[%swap3A_797, %swap3A_798] {strides = array<i32>} : memref<3x96xi32, #tpu.memory_space<vmem>>, vector<1x16xi32>,
    %swap3A_800 = vector.shape_cast %swap3A_799 : vector<1x16xi32> to vector<16xi32>
    %swap3A_801 = vector.shape_cast %and3A_795 : vector<16xi32> to vector<1x16xi32>
    tpu.vector_store %arg9[%swap3A_797, %swap3A_798], %swap3A_801 {strides = array<i32>} : memref<3x96xi32, #tpu.memory_space<vmem>>, vector<1x16xi32>,
    %dma_start3A_802 = arith.constant 1 : i32
    %dma_start3A_803 = arith.constant 1 : i32
    %dma_start3A_804 = arith.constant 0 : i32
    %dma_start3A_805 = arith.constant 0 : i32
    %dma_start3A_806 = tpu.memref_slice %arg10[%dma_start3A_803, %dma_start3A_804, %dma_start3A_805] : memref<3x96x128xf32, #tpu.memory_space<vmem>> -> memref<1x96x128xf32, #tpu.memory_space<vmem>>
    %dma_start3A_807 = tpu.memref_squeeze %dma_start3A_806 : memref<1x96x128xf32, #tpu.memory_space<vmem>> -> memref<96x128xf32, #tpu.memory_space<vmem>>
    %dma_start3A_808 = arith.constant 0 : i32
    %dma_start3A_809 = tpu.memref_slice %arg8[%dma_start3A_802, %dma_start3A_808] : memref<3x96xi32, #tpu.memory_space<vmem>> -> memref<1x96xi32, #tpu.memory_space<vmem>>
    %dma_start3A_810 = tpu.memref_squeeze %dma_start3A_809 : memref<1x96xi32, #tpu.memory_space<vmem>> -> memref<96xi32, #tpu.memory_space<vmem>>
    %dma_start3A_811 = arith.constant 0 : i32
    %dma_start3A_812 = arith.constant 0 : i32
    %dma_start3A_813 = tpu.memref_slice %arg2[%dma_start3A_811, %dma_start3A_812] : memref<10000x128xf32, #tpu.memory_space<hbm>> -> memref<10000x128xf32, #tpu.memory_space<hbm>>
    tpu.enqueue_indirect_dma source(%dma_start3A_813 : memref<10000x128xf32, #tpu.memory_space<hbm>>) target(%dma_start3A_807 : memref<96x128xf32, #tpu.memory_space<vmem>>) offsets(%dma_start3A_810 : memref<96xi32, #tpu.memory_space<vmem>>) semaphore(%arg16 : memref<!tpu.dma_semaphore, #tpu.memory_space<semaphore_mem>>)
    %scan3A = arith.constant 0 : i32
    %scan3A_814 = arith.constant 1 : i32
    %scan3A_815 = arith.constant 33 : i32
    %scan3A_816 = arith.addi %scan3A_814, %scan3A_815 : i32
    %scan3A_817 = arith.constant 1 : i32
    scf.for %scan3A_977 = %scan3A_814 to %scan3A_816 step %scan3A_817  : i32 {
      %mul3A_978 = arith.constant 3 : i32
      %mul3A_979 = arith.muli %scan3A_977, %mul3A_978 : i32
      %add3A_980 = arith.constant 0 : i32
      %add3A_981 = arith.addi %mul3A_979, %add3A_980 : i32
      %dma_wait3A_982 = arith.constant 0 : i32
      %dma_wait3A_983 = arith.constant 0 : i32
      %dma_wait3A_984 = arith.constant 0 : i32
      %dma_wait3A_985 = tpu.memref_slice %arg10[%dma_wait3A_982, %dma_wait3A_983, %dma_wait3A_984] : memref<3x96x128xf32, #tpu.memory_space<vmem>> -> memref<1x96x128xf32, #tpu.memory_space<vmem>>
      %dma_wait3A_986 = tpu.memref_squeeze %dma_wait3A_985 : memref<1x96x128xf32, #tpu.memory_space<vmem>> -> memref<96x128xf32, #tpu.memory_space<vmem>>
      %dma_wait3A_987 = arith.constant 0 : i32
      %dma_wait3A_988 = arith.constant 0 : i32
      %dma_wait3A_989 = tpu.memref_slice %arg2[%dma_wait3A_987, %dma_wait3A_988] : memref<10000x128xf32, #tpu.memory_space<hbm>> -> memref<96x128xf32, #tpu.memory_space<hbm>>
      %dma_wait3A_990 = arith.constant 0 : i32
      %dma_wait3A_991 = arith.constant 0 : i32
      %dma_wait3A_992 = tpu.memref_slice %arg10[%dma_wait3A_982, %dma_wait3A_990, %dma_wait3A_991] : memref<3x96x128xf32, #tpu.memory_space<vmem>> -> memref<1x96x128xf32, #tpu.memory_space<vmem>>
      %dma_wait3A_993 = tpu.memref_squeeze %dma_wait3A_992 : memref<1x96x128xf32, #tpu.memory_space<vmem>> -> memref<96x128xf32, #tpu.memory_space<vmem>>
      %dma_wait3A_994 = arith.constant 0 : i32
      %dma_wait3A_995 = arith.constant 0 : i32
      %dma_wait3A_996 = tpu.memref_slice %arg2[%dma_wait3A_994, %dma_wait3A_995] : memref<10000x128xf32, #tpu.memory_space<hbm>> -> memref<96x128xf32, #tpu.memory_space<hbm>>
      tpu.wait_dma2 semaphore(%arg15 : memref<!tpu.dma_semaphore, #tpu.memory_space<semaphore_mem>>) src(%dma_wait3A_996 : memref<96x128xf32, #tpu.memory_space<hbm>>) dst(%dma_wait3A_993 : memref<96x128xf32, #tpu.memory_space<vmem>>)
      %dma_start3A_997 = arith.constant 0 : i32
      %dma_start3A_998 = arith.constant 0 : i32
      %dma_start3A_999 = arith.constant 0 : i32
      %dma_start3A_1000 = arith.constant 0 : i32
      %dma_start3A_1001 = tpu.memref_slice %arg10[%dma_start3A_997, %dma_start3A_999, %dma_start3A_1000] : memref<3x96x128xf32, #tpu.memory_space<vmem>> -> memref<1x96x128xf32, #tpu.memory_space<vmem>>
      %dma_start3A_1002 = tpu.memref_squeeze %dma_start3A_1001 : memref<1x96x128xf32, #tpu.memory_space<vmem>> -> memref<96x128xf32, #tpu.memory_space<vmem>>
      %dma_start3A_1003 = arith.constant 0 : i32
      %dma_start3A_1004 = tpu.memref_slice %arg9[%dma_start3A_998, %dma_start3A_1003] : memref<3x96xi32, #tpu.memory_space<vmem>> -> memref<1x96xi32, #tpu.memory_space<vmem>>
      %dma_start3A_1005 = tpu.memref_squeeze %dma_start3A_1004 : memref<1x96xi32, #tpu.memory_space<vmem>> -> memref<96xi32, #tpu.memory_space<vmem>>
      %dma_start3A_1006 = arith.constant 0 : i32
      %dma_start3A_1007 = arith.constant 0 : i32
      %dma_start3A_1008 = tpu.memref_slice %arg14[%dma_start3A_1006, %dma_start3A_1007] : memref<10000x128xf32, #tpu.memory_space<vmem_shared>> -> memref<10000x128xf32, #tpu.memory_space<vmem_shared>>
      tpu.enqueue_indirect_dma source(%dma_start3A_1002 : memref<96x128xf32, #tpu.memory_space<vmem>>) target(%dma_start3A_1008 : memref<10000x128xf32, #tpu.memory_space<vmem_shared>>) offsets(%dma_start3A_1005 : memref<96xi32, #tpu.memory_space<vmem>>) semaphore(%arg18 : memref<!tpu.dma_semaphore, #tpu.memory_space<semaphore_mem>>) {add = true}
      %dma_wait3A_1009 = arith.constant 2 : i32
      %dma_wait3A_1010 = arith.constant 0 : i32
      %dma_wait3A_1011 = arith.constant 0 : i32
      %dma_wait3A_1012 = tpu.memref_slice %arg10[%dma_wait3A_1009, %dma_wait3A_1010, %dma_wait3A_1011] : memref<3x96x128xf32, #tpu.memory_space<vmem>> -> memref<1x96x128xf32, #tpu.memory_space<vmem>>
      %dma_wait3A_1013 = tpu.memref_squeeze %dma_wait3A_1012 : memref<1x96x128xf32, #tpu.memory_space<vmem>> -> memref<96x128xf32, #tpu.memory_space<vmem>>
      %dma_wait3A_1014 = arith.constant 0 : i32
      %dma_wait3A_1015 = arith.constant 0 : i32
      %dma_wait3A_1016 = tpu.memref_slice %arg14[%dma_wait3A_1014, %dma_wait3A_1015] : memref<10000x128xf32, #tpu.memory_space<vmem_shared>> -> memref<96x128xf32, #tpu.memory_space<vmem_shared>>
      %dma_wait3A_1017 = arith.constant 0 : i32
      %dma_wait3A_1018 = arith.constant 0 : i32
      %dma_wait3A_1019 = tpu.memref_slice %arg14[%dma_wait3A_1017, %dma_wait3A_1018] : memref<10000x128xf32, #tpu.memory_space<vmem_shared>> -> memref<96x128xf32, #tpu.memory_space<vmem_shared>>
      %dma_wait3A_1020 = arith.constant 0 : i32
      %dma_wait3A_1021 = arith.constant 0 : i32
      %dma_wait3A_1022 = tpu.memref_slice %arg10[%dma_wait3A_1009, %dma_wait3A_1020, %dma_wait3A_1021] : memref<3x96x128xf32, #tpu.memory_space<vmem>> -> memref<1x96x128xf32, #tpu.memory_space<vmem>>
      %dma_wait3A_1023 = tpu.memref_squeeze %dma_wait3A_1022 : memref<1x96x128xf32, #tpu.memory_space<vmem>> -> memref<96x128xf32, #tpu.memory_space<vmem>>
      tpu.wait_dma2 semaphore(%arg20 : memref<!tpu.dma_semaphore, #tpu.memory_space<semaphore_mem>>) src(%dma_wait3A_1023 : memref<96x128xf32, #tpu.memory_space<vmem>>) dst(%dma_wait3A_1019 : memref<96x128xf32, #tpu.memory_space<vmem_shared>>)
      %add3A_1024 = arith.constant 2 : i32
      %add3A_1025 = arith.addi %add3A_981, %add3A_1024 : i32
      %lt3A_1026 = arith.constant 104 : i32
      %lt3A_1027 = arith.cmpi slt, %add3A_1025, %lt3A_1026 : i32
      %convert_element_type3A_1028 = arith.extui %lt3A_1027 : i1 to i32
      %cond3A_1029 = arith.constant 0 : i32
      %cond3A_1030 = arith.cmpi ne, %convert_element_type3A_1028, %cond3A_1029 : i32
      scf.if %cond3A_1030 {
        %add3A_1137 = arith.constant 2 : i32
        %add3A_1138 = arith.addi %add3A_981, %add3A_1137 : i32
        %mul3A_1139 = arith.constant 96 : i32
        %mul3A_1140 = arith.muli %add3A_1138, %mul3A_1139 : i32
        %add3A_1141 = arith.constant 0 : i32
        %add3A_1142 = arith.addi %mul3A_1140, %add3A_1141 : i32
        %get3A_1143 = arith.index_cast %add3A_1142 : i32 to index
        %get3A_1144 = tpu.vector_load %arg7[%get3A_1143] {strides = array<i32>} : memref<10000xi32, #tpu.memory_space<vmem>>, vector<16xi32>,
        %get3A_1145 = vector.shape_cast %get3A_1144 : vector<16xi32> to vector<16xi32>
        %shift_right_logical3A_1146 = arith.constant 14 : i32
        %shift_right_logical3A_1147 = vector.broadcast %shift_right_logical3A_1146 : i32 to vector<16xi32>
        %shift_right_logical3A_1148 = arith.shrui %get3A_1145, %shift_right_logical3A_1147 : vector<16xi32>
        %swap3A_1149 = arith.constant 2 : i32
        %swap3A_1150 = arith.index_cast %swap3A_1149 : i32 to index
        %swap3A_1151 = arith.constant 0 : index
        %swap3A_1152 = tpu.vector_load %arg8[%swap3A_1150, %swap3A_1151] {strides = array<i32>} : memref<3x96xi32, #tpu.memory_space<vmem>>, vector<1x16xi32>,
        %swap3A_1153 = vector.shape_cast %swap3A_1152 : vector<1x16xi32> to vector<16xi32>
        %swap3A_1154 = vector.shape_cast %shift_right_logical3A_1148 : vector<16xi32> to vector<1x16xi32>
        tpu.vector_store %arg8[%swap3A_1150, %swap3A_1151], %swap3A_1154 {strides = array<i32>} : memref<3x96xi32, #tpu.memory_space<vmem>>, vector<1x16xi32>,
        %and3A_1155 = arith.constant 16383 : i32
        %and3A_1156 = vector.broadcast %and3A_1155 : i32 to vector<16xi32>
        %and3A_1157 = arith.andi %get3A_1145, %and3A_1156 : vector<16xi32>
        %swap3A_1158 = arith.constant 2 : i32
        %swap3A_1159 = arith.index_cast %swap3A_1158 : i32 to index
        %swap3A_1160 = arith.constant 0 : index
        %swap3A_1161 = tpu.vector_load %arg9[%swap3A_1159, %swap3A_1160] {strides = array<i32>} : memref<3x96xi32, #tpu.memory_space<vmem>>, vector<1x16xi32>,
        %swap3A_1162 = vector.shape_cast %swap3A_1161 : vector<1x16xi32> to vector<16xi32>
        %swap3A_1163 = vector.shape_cast %and3A_1157 : vector<16xi32> to vector<1x16xi32>
        tpu.vector_store %arg9[%swap3A_1159, %swap3A_1160], %swap3A_1163 {strides = array<i32>} : memref<3x96xi32, #tpu.memory_space<vmem>>, vector<1x16xi32>,
        %mul3A_1164 = arith.constant 96 : i32
        %mul3A_1165 = arith.muli %add3A_1138, %mul3A_1164 : i32
        %add3A_1166 = arith.constant 16 : i32
        %add3A_1167 = arith.addi %mul3A_1165, %add3A_1166 : i32
        %get3A_1168 = arith.index_cast %add3A_1167 : i32 to index
        %get3A_1169 = tpu.vector_load %arg7[%get3A_1168] {strides = array<i32>} : memref<10000xi32, #tpu.memory_space<vmem>>, vector<16xi32>,
        %get3A_1170 = vector.shape_cast %get3A_1169 : vector<16xi32> to vector<16xi32>
        %shift_right_logical3A_1171 = arith.constant 14 : i32
        %shift_right_logical3A_1172 = vector.broadcast %shift_right_logical3A_1171 : i32 to vector<16xi32>
        %shift_right_logical3A_1173 = arith.shrui %get3A_1170, %shift_right_logical3A_1172 : vector<16xi32>
        %swap3A_1174 = arith.constant 2 : i32
        %swap3A_1175 = arith.index_cast %swap3A_1174 : i32 to index
        %swap3A_1176 = arith.constant 16 : index
        %swap3A_1177 = tpu.vector_load %arg8[%swap3A_1175, %swap3A_1176] {strides = array<i32>} : memref<3x96xi32, #tpu.memory_space<vmem>>, vector<1x16xi32>,
        %swap3A_1178 = vector.shape_cast %swap3A_1177 : vector<1x16xi32> to vector<16xi32>
        %swap3A_1179 = vector.shape_cast %shift_right_logical3A_1173 : vector<16xi32> to vector<1x16xi32>
        tpu.vector_store %arg8[%swap3A_1175, %swap3A_1176], %swap3A_1179 {strides = array<i32>} : memref<3x96xi32, #tpu.memory_space<vmem>>, vector<1x16xi32>,
        %and3A_1180 = arith.constant 16383 : i32
        %and3A_1181 = vector.broadcast %and3A_1180 : i32 to vector<16xi32>
        %and3A_1182 = arith.andi %get3A_1170, %and3A_1181 : vector<16xi32>
        %swap3A_1183 = arith.constant 2 : i32
        %swap3A_1184 = arith.index_cast %swap3A_1183 : i32 to index
        %swap3A_1185 = arith.constant 16 : index
        %swap3A_1186 = tpu.vector_load %arg9[%swap3A_1184, %swap3A_1185] {strides = array<i32>} : memref<3x96xi32, #tpu.memory_space<vmem>>, vector<1x16xi32>,
        %swap3A_1187 = vector.shape_cast %swap3A_1186 : vector<1x16xi32> to vector<16xi32>
        %swap3A_1188 = vector.shape_cast %and3A_1182 : vector<16xi32> to vector<1x16xi32>
        tpu.vector_store %arg9[%swap3A_1184, %swap3A_1185], %swap3A_1188 {strides = array<i32>} : memref<3x96xi32, #tpu.memory_space<vmem>>, vector<1x16xi32>,
        %mul3A_1189 = arith.constant 96 : i32
        %mul3A_1190 = arith.muli %add3A_1138, %mul3A_1189 : i32
        %add3A_1191 = arith.constant 32 : i32
        %add3A_1192 = arith.addi %mul3A_1190, %add3A_1191 : i32
        %get3A_1193 = arith.index_cast %add3A_1192 : i32 to index
        %get3A_1194 = tpu.vector_load %arg7[%get3A_1193] {strides = array<i32>} : memref<10000xi32, #tpu.memory_space<vmem>>, vector<16xi32>,
        %get3A_1195 = vector.shape_cast %get3A_1194 : vector<16xi32> to vector<16xi32>
        %shift_right_logical3A_1196 = arith.constant 14 : i32
        %shift_right_logical3A_1197 = vector.broadcast %shift_right_logical3A_1196 : i32 to vector<16xi32>
        %shift_right_logical3A_1198 = arith.shrui %get3A_1195, %shift_right_logical3A_1197 : vector<16xi32>
        %swap3A_1199 = arith.constant 2 : i32
        %swap3A_1200 = arith.index_cast %swap3A_1199 : i32 to index
        %swap3A_1201 = arith.constant 32 : index
        %swap3A_1202 = tpu.vector_load %arg8[%swap3A_1200, %swap3A_1201] {strides = array<i32>} : memref<3x96xi32, #tpu.memory_space<vmem>>, vector<1x16xi32>,
        %swap3A_1203 = vector.shape_cast %swap3A_1202 : vector<1x16xi32> to vector<16xi32>
        %swap3A_1204 = vector.shape_cast %shift_right_logical3A_1198 : vector<16xi32> to vector<1x16xi32>
        tpu.vector_store %arg8[%swap3A_1200, %swap3A_1201], %swap3A_1204 {strides = array<i32>} : memref<3x96xi32, #tpu.memory_space<vmem>>, vector<1x16xi32>,
        %and3A_1205 = arith.constant 16383 : i32
        %and3A_1206 = vector.broadcast %and3A_1205 : i32 to vector<16xi32>
        %and3A_1207 = arith.andi %get3A_1195, %and3A_1206 : vector<16xi32>
        %swap3A_1208 = arith.constant 2 : i32
        %swap3A_1209 = arith.index_cast %swap3A_1208 : i32 to index
        %swap3A_1210 = arith.constant 32 : index
        %swap3A_1211 = tpu.vector_load %arg9[%swap3A_1209, %swap3A_1210] {strides = array<i32>} : memref<3x96xi32, #tpu.memory_space<vmem>>, vector<1x16xi32>,
        %swap3A_1212 = vector.shape_cast %swap3A_1211 : vector<1x16xi32> to vector<16xi32>
        %swap3A_1213 = vector.shape_cast %and3A_1207 : vector<16xi32> to vector<1x16xi32>
        tpu.vector_store %arg9[%swap3A_1209, %swap3A_1210], %swap3A_1213 {strides = array<i32>} : memref<3x96xi32, #tpu.memory_space<vmem>>, vector<1x16xi32>,
        %mul3A_1214 = arith.constant 96 : i32
        %mul3A_1215 = arith.muli %add3A_1138, %mul3A_1214 : i32
        %add3A_1216 = arith.constant 48 : i32
        %add3A_1217 = arith.addi %mul3A_1215, %add3A_1216 : i32
        %get3A_1218 = arith.index_cast %add3A_1217 : i32 to index
        %get3A_1219 = tpu.vector_load %arg7[%get3A_1218] {strides = array<i32>} : memref<10000xi32, #tpu.memory_space<vmem>>, vector<16xi32>,
        %get3A_1220 = vector.shape_cast %get3A_1219 : vector<16xi32> to vector<16xi32>
        %shift_right_logical3A_1221 = arith.constant 14 : i32
        %shift_right_logical3A_1222 = vector.broadcast %shift_right_logical3A_1221 : i32 to vector<16xi32>
        %shift_right_logical3A_1223 = arith.shrui %get3A_1220, %shift_right_logical3A_1222 : vector<16xi32>
        %swap3A_1224 = arith.constant 2 : i32
        %swap3A_1225 = arith.index_cast %swap3A_1224 : i32 to index
        %swap3A_1226 = arith.constant 48 : index
        %swap3A_1227 = tpu.vector_load %arg8[%swap3A_1225, %swap3A_1226] {strides = array<i32>} : memref<3x96xi32, #tpu.memory_space<vmem>>, vector<1x16xi32>,
        %swap3A_1228 = vector.shape_cast %swap3A_1227 : vector<1x16xi32> to vector<16xi32>
        %swap3A_1229 = vector.shape_cast %shift_right_logical3A_1223 : vector<16xi32> to vector<1x16xi32>
        tpu.vector_store %arg8[%swap3A_1225, %swap3A_1226], %swap3A_1229 {strides = array<i32>} : memref<3x96xi32, #tpu.memory_space<vmem>>, vector<1x16xi32>,
        %and3A_1230 = arith.constant 16383 : i32
        %and3A_1231 = vector.broadcast %and3A_1230 : i32 to vector<16xi32>
        %and3A_1232 = arith.andi %get3A_1220, %and3A_1231 : vector<16xi32>
        %swap3A_1233 = arith.constant 2 : i32
        %swap3A_1234 = arith.index_cast %swap3A_1233 : i32 to index
        %swap3A_1235 = arith.constant 48 : index
        %swap3A_1236 = tpu.vector_load %arg9[%swap3A_1234, %swap3A_1235] {strides = array<i32>} : memref<3x96xi32, #tpu.memory_space<vmem>>, vector<1x16xi32>,
        %swap3A_1237 = vector.shape_cast %swap3A_1236 : vector<1x16xi32> to vector<16xi32>
        %swap3A_1238 = vector.shape_cast %and3A_1232 : vector<16xi32> to vector<1x16xi32>
        tpu.vector_store %arg9[%swap3A_1234, %swap3A_1235], %swap3A_1238 {strides = array<i32>} : memref<3x96xi32, #tpu.memory_space<vmem>>, vector<1x16xi32>,
        %mul3A_1239 = arith.constant 96 : i32
        %mul3A_1240 = arith.muli %add3A_1138, %mul3A_1239 : i32
        %add3A_1241 = arith.constant 64 : i32
        %add3A_1242 = arith.addi %mul3A_1240, %add3A_1241 : i32
        %get3A_1243 = arith.index_cast %add3A_1242 : i32 to index
        %get3A_1244 = tpu.vector_load %arg7[%get3A_1243] {strides = array<i32>} : memref<10000xi32, #tpu.memory_space<vmem>>, vector<16xi32>,
        %get3A_1245 = vector.shape_cast %get3A_1244 : vector<16xi32> to vector<16xi32>
        %shift_right_logical3A_1246 = arith.constant 14 : i32
        %shift_right_logical3A_1247 = vector.broadcast %shift_right_logical3A_1246 : i32 to vector<16xi32>
        %shift_right_logical3A_1248 = arith.shrui %get3A_1245, %shift_right_logical3A_1247 : vector<16xi32>
        %swap3A_1249 = arith.constant 2 : i32
        %swap3A_1250 = arith.index_cast %swap3A_1249 : i32 to index
        %swap3A_1251 = arith.constant 64 : index
        %swap3A_1252 = tpu.vector_load %arg8[%swap3A_1250, %swap3A_1251] {strides = array<i32>} : memref<3x96xi32, #tpu.memory_space<vmem>>, vector<1x16xi32>,
        %swap3A_1253 = vector.shape_cast %swap3A_1252 : vector<1x16xi32> to vector<16xi32>
        %swap3A_1254 = vector.shape_cast %shift_right_logical3A_1248 : vector<16xi32> to vector<1x16xi32>
        tpu.vector_store %arg8[%swap3A_1250, %swap3A_1251], %swap3A_1254 {strides = array<i32>} : memref<3x96xi32, #tpu.memory_space<vmem>>, vector<1x16xi32>,
        %and3A_1255 = arith.constant 16383 : i32
        %and3A_1256 = vector.broadcast %and3A_1255 : i32 to vector<16xi32>
        %and3A_1257 = arith.andi %get3A_1245, %and3A_1256 : vector<16xi32>
        %swap3A_1258 = arith.constant 2 : i32
        %swap3A_1259 = arith.index_cast %swap3A_1258 : i32 to index
        %swap3A_1260 = arith.constant 64 : index
        %swap3A_1261 = tpu.vector_load %arg9[%swap3A_1259, %swap3A_1260] {strides = array<i32>} : memref<3x96xi32, #tpu.memory_space<vmem>>, vector<1x16xi32>,
        %swap3A_1262 = vector.shape_cast %swap3A_1261 : vector<1x16xi32> to vector<16xi32>
        %swap3A_1263 = vector.shape_cast %and3A_1257 : vector<16xi32> to vector<1x16xi32>
        tpu.vector_store %arg9[%swap3A_1259, %swap3A_1260], %swap3A_1263 {strides = array<i32>} : memref<3x96xi32, #tpu.memory_space<vmem>>, vector<1x16xi32>,
        %mul3A_1264 = arith.constant 96 : i32
        %mul3A_1265 = arith.muli %add3A_1138, %mul3A_1264 : i32
        %add3A_1266 = arith.constant 80 : i32
        %add3A_1267 = arith.addi %mul3A_1265, %add3A_1266 : i32
        %get3A_1268 = arith.index_cast %add3A_1267 : i32 to index
        %get3A_1269 = tpu.vector_load %arg7[%get3A_1268] {strides = array<i32>} : memref<10000xi32, #tpu.memory_space<vmem>>, vector<16xi32>,
        %get3A_1270 = vector.shape_cast %get3A_1269 : vector<16xi32> to vector<16xi32>
        %shift_right_logical3A_1271 = arith.constant 14 : i32
        %shift_right_logical3A_1272 = vector.broadcast %shift_right_logical3A_1271 : i32 to vector<16xi32>
        %shift_right_logical3A_1273 = arith.shrui %get3A_1270, %shift_right_logical3A_1272 : vector<16xi32>
        %swap3A_1274 = arith.constant 2 : i32
        %swap3A_1275 = arith.index_cast %swap3A_1274 : i32 to index
        %swap3A_1276 = arith.constant 80 : index
        %swap3A_1277 = tpu.vector_load %arg8[%swap3A_1275, %swap3A_1276] {strides = array<i32>} : memref<3x96xi32, #tpu.memory_space<vmem>>, vector<1x16xi32>,
        %swap3A_1278 = vector.shape_cast %swap3A_1277 : vector<1x16xi32> to vector<16xi32>
        %swap3A_1279 = vector.shape_cast %shift_right_logical3A_1273 : vector<16xi32> to vector<1x16xi32>
        tpu.vector_store %arg8[%swap3A_1275, %swap3A_1276], %swap3A_1279 {strides = array<i32>} : memref<3x96xi32, #tpu.memory_space<vmem>>, vector<1x16xi32>,
        %and3A_1280 = arith.constant 16383 : i32
        %and3A_1281 = vector.broadcast %and3A_1280 : i32 to vector<16xi32>
        %and3A_1282 = arith.andi %get3A_1270, %and3A_1281 : vector<16xi32>
        %swap3A_1283 = arith.constant 2 : i32
        %swap3A_1284 = arith.index_cast %swap3A_1283 : i32 to index
        %swap3A_1285 = arith.constant 80 : index
        %swap3A_1286 = tpu.vector_load %arg9[%swap3A_1284, %swap3A_1285] {strides = array<i32>} : memref<3x96xi32, #tpu.memory_space<vmem>>, vector<1x16xi32>,
        %swap3A_1287 = vector.shape_cast %swap3A_1286 : vector<1x16xi32> to vector<16xi32>
        %swap3A_1288 = vector.shape_cast %and3A_1282 : vector<16xi32> to vector<1x16xi32>
        tpu.vector_store %arg9[%swap3A_1284, %swap3A_1285], %swap3A_1288 {strides = array<i32>} : memref<3x96xi32, #tpu.memory_space<vmem>>, vector<1x16xi32>,
        %dma_start3A_1289 = arith.constant 2 : i32
        %dma_start3A_1290 = arith.constant 2 : i32
        %dma_start3A_1291 = arith.constant 0 : i32
        %dma_start3A_1292 = arith.constant 0 : i32
        %dma_start3A_1293 = tpu.memref_slice %arg10[%dma_start3A_1290, %dma_start3A_1291, %dma_start3A_1292] : memref<3x96x128xf32, #tpu.memory_space<vmem>> -> memref<1x96x128xf32, #tpu.memory_space<vmem>>
        %dma_start3A_1294 = tpu.memref_squeeze %dma_start3A_1293 : memref<1x96x128xf32, #tpu.memory_space<vmem>> -> memref<96x128xf32, #tpu.memory_space<vmem>>
        %dma_start3A_1295 = arith.constant 0 : i32
        %dma_start3A_1296 = tpu.memref_slice %arg8[%dma_start3A_1289, %dma_start3A_1295] : memref<3x96xi32, #tpu.memory_space<vmem>> -> memref<1x96xi32, #tpu.memory_space<vmem>>
        %dma_start3A_1297 = tpu.memref_squeeze %dma_start3A_1296 : memref<1x96xi32, #tpu.memory_space<vmem>> -> memref<96xi32, #tpu.memory_space<vmem>>
        %dma_start3A_1298 = arith.constant 0 : i32
        %dma_start3A_1299 = arith.constant 0 : i32
        %dma_start3A_1300 = tpu.memref_slice %arg2[%dma_start3A_1298, %dma_start3A_1299] : memref<10000x128xf32, #tpu.memory_space<hbm>> -> memref<10000x128xf32, #tpu.memory_space<hbm>>
        tpu.enqueue_indirect_dma source(%dma_start3A_1300 : memref<10000x128xf32, #tpu.memory_space<hbm>>) target(%dma_start3A_1294 : memref<96x128xf32, #tpu.memory_space<vmem>>) offsets(%dma_start3A_1297 : memref<96xi32, #tpu.memory_space<vmem>>) semaphore(%arg17 : memref<!tpu.dma_semaphore, #tpu.memory_space<semaphore_mem>>)
      } else {
      }
      %mul3A_1031 = arith.constant 3 : i32
      %mul3A_1032 = arith.muli %scan3A_977, %mul3A_1031 : i32
      %add3A_1033 = arith.constant 1 : i32
      %add3A_1034 = arith.addi %mul3A_1032, %add3A_1033 : i32
      %dma_wait3A_1035 = arith.constant 1 : i32
      %dma_wait3A_1036 = arith.constant 0 : i32
      %dma_wait3A_1037 = arith.constant 0 : i32
      %dma_wait3A_1038 = tpu.memref_slice %arg10[%dma_wait3A_1035, %dma_wait3A_1036, %dma_wait3A_1037] : memref<3x96x128xf32, #tpu.memory_space<vmem>> -> memref<1x96x128xf32, #tpu.memory_space<vmem>>
      %dma_wait3A_1039 = tpu.memref_squeeze %dma_wait3A_1038 : memref<1x96x128xf32, #tpu.memory_space<vmem>> -> memref<96x128xf32, #tpu.memory_space<vmem>>
      %dma_wait3A_1040 = arith.constant 0 : i32
      %dma_wait3A_1041 = arith.constant 0 : i32
      %dma_wait3A_1042 = tpu.memref_slice %arg2[%dma_wait3A_1040, %dma_wait3A_1041] : memref<10000x128xf32, #tpu.memory_space<hbm>> -> memref<96x128xf32, #tpu.memory_space<hbm>>
      %dma_wait3A_1043 = arith.constant 0 : i32
      %dma_wait3A_1044 = arith.constant 0 : i32
      %dma_wait3A_1045 = tpu.memref_slice %arg10[%dma_wait3A_1035, %dma_wait3A_1043, %dma_wait3A_1044] : memref<3x96x128xf32, #tpu.memory_space<vmem>> -> memref<1x96x128xf32, #tpu.memory_space<vmem>>
      %dma_wait3A_1046 = tpu.memref_squeeze %dma_wait3A_1045 : memref<1x96x128xf32, #tpu.memory_space<vmem>> -> memref<96x128xf32, #tpu.memory_space<vmem>>
      %dma_wait3A_1047 = arith.constant 0 : i32
      %dma_wait3A_1048 = arith.constant 0 : i32
      %dma_wait3A_1049 = tpu.memref_slice %arg2[%dma_wait3A_1047, %dma_wait3A_1048] : memref<10000x128xf32, #tpu.memory_space<hbm>> -> memref<96x128xf32, #tpu.memory_space<hbm>>
      tpu.wait_dma2 semaphore(%arg16 : memref<!tpu.dma_semaphore, #tpu.memory_space<semaphore_mem>>) src(%dma_wait3A_1049 : memref<96x128xf32, #tpu.memory_space<hbm>>) dst(%dma_wait3A_1046 : memref<96x128xf32, #tpu.memory_space<vmem>>)
      %dma_start3A_1050 = arith.constant 1 : i32
      %dma_start3A_1051 = arith.constant 1 : i32
      %dma_start3A_1052 = arith.constant 0 : i32
      %dma_start3A_1053 = arith.constant 0 : i32
      %dma_start3A_1054 = tpu.memref_slice %arg10[%dma_start3A_1050, %dma_start3A_1052, %dma_start3A_1053] : memref<3x96x128xf32, #tpu.memory_space<vmem>> -> memref<1x96x128xf32, #tpu.memory_space<vmem>>
      %dma_start3A_1055 = tpu.memref_squeeze %dma_start3A_1054 : memref<1x96x128xf32, #tpu.memory_space<vmem>> -> memref<96x128xf32, #tpu.memory_space<vmem>>
      %dma_start3A_1056 = arith.constant 0 : i32
      %dma_start3A_1057 = tpu.memref_slice %arg9[%dma_start3A_1051, %dma_start3A_1056] : memref<3x96xi32, #tpu.memory_space<vmem>> -> memref<1x96xi32, #tpu.memory_space<vmem>>
      %dma_start3A_1058 = tpu.memref_squeeze %dma_start3A_1057 : memref<1x96xi32, #tpu.memory_space<vmem>> -> memref<96xi32, #tpu.memory_space<vmem>>
      %dma_start3A_1059 = arith.constant 0 : i32
      %dma_start3A_1060 = arith.constant 0 : i32
      %dma_start3A_1061 = tpu.memref_slice %arg14[%dma_start3A_1059, %dma_start3A_1060] : memref<10000x128xf32, #tpu.memory_space<vmem_shared>> -> memref<10000x128xf32, #tpu.memory_space<vmem_shared>>
      tpu.enqueue_indirect_dma source(%dma_start3A_1055 : memref<96x128xf32, #tpu.memory_space<vmem>>) target(%dma_start3A_1061 : memref<10000x128xf32, #tpu.memory_space<vmem_shared>>) offsets(%dma_start3A_1058 : memref<96xi32, #tpu.memory_space<vmem>>) semaphore(%arg19 : memref<!tpu.dma_semaphore, #tpu.memory_space<semaphore_mem>>) {add = true}
      %dma_wait3A_1062 = arith.constant 0 : i32
      %dma_wait3A_1063 = arith.constant 0 : i32
      %dma_wait3A_1064 = arith.constant 0 : i32
      %dma_wait3A_1065 = tpu.memref_slice %arg10[%dma_wait3A_1062, %dma_wait3A_1063, %dma_wait3A_1064] : memref<3x96x128xf32, #tpu.memory_space<vmem>> -> memref<1x96x128xf32, #tpu.memory_space<vmem>>
      %dma_wait3A_1066 = tpu.memref_squeeze %dma_wait3A_1065 : memref<1x96x128xf32, #tpu.memory_space<vmem>> -> memref<96x128xf32, #tpu.memory_space<vmem>>
      %dma_wait3A_1067 = arith.constant 0 : i32
      %dma_wait3A_1068 = arith.constant 0 : i32
      %dma_wait3A_1069 = tpu.memref_slice %arg14[%dma_wait3A_1067, %dma_wait3A_1068] : memref<10000x128xf32, #tpu.memory_space<vmem_shared>> -> memref<96x128xf32, #tpu.memory_space<vmem_shared>>
      %dma_wait3A_1070 = arith.constant 0 : i32
      %dma_wait3A_1071 = arith.constant 0 : i32
      %dma_wait3A_1072 = tpu.memref_slice %arg14[%dma_wait3A_1070, %dma_wait3A_1071] : memref<10000x128xf32, #tpu.memory_space<vmem_shared>> -> memref<96x128xf32, #tpu.memory_space<vmem_shared>>
      %dma_wait3A_1073 = arith.constant 0 : i32
      %dma_wait3A_1074 = arith.constant 0 : i32
      %dma_wait3A_1075 = tpu.memref_slice %arg10[%dma_wait3A_1062, %dma_wait3A_1073, %dma_wait3A_1074] : memref<3x96x128xf32, #tpu.memory_space<vmem>> -> memref<1x96x128xf32, #tpu.memory_space<vmem>>
      %dma_wait3A_1076 = tpu.memref_squeeze %dma_wait3A_1075 : memref<1x96x128xf32, #tpu.memory_space<vmem>> -> memref<96x128xf32, #tpu.memory_space<vmem>>
      tpu.wait_dma2 semaphore(%arg18 : memref<!tpu.dma_semaphore, #tpu.memory_space<semaphore_mem>>) src(%dma_wait3A_1076 : memref<96x128xf32, #tpu.memory_space<vmem>>) dst(%dma_wait3A_1072 : memref<96x128xf32, #tpu.memory_space<vmem_shared>>)
      %add3A_1077 = arith.constant 2 : i32
      %add3A_1078 = arith.addi %add3A_1034, %add3A_1077 : i32
      %lt3A_1079 = arith.constant 104 : i32
      %lt3A_1080 = arith.cmpi slt, %add3A_1078, %lt3A_1079 : i32
      %convert_element_type3A_1081 = arith.extui %lt3A_1080 : i1 to i32
      %cond3A_1082 = arith.constant 0 : i32
      %cond3A_1083 = arith.cmpi ne, %convert_element_type3A_1081, %cond3A_1082 : i32
      scf.if %cond3A_1083 {
        %add3A_1137 = arith.constant 2 : i32
        %add3A_1138 = arith.addi %add3A_1034, %add3A_1137 : i32
        %mul3A_1139 = arith.constant 96 : i32
        %mul3A_1140 = arith.muli %add3A_1138, %mul3A_1139 : i32
        %add3A_1141 = arith.constant 0 : i32
        %add3A_1142 = arith.addi %mul3A_1140, %add3A_1141 : i32
        %get3A_1143 = arith.index_cast %add3A_1142 : i32 to index
        %get3A_1144 = tpu.vector_load %arg7[%get3A_1143] {strides = array<i32>} : memref<10000xi32, #tpu.memory_space<vmem>>, vector<16xi32>,
        %get3A_1145 = vector.shape_cast %get3A_1144 : vector<16xi32> to vector<16xi32>
        %shift_right_logical3A_1146 = arith.constant 14 : i32
        %shift_right_logical3A_1147 = vector.broadcast %shift_right_logical3A_1146 : i32 to vector<16xi32>
        %shift_right_logical3A_1148 = arith.shrui %get3A_1145, %shift_right_logical3A_1147 : vector<16xi32>
        %swap3A_1149 = arith.constant 0 : i32
        %swap3A_1150 = arith.index_cast %swap3A_1149 : i32 to index
        %swap3A_1151 = arith.constant 0 : index
        %swap3A_1152 = tpu.vector_load %arg8[%swap3A_1150, %swap3A_1151] {strides = array<i32>} : memref<3x96xi32, #tpu.memory_space<vmem>>, vector<1x16xi32>,
        %swap3A_1153 = vector.shape_cast %swap3A_1152 : vector<1x16xi32> to vector<16xi32>
        %swap3A_1154 = vector.shape_cast %shift_right_logical3A_1148 : vector<16xi32> to vector<1x16xi32>
        tpu.vector_store %arg8[%swap3A_1150, %swap3A_1151], %swap3A_1154 {strides = array<i32>} : memref<3x96xi32, #tpu.memory_space<vmem>>, vector<1x16xi32>,
        %and3A_1155 = arith.constant 16383 : i32
        %and3A_1156 = vector.broadcast %and3A_1155 : i32 to vector<16xi32>
        %and3A_1157 = arith.andi %get3A_1145, %and3A_1156 : vector<16xi32>
        %swap3A_1158 = arith.constant 0 : i32
        %swap3A_1159 = arith.index_cast %swap3A_1158 : i32 to index
        %swap3A_1160 = arith.constant 0 : index
        %swap3A_1161 = tpu.vector_load %arg9[%swap3A_1159, %swap3A_1160] {strides = array<i32>} : memref<3x96xi32, #tpu.memory_space<vmem>>, vector<1x16xi32>,
        %swap3A_1162 = vector.shape_cast %swap3A_1161 : vector<1x16xi32> to vector<16xi32>
        %swap3A_1163 = vector.shape_cast %and3A_1157 : vector<16xi32> to vector<1x16xi32>
        tpu.vector_store %arg9[%swap3A_1159, %swap3A_1160], %swap3A_1163 {strides = array<i32>} : memref<3x96xi32, #tpu.memory_space<vmem>>, vector<1x16xi32>,
        %mul3A_1164 = arith.constant 96 : i32
        %mul3A_1165 = arith.muli %add3A_1138, %mul3A_1164 : i32
        %add3A_1166 = arith.constant 16 : i32
        %add3A_1167 = arith.addi %mul3A_1165, %add3A_1166 : i32
        %get3A_1168 = arith.index_cast %add3A_1167 : i32 to index
        %get3A_1169 = tpu.vector_load %arg7[%get3A_1168] {strides = array<i32>} : memref<10000xi32, #tpu.memory_space<vmem>>, vector<16xi32>,
        %get3A_1170 = vector.shape_cast %get3A_1169 : vector<16xi32> to vector<16xi32>
        %shift_right_logical3A_1171 = arith.constant 14 : i32
        %shift_right_logical3A_1172 = vector.broadcast %shift_right_logical3A_1171 : i32 to vector<16xi32>
        %shift_right_logical3A_1173 = arith.shrui %get3A_1170, %shift_right_logical3A_1172 : vector<16xi32>
        %swap3A_1174 = arith.constant 0 : i32
        %swap3A_1175 = arith.index_cast %swap3A_1174 : i32 to index
        %swap3A_1176 = arith.constant 16 : index
        %swap3A_1177 = tpu.vector_load %arg8[%swap3A_1175, %swap3A_1176] {strides = array<i32>} : memref<3x96xi32, #tpu.memory_space<vmem>>, vector<1x16xi32>,
        %swap3A_1178 = vector.shape_cast %swap3A_1177 : vector<1x16xi32> to vector<16xi32>
        %swap3A_1179 = vector.shape_cast %shift_right_logical3A_1173 : vector<16xi32> to vector<1x16xi32>
        tpu.vector_store %arg8[%swap3A_1175, %swap3A_1176], %swap3A_1179 {strides = array<i32>} : memref<3x96xi32, #tpu.memory_space<vmem>>, vector<1x16xi32>,
        %and3A_1180 = arith.constant 16383 : i32
        %and3A_1181 = vector.broadcast %and3A_1180 : i32 to vector<16xi32>
        %and3A_1182 = arith.andi %get3A_1170, %and3A_1181 : vector<16xi32>
        %swap3A_1183 = arith.constant 0 : i32
        %swap3A_1184 = arith.index_cast %swap3A_1183 : i32 to index
        %swap3A_1185 = arith.constant 16 : index
        %swap3A_1186 = tpu.vector_load %arg9[%swap3A_1184, %swap3A_1185] {strides = array<i32>} : memref<3x96xi32, #tpu.memory_space<vmem>>, vector<1x16xi32>,
        %swap3A_1187 = vector.shape_cast %swap3A_1186 : vector<1x16xi32> to vector<16xi32>
        %swap3A_1188 = vector.shape_cast %and3A_1182 : vector<16xi32> to vector<1x16xi32>
        tpu.vector_store %arg9[%swap3A_1184, %swap3A_1185], %swap3A_1188 {strides = array<i32>} : memref<3x96xi32, #tpu.memory_space<vmem>>, vector<1x16xi32>,
        %mul3A_1189 = arith.constant 96 : i32
        %mul3A_1190 = arith.muli %add3A_1138, %mul3A_1189 : i32
        %add3A_1191 = arith.constant 32 : i32
        %add3A_1192 = arith.addi %mul3A_1190, %add3A_1191 : i32
        %get3A_1193 = arith.index_cast %add3A_1192 : i32 to index
        %get3A_1194 = tpu.vector_load %arg7[%get3A_1193] {strides = array<i32>} : memref<10000xi32, #tpu.memory_space<vmem>>, vector<16xi32>,
        %get3A_1195 = vector.shape_cast %get3A_1194 : vector<16xi32> to vector<16xi32>
        %shift_right_logical3A_1196 = arith.constant 14 : i32
        %shift_right_logical3A_1197 = vector.broadcast %shift_right_logical3A_1196 : i32 to vector<16xi32>
        %shift_right_logical3A_1198 = arith.shrui %get3A_1195, %shift_right_logical3A_1197 : vector<16xi32>
        %swap3A_1199 = arith.constant 0 : i32
        %swap3A_1200 = arith.index_cast %swap3A_1199 : i32 to index
        %swap3A_1201 = arith.constant 32 : index
        %swap3A_1202 = tpu.vector_load %arg8[%swap3A_1200, %swap3A_1201] {strides = array<i32>} : memref<3x96xi32, #tpu.memory_space<vmem>>, vector<1x16xi32>,
        %swap3A_1203 = vector.shape_cast %swap3A_1202 : vector<1x16xi32> to vector<16xi32>
        %swap3A_1204 = vector.shape_cast %shift_right_logical3A_1198 : vector<16xi32> to vector<1x16xi32>
        tpu.vector_store %arg8[%swap3A_1200, %swap3A_1201], %swap3A_1204 {strides = array<i32>} : memref<3x96xi32, #tpu.memory_space<vmem>>, vector<1x16xi32>,
        %and3A_1205 = arith.constant 16383 : i32
        %and3A_1206 = vector.broadcast %and3A_1205 : i32 to vector<16xi32>
        %and3A_1207 = arith.andi %get3A_1195, %and3A_1206 : vector<16xi32>
        %swap3A_1208 = arith.constant 0 : i32
        %swap3A_1209 = arith.index_cast %swap3A_1208 : i32 to index
        %swap3A_1210 = arith.constant 32 : index
        %swap3A_1211 = tpu.vector_load %arg9[%swap3A_1209, %swap3A_1210] {strides = array<i32>} : memref<3x96xi32, #tpu.memory_space<vmem>>, vector<1x16xi32>,
        %swap3A_1212 = vector.shape_cast %swap3A_1211 : vector<1x16xi32> to vector<16xi32>
        %swap3A_1213 = vector.shape_cast %and3A_1207 : vector<16xi32> to vector<1x16xi32>
        tpu.vector_store %arg9[%swap3A_1209, %swap3A_1210], %swap3A_1213 {strides = array<i32>} : memref<3x96xi32, #tpu.memory_space<vmem>>, vector<1x16xi32>,
        %mul3A_1214 = arith.constant 96 : i32
        %mul3A_1215 = arith.muli %add3A_1138, %mul3A_1214 : i32
        %add3A_1216 = arith.constant 48 : i32
        %add3A_1217 = arith.addi %mul3A_1215, %add3A_1216 : i32
        %get3A_1218 = arith.index_cast %add3A_1217 : i32 to index
        %get3A_1219 = tpu.vector_load %arg7[%get3A_1218] {strides = array<i32>} : memref<10000xi32, #tpu.memory_space<vmem>>, vector<16xi32>,
        %get3A_1220 = vector.shape_cast %get3A_1219 : vector<16xi32> to vector<16xi32>
        %shift_right_logical3A_1221 = arith.constant 14 : i32
        %shift_right_logical3A_1222 = vector.broadcast %shift_right_logical3A_1221 : i32 to vector<16xi32>
        %shift_right_logical3A_1223 = arith.shrui %get3A_1220, %shift_right_logical3A_1222 : vector<16xi32>
        %swap3A_1224 = arith.constant 0 : i32
        %swap3A_1225 = arith.index_cast %swap3A_1224 : i32 to index
        %swap3A_1226 = arith.constant 48 : index
        %swap3A_1227 = tpu.vector_load %arg8[%swap3A_1225, %swap3A_1226] {strides = array<i32>} : memref<3x96xi32, #tpu.memory_space<vmem>>, vector<1x16xi32>,
        %swap3A_1228 = vector.shape_cast %swap3A_1227 : vector<1x16xi32> to vector<16xi32>
        %swap3A_1229 = vector.shape_cast %shift_right_logical3A_1223 : vector<16xi32> to vector<1x16xi32>
        tpu.vector_store %arg8[%swap3A_1225, %swap3A_1226], %swap3A_1229 {strides = array<i32>} : memref<3x96xi32, #tpu.memory_space<vmem>>, vector<1x16xi32>,
        %and3A_1230 = arith.constant 16383 : i32
        %and3A_1231 = vector.broadcast %and3A_1230 : i32 to vector<16xi32>
        %and3A_1232 = arith.andi %get3A_1220, %and3A_1231 : vector<16xi32>
        %swap3A_1233 = arith.constant 0 : i32
        %swap3A_1234 = arith.index_cast %swap3A_1233 : i32 to index
        %swap3A_1235 = arith.constant 48 : index
        %swap3A_1236 = tpu.vector_load %arg9[%swap3A_1234, %swap3A_1235] {strides = array<i32>} : memref<3x96xi32, #tpu.memory_space<vmem>>, vector<1x16xi32>,
        %swap3A_1237 = vector.shape_cast %swap3A_1236 : vector<1x16xi32> to vector<16xi32>
        %swap3A_1238 = vector.shape_cast %and3A_1232 : vector<16xi32> to vector<1x16xi32>
        tpu.vector_store %arg9[%swap3A_1234, %swap3A_1235], %swap3A_1238 {strides = array<i32>} : memref<3x96xi32, #tpu.memory_space<vmem>>, vector<1x16xi32>,
        %mul3A_1239 = arith.constant 96 : i32
        %mul3A_1240 = arith.muli %add3A_1138, %mul3A_1239 : i32
        %add3A_1241 = arith.constant 64 : i32
        %add3A_1242 = arith.addi %mul3A_1240, %add3A_1241 : i32
        %get3A_1243 = arith.index_cast %add3A_1242 : i32 to index
        %get3A_1244 = tpu.vector_load %arg7[%get3A_1243] {strides = array<i32>} : memref<10000xi32, #tpu.memory_space<vmem>>, vector<16xi32>,
        %get3A_1245 = vector.shape_cast %get3A_1244 : vector<16xi32> to vector<16xi32>
        %shift_right_logical3A_1246 = arith.constant 14 : i32
        %shift_right_logical3A_1247 = vector.broadcast %shift_right_logical3A_1246 : i32 to vector<16xi32>
        %shift_right_logical3A_1248 = arith.shrui %get3A_1245, %shift_right_logical3A_1247 : vector<16xi32>
        %swap3A_1249 = arith.constant 0 : i32
        %swap3A_1250 = arith.index_cast %swap3A_1249 : i32 to index
        %swap3A_1251 = arith.constant 64 : index
        %swap3A_1252 = tpu.vector_load %arg8[%swap3A_1250, %swap3A_1251] {strides = array<i32>} : memref<3x96xi32, #tpu.memory_space<vmem>>, vector<1x16xi32>,
        %swap3A_1253 = vector.shape_cast %swap3A_1252 : vector<1x16xi32> to vector<16xi32>
        %swap3A_1254 = vector.shape_cast %shift_right_logical3A_1248 : vector<16xi32> to vector<1x16xi32>
        tpu.vector_store %arg8[%swap3A_1250, %swap3A_1251], %swap3A_1254 {strides = array<i32>} : memref<3x96xi32, #tpu.memory_space<vmem>>, vector<1x16xi32>,
        %and3A_1255 = arith.constant 16383 : i32
        %and3A_1256 = vector.broadcast %and3A_1255 : i32 to vector<16xi32>
        %and3A_1257 = arith.andi %get3A_1245, %and3A_1256 : vector<16xi32>
        %swap3A_1258 = arith.constant 0 : i32
        %swap3A_1259 = arith.index_cast %swap3A_1258 : i32 to index
        %swap3A_1260 = arith.constant 64 : index
        %swap3A_1261 = tpu.vector_load %arg9[%swap3A_1259, %swap3A_1260] {strides = array<i32>} : memref<3x96xi32, #tpu.memory_space<vmem>>, vector<1x16xi32>,
        %swap3A_1262 = vector.shape_cast %swap3A_1261 : vector<1x16xi32> to vector<16xi32>
        %swap3A_1263 = vector.shape_cast %and3A_1257 : vector<16xi32> to vector<1x16xi32>
        tpu.vector_store %arg9[%swap3A_1259, %swap3A_1260], %swap3A_1263 {strides = array<i32>} : memref<3x96xi32, #tpu.memory_space<vmem>>, vector<1x16xi32>,
        %mul3A_1264 = arith.constant 96 : i32
        %mul3A_1265 = arith.muli %add3A_1138, %mul3A_1264 : i32
        %add3A_1266 = arith.constant 80 : i32
        %add3A_1267 = arith.addi %mul3A_1265, %add3A_1266 : i32
        %get3A_1268 = arith.index_cast %add3A_1267 : i32 to index
        %get3A_1269 = tpu.vector_load %arg7[%get3A_1268] {strides = array<i32>} : memref<10000xi32, #tpu.memory_space<vmem>>, vector<16xi32>,
        %get3A_1270 = vector.shape_cast %get3A_1269 : vector<16xi32> to vector<16xi32>
        %shift_right_logical3A_1271 = arith.constant 14 : i32
        %shift_right_logical3A_1272 = vector.broadcast %shift_right_logical3A_1271 : i32 to vector<16xi32>
        %shift_right_logical3A_1273 = arith.shrui %get3A_1270, %shift_right_logical3A_1272 : vector<16xi32>
        %swap3A_1274 = arith.constant 0 : i32
        %swap3A_1275 = arith.index_cast %swap3A_1274 : i32 to index
        %swap3A_1276 = arith.constant 80 : index
        %swap3A_1277 = tpu.vector_load %arg8[%swap3A_1275, %swap3A_1276] {strides = array<i32>} : memref<3x96xi32, #tpu.memory_space<vmem>>, vector<1x16xi32>,
        %swap3A_1278 = vector.shape_cast %swap3A_1277 : vector<1x16xi32> to vector<16xi32>
        %swap3A_1279 = vector.shape_cast %shift_right_logical3A_1273 : vector<16xi32> to vector<1x16xi32>
        tpu.vector_store %arg8[%swap3A_1275, %swap3A_1276], %swap3A_1279 {strides = array<i32>} : memref<3x96xi32, #tpu.memory_space<vmem>>, vector<1x16xi32>,
        %and3A_1280 = arith.constant 16383 : i32
        %and3A_1281 = vector.broadcast %and3A_1280 : i32 to vector<16xi32>
        %and3A_1282 = arith.andi %get3A_1270, %and3A_1281 : vector<16xi32>
        %swap3A_1283 = arith.constant 0 : i32
        %swap3A_1284 = arith.index_cast %swap3A_1283 : i32 to index
        %swap3A_1285 = arith.constant 80 : index
        %swap3A_1286 = tpu.vector_load %arg9[%swap3A_1284, %swap3A_1285] {strides = array<i32>} : memref<3x96xi32, #tpu.memory_space<vmem>>, vector<1x16xi32>,
        %swap3A_1287 = vector.shape_cast %swap3A_1286 : vector<1x16xi32> to vector<16xi32>
        %swap3A_1288 = vector.shape_cast %and3A_1282 : vector<16xi32> to vector<1x16xi32>
        tpu.vector_store %arg9[%swap3A_1284, %swap3A_1285], %swap3A_1288 {strides = array<i32>} : memref<3x96xi32, #tpu.memory_space<vmem>>, vector<1x16xi32>,
        %dma_start3A_1289 = arith.constant 0 : i32
        %dma_start3A_1290 = arith.constant 0 : i32
        %dma_start3A_1291 = arith.constant 0 : i32
        %dma_start3A_1292 = arith.constant 0 : i32
        %dma_start3A_1293 = tpu.memref_slice %arg10[%dma_start3A_1290, %dma_start3A_1291, %dma_start3A_1292] : memref<3x96x128xf32, #tpu.memory_space<vmem>> -> memref<1x96x128xf32, #tpu.memory_space<vmem>>
        %dma_start3A_1294 = tpu.memref_squeeze %dma_start3A_1293 : memref<1x96x128xf32, #tpu.memory_space<vmem>> -> memref<96x128xf32, #tpu.memory_space<vmem>>
        %dma_start3A_1295 = arith.constant 0 : i32
        %dma_start3A_1296 = tpu.memref_slice %arg8[%dma_start3A_1289, %dma_start3A_1295] : memref<3x96xi32, #tpu.memory_space<vmem>> -> memref<1x96xi32, #tpu.memory_space<vmem>>
        %dma_start3A_1297 = tpu.memref_squeeze %dma_start3A_1296 : memref<1x96xi32, #tpu.memory_space<vmem>> -> memref<96xi32, #tpu.memory_space<vmem>>
        %dma_start3A_1298 = arith.constant 0 : i32
        %dma_start3A_1299 = arith.constant 0 : i32
        %dma_start3A_1300 = tpu.memref_slice %arg2[%dma_start3A_1298, %dma_start3A_1299] : memref<10000x128xf32, #tpu.memory_space<hbm>> -> memref<10000x128xf32, #tpu.memory_space<hbm>>
        tpu.enqueue_indirect_dma source(%dma_start3A_1300 : memref<10000x128xf32, #tpu.memory_space<hbm>>) target(%dma_start3A_1294 : memref<96x128xf32, #tpu.memory_space<vmem>>) offsets(%dma_start3A_1297 : memref<96xi32, #tpu.memory_space<vmem>>) semaphore(%arg15 : memref<!tpu.dma_semaphore, #tpu.memory_space<semaphore_mem>>)
      } else {
      }
      %mul3A_1084 = arith.constant 3 : i32
      %mul3A_1085 = arith.muli %scan3A_977, %mul3A_1084 : i32
      %add3A_1086 = arith.constant 2 : i32
      %add3A_1087 = arith.addi %mul3A_1085, %add3A_1086 : i32
      %dma_wait3A_1088 = arith.constant 2 : i32
      %dma_wait3A_1089 = arith.constant 0 : i32
      %dma_wait3A_1090 = arith.constant 0 : i32
      %dma_wait3A_1091 = tpu.memref_slice %arg10[%dma_wait3A_1088, %dma_wait3A_1089, %dma_wait3A_1090] : memref<3x96x128xf32, #tpu.memory_space<vmem>> -> memref<1x96x128xf32, #tpu.memory_space<vmem>>
      %dma_wait3A_1092 = tpu.memref_squeeze %dma_wait3A_1091 : memref<1x96x128xf32, #tpu.memory_space<vmem>> -> memref<96x128xf32, #tpu.memory_space<vmem>>
      %dma_wait3A_1093 = arith.constant 0 : i32
      %dma_wait3A_1094 = arith.constant 0 : i32
      %dma_wait3A_1095 = tpu.memref_slice %arg2[%dma_wait3A_1093, %dma_wait3A_1094] : memref<10000x128xf32, #tpu.memory_space<hbm>> -> memref<96x128xf32, #tpu.memory_space<hbm>>
      %dma_wait3A_1096 = arith.constant 0 : i32
      %dma_wait3A_1097 = arith.constant 0 : i32
      %dma_wait3A_1098 = tpu.memref_slice %arg10[%dma_wait3A_1088, %dma_wait3A_1096, %dma_wait3A_1097] : memref<3x96x128xf32, #tpu.memory_space<vmem>> -> memref<1x96x128xf32, #tpu.memory_space<vmem>>
      %dma_wait3A_1099 = tpu.memref_squeeze %dma_wait3A_1098 : memref<1x96x128xf32, #tpu.memory_space<vmem>> -> memref<96x128xf32, #tpu.memory_space<vmem>>
      %dma_wait3A_1100 = arith.constant 0 : i32
      %dma_wait3A_1101 = arith.constant 0 : i32
      %dma_wait3A_1102 = tpu.memref_slice %arg2[%dma_wait3A_1100, %dma_wait3A_1101] : memref<10000x128xf32, #tpu.memory_space<hbm>> -> memref<96x128xf32, #tpu.memory_space<hbm>>
      tpu.wait_dma2 semaphore(%arg17 : memref<!tpu.dma_semaphore, #tpu.memory_space<semaphore_mem>>) src(%dma_wait3A_1102 : memref<96x128xf32, #tpu.memory_space<hbm>>) dst(%dma_wait3A_1099 : memref<96x128xf32, #tpu.memory_space<vmem>>)
      %dma_start3A_1103 = arith.constant 2 : i32
      %dma_start3A_1104 = arith.constant 2 : i32
      %dma_start3A_1105 = arith.constant 0 : i32
      %dma_start3A_1106 = arith.constant 0 : i32
      %dma_start3A_1107 = tpu.memref_slice %arg10[%dma_start3A_1103, %dma_start3A_1105, %dma_start3A_1106] : memref<3x96x128xf32, #tpu.memory_space<vmem>> -> memref<1x96x128xf32, #tpu.memory_space<vmem>>
      %dma_start3A_1108 = tpu.memref_squeeze %dma_start3A_1107 : memref<1x96x128xf32, #tpu.memory_space<vmem>> -> memref<96x128xf32, #tpu.memory_space<vmem>>
      %dma_start3A_1109 = arith.constant 0 : i32
      %dma_start3A_1110 = tpu.memref_slice %arg9[%dma_start3A_1104, %dma_start3A_1109] : memref<3x96xi32, #tpu.memory_space<vmem>> -> memref<1x96xi32, #tpu.memory_space<vmem>>
      %dma_start3A_1111 = tpu.memref_squeeze %dma_start3A_1110 : memref<1x96xi32, #tpu.memory_space<vmem>> -> memref<96xi32, #tpu.memory_space<vmem>>
      %dma_start3A_1112 = arith.constant 0 : i32
      %dma_start3A_1113 = arith.constant 0 : i32
      %dma_start3A_1114 = tpu.memref_slice %arg14[%dma_start3A_1112, %dma_start3A_1113] : memref<10000x128xf32, #tpu.memory_space<vmem_shared>> -> memref<10000x128xf32, #tpu.memory_space<vmem_shared>>
      tpu.enqueue_indirect_dma source(%dma_start3A_1108 : memref<96x128xf32, #tpu.memory_space<vmem>>) target(%dma_start3A_1114 : memref<10000x128xf32, #tpu.memory_space<vmem_shared>>) offsets(%dma_start3A_1111 : memref<96xi32, #tpu.memory_space<vmem>>) semaphore(%arg20 : memref<!tpu.dma_semaphore, #tpu.memory_space<semaphore_mem>>) {add = true}
      %dma_wait3A_1115 = arith.constant 1 : i32
      %dma_wait3A_1116 = arith.constant 0 : i32
      %dma_wait3A_1117 = arith.constant 0 : i32
      %dma_wait3A_1118 = tpu.memref_slice %arg10[%dma_wait3A_1115, %dma_wait3A_1116, %dma_wait3A_1117] : memref<3x96x128xf32, #tpu.memory_space<vmem>> -> memref<1x96x128xf32, #tpu.memory_space<vmem>>
      %dma_wait3A_1119 = tpu.memref_squeeze %dma_wait3A_1118 : memref<1x96x128xf32, #tpu.memory_space<vmem>> -> memref<96x128xf32, #tpu.memory_space<vmem>>
      %dma_wait3A_1120 = arith.constant 0 : i32
      %dma_wait3A_1121 = arith.constant 0 : i32
      %dma_wait3A_1122 = tpu.memref_slice %arg14[%dma_wait3A_1120, %dma_wait3A_1121] : memref<10000x128xf32, #tpu.memory_space<vmem_shared>> -> memref<96x128xf32, #tpu.memory_space<vmem_shared>>
      %dma_wait3A_1123 = arith.constant 0 : i32
      %dma_wait3A_1124 = arith.constant 0 : i32
      %dma_wait3A_1125 = tpu.memref_slice %arg14[%dma_wait3A_1123, %dma_wait3A_1124] : memref<10000x128xf32, #tpu.memory_space<vmem_shared>> -> memref<96x128xf32, #tpu.memory_space<vmem_shared>>
      %dma_wait3A_1126 = arith.constant 0 : i32
      %dma_wait3A_1127 = arith.constant 0 : i32
      %dma_wait3A_1128 = tpu.memref_slice %arg10[%dma_wait3A_1115, %dma_wait3A_1126, %dma_wait3A_1127] : memref<3x96x128xf32, #tpu.memory_space<vmem>> -> memref<1x96x128xf32, #tpu.memory_space<vmem>>
      %dma_wait3A_1129 = tpu.memref_squeeze %dma_wait3A_1128 : memref<1x96x128xf32, #tpu.memory_space<vmem>> -> memref<96x128xf32, #tpu.memory_space<vmem>>
      tpu.wait_dma2 semaphore(%arg19 : memref<!tpu.dma_semaphore, #tpu.memory_space<semaphore_mem>>) src(%dma_wait3A_1129 : memref<96x128xf32, #tpu.memory_space<vmem>>) dst(%dma_wait3A_1125 : memref<96x128xf32, #tpu.memory_space<vmem_shared>>)
      %add3A_1130 = arith.constant 2 : i32
      %add3A_1131 = arith.addi %add3A_1087, %add3A_1130 : i32
      %lt3A_1132 = arith.constant 104 : i32
      %lt3A_1133 = arith.cmpi slt, %add3A_1131, %lt3A_1132 : i32
      %convert_element_type3A_1134 = arith.extui %lt3A_1133 : i1 to i32
      %cond3A_1135 = arith.constant 0 : i32
      %cond3A_1136 = arith.cmpi ne, %convert_element_type3A_1134, %cond3A_1135 : i32
      scf.if %cond3A_1136 {
        %add3A_1137 = arith.constant 2 : i32
        %add3A_1138 = arith.addi %add3A_1087, %add3A_1137 : i32
        %mul3A_1139 = arith.constant 96 : i32
        %mul3A_1140 = arith.muli %add3A_1138, %mul3A_1139 : i32
        %add3A_1141 = arith.constant 0 : i32
        %add3A_1142 = arith.addi %mul3A_1140, %add3A_1141 : i32
        %get3A_1143 = arith.index_cast %add3A_1142 : i32 to index
        %get3A_1144 = tpu.vector_load %arg7[%get3A_1143] {strides = array<i32>} : memref<10000xi32, #tpu.memory_space<vmem>>, vector<16xi32>,
        %get3A_1145 = vector.shape_cast %get3A_1144 : vector<16xi32> to vector<16xi32>
        %shift_right_logical3A_1146 = arith.constant 14 : i32
        %shift_right_logical3A_1147 = vector.broadcast %shift_right_logical3A_1146 : i32 to vector<16xi32>
        %shift_right_logical3A_1148 = arith.shrui %get3A_1145, %shift_right_logical3A_1147 : vector<16xi32>
        %swap3A_1149 = arith.constant 1 : i32
        %swap3A_1150 = arith.index_cast %swap3A_1149 : i32 to index
        %swap3A_1151 = arith.constant 0 : index
        %swap3A_1152 = tpu.vector_load %arg8[%swap3A_1150, %swap3A_1151] {strides = array<i32>} : memref<3x96xi32, #tpu.memory_space<vmem>>, vector<1x16xi32>,
        %swap3A_1153 = vector.shape_cast %swap3A_1152 : vector<1x16xi32> to vector<16xi32>
        %swap3A_1154 = vector.shape_cast %shift_right_logical3A_1148 : vector<16xi32> to vector<1x16xi32>
        tpu.vector_store %arg8[%swap3A_1150, %swap3A_1151], %swap3A_1154 {strides = array<i32>} : memref<3x96xi32, #tpu.memory_space<vmem>>, vector<1x16xi32>,
        %and3A_1155 = arith.constant 16383 : i32
        %and3A_1156 = vector.broadcast %and3A_1155 : i32 to vector<16xi32>
        %and3A_1157 = arith.andi %get3A_1145, %and3A_1156 : vector<16xi32>
        %swap3A_1158 = arith.constant 1 : i32
        %swap3A_1159 = arith.index_cast %swap3A_1158 : i32 to index
        %swap3A_1160 = arith.constant 0 : index
        %swap3A_1161 = tpu.vector_load %arg9[%swap3A_1159, %swap3A_1160] {strides = array<i32>} : memref<3x96xi32, #tpu.memory_space<vmem>>, vector<1x16xi32>,
        %swap3A_1162 = vector.shape_cast %swap3A_1161 : vector<1x16xi32> to vector<16xi32>
        %swap3A_1163 = vector.shape_cast %and3A_1157 : vector<16xi32> to vector<1x16xi32>
        tpu.vector_store %arg9[%swap3A_1159, %swap3A_1160], %swap3A_1163 {strides = array<i32>} : memref<3x96xi32, #tpu.memory_space<vmem>>, vector<1x16xi32>,
        %mul3A_1164 = arith.constant 96 : i32
        %mul3A_1165 = arith.muli %add3A_1138, %mul3A_1164 : i32
        %add3A_1166 = arith.constant 16 : i32
        %add3A_1167 = arith.addi %mul3A_1165, %add3A_1166 : i32
        %get3A_1168 = arith.index_cast %add3A_1167 : i32 to index
        %get3A_1169 = tpu.vector_load %arg7[%get3A_1168] {strides = array<i32>} : memref<10000xi32, #tpu.memory_space<vmem>>, vector<16xi32>,
        %get3A_1170 = vector.shape_cast %get3A_1169 : vector<16xi32> to vector<16xi32>
        %shift_right_logical3A_1171 = arith.constant 14 : i32
        %shift_right_logical3A_1172 = vector.broadcast %shift_right_logical3A_1171 : i32 to vector<16xi32>
        %shift_right_logical3A_1173 = arith.shrui %get3A_1170, %shift_right_logical3A_1172 : vector<16xi32>
        %swap3A_1174 = arith.constant 1 : i32
        %swap3A_1175 = arith.index_cast %swap3A_1174 : i32 to index
        %swap3A_1176 = arith.constant 16 : index
        %swap3A_1177 = tpu.vector_load %arg8[%swap3A_1175, %swap3A_1176] {strides = array<i32>} : memref<3x96xi32, #tpu.memory_space<vmem>>, vector<1x16xi32>,
        %swap3A_1178 = vector.shape_cast %swap3A_1177 : vector<1x16xi32> to vector<16xi32>
        %swap3A_1179 = vector.shape_cast %shift_right_logical3A_1173 : vector<16xi32> to vector<1x16xi32>
        tpu.vector_store %arg8[%swap3A_1175, %swap3A_1176], %swap3A_1179 {strides = array<i32>} : memref<3x96xi32, #tpu.memory_space<vmem>>, vector<1x16xi32>,
        %and3A_1180 = arith.constant 16383 : i32
        %and3A_1181 = vector.broadcast %and3A_1180 : i32 to vector<16xi32>
        %and3A_1182 = arith.andi %get3A_1170, %and3A_1181 : vector<16xi32>
        %swap3A_1183 = arith.constant 1 : i32
        %swap3A_1184 = arith.index_cast %swap3A_1183 : i32 to index
        %swap3A_1185 = arith.constant 16 : index
        %swap3A_1186 = tpu.vector_load %arg9[%swap3A_1184, %swap3A_1185] {strides = array<i32>} : memref<3x96xi32, #tpu.memory_space<vmem>>, vector<1x16xi32>,
        %swap3A_1187 = vector.shape_cast %swap3A_1186 : vector<1x16xi32> to vector<16xi32>
        %swap3A_1188 = vector.shape_cast %and3A_1182 : vector<16xi32> to vector<1x16xi32>
        tpu.vector_store %arg9[%swap3A_1184, %swap3A_1185], %swap3A_1188 {strides = array<i32>} : memref<3x96xi32, #tpu.memory_space<vmem>>, vector<1x16xi32>,
        %mul3A_1189 = arith.constant 96 : i32
        %mul3A_1190 = arith.muli %add3A_1138, %mul3A_1189 : i32
        %add3A_1191 = arith.constant 32 : i32
        %add3A_1192 = arith.addi %mul3A_1190, %add3A_1191 : i32
        %get3A_1193 = arith.index_cast %add3A_1192 : i32 to index
        %get3A_1194 = tpu.vector_load %arg7[%get3A_1193] {strides = array<i32>} : memref<10000xi32, #tpu.memory_space<vmem>>, vector<16xi32>,
        %get3A_1195 = vector.shape_cast %get3A_1194 : vector<16xi32> to vector<16xi32>
        %shift_right_logical3A_1196 = arith.constant 14 : i32
        %shift_right_logical3A_1197 = vector.broadcast %shift_right_logical3A_1196 : i32 to vector<16xi32>
        %shift_right_logical3A_1198 = arith.shrui %get3A_1195, %shift_right_logical3A_1197 : vector<16xi32>
        %swap3A_1199 = arith.constant 1 : i32
        %swap3A_1200 = arith.index_cast %swap3A_1199 : i32 to index
        %swap3A_1201 = arith.constant 32 : index
        %swap3A_1202 = tpu.vector_load %arg8[%swap3A_1200, %swap3A_1201] {strides = array<i32>} : memref<3x96xi32, #tpu.memory_space<vmem>>, vector<1x16xi32>,
        %swap3A_1203 = vector.shape_cast %swap3A_1202 : vector<1x16xi32> to vector<16xi32>
        %swap3A_1204 = vector.shape_cast %shift_right_logical3A_1198 : vector<16xi32> to vector<1x16xi32>
        tpu.vector_store %arg8[%swap3A_1200, %swap3A_1201], %swap3A_1204 {strides = array<i32>} : memref<3x96xi32, #tpu.memory_space<vmem>>, vector<1x16xi32>,
        %and3A_1205 = arith.constant 16383 : i32
        %and3A_1206 = vector.broadcast %and3A_1205 : i32 to vector<16xi32>
        %and3A_1207 = arith.andi %get3A_1195, %and3A_1206 : vector<16xi32>
        %swap3A_1208 = arith.constant 1 : i32
        %swap3A_1209 = arith.index_cast %swap3A_1208 : i32 to index
        %swap3A_1210 = arith.constant 32 : index
        %swap3A_1211 = tpu.vector_load %arg9[%swap3A_1209, %swap3A_1210] {strides = array<i32>} : memref<3x96xi32, #tpu.memory_space<vmem>>, vector<1x16xi32>,
        %swap3A_1212 = vector.shape_cast %swap3A_1211 : vector<1x16xi32> to vector<16xi32>
        %swap3A_1213 = vector.shape_cast %and3A_1207 : vector<16xi32> to vector<1x16xi32>
        tpu.vector_store %arg9[%swap3A_1209, %swap3A_1210], %swap3A_1213 {strides = array<i32>} : memref<3x96xi32, #tpu.memory_space<vmem>>, vector<1x16xi32>,
        %mul3A_1214 = arith.constant 96 : i32
        %mul3A_1215 = arith.muli %add3A_1138, %mul3A_1214 : i32
        %add3A_1216 = arith.constant 48 : i32
        %add3A_1217 = arith.addi %mul3A_1215, %add3A_1216 : i32
        %get3A_1218 = arith.index_cast %add3A_1217 : i32 to index
        %get3A_1219 = tpu.vector_load %arg7[%get3A_1218] {strides = array<i32>} : memref<10000xi32, #tpu.memory_space<vmem>>, vector<16xi32>,
        %get3A_1220 = vector.shape_cast %get3A_1219 : vector<16xi32> to vector<16xi32>
        %shift_right_logical3A_1221 = arith.constant 14 : i32
        %shift_right_logical3A_1222 = vector.broadcast %shift_right_logical3A_1221 : i32 to vector<16xi32>
        %shift_right_logical3A_1223 = arith.shrui %get3A_1220, %shift_right_logical3A_1222 : vector<16xi32>
        %swap3A_1224 = arith.constant 1 : i32
        %swap3A_1225 = arith.index_cast %swap3A_1224 : i32 to index
        %swap3A_1226 = arith.constant 48 : index
        %swap3A_1227 = tpu.vector_load %arg8[%swap3A_1225, %swap3A_1226] {strides = array<i32>} : memref<3x96xi32, #tpu.memory_space<vmem>>, vector<1x16xi32>,
        %swap3A_1228 = vector.shape_cast %swap3A_1227 : vector<1x16xi32> to vector<16xi32>
        %swap3A_1229 = vector.shape_cast %shift_right_logical3A_1223 : vector<16xi32> to vector<1x16xi32>
        tpu.vector_store %arg8[%swap3A_1225, %swap3A_1226], %swap3A_1229 {strides = array<i32>} : memref<3x96xi32, #tpu.memory_space<vmem>>, vector<1x16xi32>,
        %and3A_1230 = arith.constant 16383 : i32
        %and3A_1231 = vector.broadcast %and3A_1230 : i32 to vector<16xi32>
        %and3A_1232 = arith.andi %get3A_1220, %and3A_1231 : vector<16xi32>
        %swap3A_1233 = arith.constant 1 : i32
        %swap3A_1234 = arith.index_cast %swap3A_1233 : i32 to index
        %swap3A_1235 = arith.constant 48 : index
        %swap3A_1236 = tpu.vector_load %arg9[%swap3A_1234, %swap3A_1235] {strides = array<i32>} : memref<3x96xi32, #tpu.memory_space<vmem>>, vector<1x16xi32>,
        %swap3A_1237 = vector.shape_cast %swap3A_1236 : vector<1x16xi32> to vector<16xi32>
        %swap3A_1238 = vector.shape_cast %and3A_1232 : vector<16xi32> to vector<1x16xi32>
        tpu.vector_store %arg9[%swap3A_1234, %swap3A_1235], %swap3A_1238 {strides = array<i32>} : memref<3x96xi32, #tpu.memory_space<vmem>>, vector<1x16xi32>,
        %mul3A_1239 = arith.constant 96 : i32
        %mul3A_1240 = arith.muli %add3A_1138, %mul3A_1239 : i32
        %add3A_1241 = arith.constant 64 : i32
        %add3A_1242 = arith.addi %mul3A_1240, %add3A_1241 : i32
        %get3A_1243 = arith.index_cast %add3A_1242 : i32 to index
        %get3A_1244 = tpu.vector_load %arg7[%get3A_1243] {strides = array<i32>} : memref<10000xi32, #tpu.memory_space<vmem>>, vector<16xi32>,
        %get3A_1245 = vector.shape_cast %get3A_1244 : vector<16xi32> to vector<16xi32>
        %shift_right_logical3A_1246 = arith.constant 14 : i32
        %shift_right_logical3A_1247 = vector.broadcast %shift_right_logical3A_1246 : i32 to vector<16xi32>
        %shift_right_logical3A_1248 = arith.shrui %get3A_1245, %shift_right_logical3A_1247 : vector<16xi32>
        %swap3A_1249 = arith.constant 1 : i32
        %swap3A_1250 = arith.index_cast %swap3A_1249 : i32 to index
        %swap3A_1251 = arith.constant 64 : index
        %swap3A_1252 = tpu.vector_load %arg8[%swap3A_1250, %swap3A_1251] {strides = array<i32>} : memref<3x96xi32, #tpu.memory_space<vmem>>, vector<1x16xi32>,
        %swap3A_1253 = vector.shape_cast %swap3A_1252 : vector<1x16xi32> to vector<16xi32>
        %swap3A_1254 = vector.shape_cast %shift_right_logical3A_1248 : vector<16xi32> to vector<1x16xi32>
        tpu.vector_store %arg8[%swap3A_1250, %swap3A_1251], %swap3A_1254 {strides = array<i32>} : memref<3x96xi32, #tpu.memory_space<vmem>>, vector<1x16xi32>,
        %and3A_1255 = arith.constant 16383 : i32
        %and3A_1256 = vector.broadcast %and3A_1255 : i32 to vector<16xi32>
        %and3A_1257 = arith.andi %get3A_1245, %and3A_1256 : vector<16xi32>
        %swap3A_1258 = arith.constant 1 : i32
        %swap3A_1259 = arith.index_cast %swap3A_1258 : i32 to index
        %swap3A_1260 = arith.constant 64 : index
        %swap3A_1261 = tpu.vector_load %arg9[%swap3A_1259, %swap3A_1260] {strides = array<i32>} : memref<3x96xi32, #tpu.memory_space<vmem>>, vector<1x16xi32>,
        %swap3A_1262 = vector.shape_cast %swap3A_1261 : vector<1x16xi32> to vector<16xi32>
        %swap3A_1263 = vector.shape_cast %and3A_1257 : vector<16xi32> to vector<1x16xi32>
        tpu.vector_store %arg9[%swap3A_1259, %swap3A_1260], %swap3A_1263 {strides = array<i32>} : memref<3x96xi32, #tpu.memory_space<vmem>>, vector<1x16xi32>,
        %mul3A_1264 = arith.constant 96 : i32
        %mul3A_1265 = arith.muli %add3A_1138, %mul3A_1264 : i32
        %add3A_1266 = arith.constant 80 : i32
        %add3A_1267 = arith.addi %mul3A_1265, %add3A_1266 : i32
        %get3A_1268 = arith.index_cast %add3A_1267 : i32 to index
        %get3A_1269 = tpu.vector_load %arg7[%get3A_1268] {strides = array<i32>} : memref<10000xi32, #tpu.memory_space<vmem>>, vector<16xi32>,
        %get3A_1270 = vector.shape_cast %get3A_1269 : vector<16xi32> to vector<16xi32>
        %shift_right_logical3A_1271 = arith.constant 14 : i32
        %shift_right_logical3A_1272 = vector.broadcast %shift_right_logical3A_1271 : i32 to vector<16xi32>
        %shift_right_logical3A_1273 = arith.shrui %get3A_1270, %shift_right_logical3A_1272 : vector<16xi32>
        %swap3A_1274 = arith.constant 1 : i32
        %swap3A_1275 = arith.index_cast %swap3A_1274 : i32 to index
        %swap3A_1276 = arith.constant 80 : index
        %swap3A_1277 = tpu.vector_load %arg8[%swap3A_1275, %swap3A_1276] {strides = array<i32>} : memref<3x96xi32, #tpu.memory_space<vmem>>, vector<1x16xi32>,
        %swap3A_1278 = vector.shape_cast %swap3A_1277 : vector<1x16xi32> to vector<16xi32>
        %swap3A_1279 = vector.shape_cast %shift_right_logical3A_1273 : vector<16xi32> to vector<1x16xi32>
        tpu.vector_store %arg8[%swap3A_1275, %swap3A_1276], %swap3A_1279 {strides = array<i32>} : memref<3x96xi32, #tpu.memory_space<vmem>>, vector<1x16xi32>,
        %and3A_1280 = arith.constant 16383 : i32
        %and3A_1281 = vector.broadcast %and3A_1280 : i32 to vector<16xi32>
        %and3A_1282 = arith.andi %get3A_1270, %and3A_1281 : vector<16xi32>
        %swap3A_1283 = arith.constant 1 : i32
        %swap3A_1284 = arith.index_cast %swap3A_1283 : i32 to index
        %swap3A_1285 = arith.constant 80 : index
        %swap3A_1286 = tpu.vector_load %arg9[%swap3A_1284, %swap3A_1285] {strides = array<i32>} : memref<3x96xi32, #tpu.memory_space<vmem>>, vector<1x16xi32>,
        %swap3A_1287 = vector.shape_cast %swap3A_1286 : vector<1x16xi32> to vector<16xi32>
        %swap3A_1288 = vector.shape_cast %and3A_1282 : vector<16xi32> to vector<1x16xi32>
        tpu.vector_store %arg9[%swap3A_1284, %swap3A_1285], %swap3A_1288 {strides = array<i32>} : memref<3x96xi32, #tpu.memory_space<vmem>>, vector<1x16xi32>,
        %dma_start3A_1289 = arith.constant 1 : i32
        %dma_start3A_1290 = arith.constant 1 : i32
        %dma_start3A_1291 = arith.constant 0 : i32
        %dma_start3A_1292 = arith.constant 0 : i32
        %dma_start3A_1293 = tpu.memref_slice %arg10[%dma_start3A_1290, %dma_start3A_1291, %dma_start3A_1292] : memref<3x96x128xf32, #tpu.memory_space<vmem>> -> memref<1x96x128xf32, #tpu.memory_space<vmem>>
        %dma_start3A_1294 = tpu.memref_squeeze %dma_start3A_1293 : memref<1x96x128xf32, #tpu.memory_space<vmem>> -> memref<96x128xf32, #tpu.memory_space<vmem>>
        %dma_start3A_1295 = arith.constant 0 : i32
        %dma_start3A_1296 = tpu.memref_slice %arg8[%dma_start3A_1289, %dma_start3A_1295] : memref<3x96xi32, #tpu.memory_space<vmem>> -> memref<1x96xi32, #tpu.memory_space<vmem>>
        %dma_start3A_1297 = tpu.memref_squeeze %dma_start3A_1296 : memref<1x96xi32, #tpu.memory_space<vmem>> -> memref<96xi32, #tpu.memory_space<vmem>>
        %dma_start3A_1298 = arith.constant 0 : i32
        %dma_start3A_1299 = arith.constant 0 : i32
        %dma_start3A_1300 = tpu.memref_slice %arg2[%dma_start3A_1298, %dma_start3A_1299] : memref<10000x128xf32, #tpu.memory_space<hbm>> -> memref<10000x128xf32, #tpu.memory_space<hbm>>
        tpu.enqueue_indirect_dma source(%dma_start3A_1300 : memref<10000x128xf32, #tpu.memory_space<hbm>>) target(%dma_start3A_1294 : memref<96x128xf32, #tpu.memory_space<vmem>>) offsets(%dma_start3A_1297 : memref<96xi32, #tpu.memory_space<vmem>>) semaphore(%arg16 : memref<!tpu.dma_semaphore, #tpu.memory_space<semaphore_mem>>)
      } else {
      }
    }
    %scan3A_818 = arith.constant 33 : i32
    %dma_wait3A_819 = arith.constant 0 : i32
    %dma_wait3A_820 = arith.constant 0 : i32
    %dma_wait3A_821 = arith.constant 0 : i32
    %dma_wait3A_822 = tpu.memref_slice %arg10[%dma_wait3A_819, %dma_wait3A_820, %dma_wait3A_821] : memref<3x96x128xf32, #tpu.memory_space<vmem>> -> memref<1x96x128xf32, #tpu.memory_space<vmem>>
    %dma_wait3A_823 = tpu.memref_squeeze %dma_wait3A_822 : memref<1x96x128xf32, #tpu.memory_space<vmem>> -> memref<96x128xf32, #tpu.memory_space<vmem>>
    %dma_wait3A_824 = arith.constant 0 : i32
    %dma_wait3A_825 = arith.constant 0 : i32
    %dma_wait3A_826 = tpu.memref_slice %arg2[%dma_wait3A_824, %dma_wait3A_825] : memref<10000x128xf32, #tpu.memory_space<hbm>> -> memref<96x128xf32, #tpu.memory_space<hbm>>
    %dma_wait3A_827 = arith.constant 0 : i32
    %dma_wait3A_828 = arith.constant 0 : i32
    %dma_wait3A_829 = tpu.memref_slice %arg10[%dma_wait3A_819, %dma_wait3A_827, %dma_wait3A_828] : memref<3x96x128xf32, #tpu.memory_space<vmem>> -> memref<1x96x128xf32, #tpu.memory_space<vmem>>
    %dma_wait3A_830 = tpu.memref_squeeze %dma_wait3A_829 : memref<1x96x128xf32, #tpu.memory_space<vmem>> -> memref<96x128xf32, #tpu.memory_space<vmem>>
    %dma_wait3A_831 = arith.constant 0 : i32
    %dma_wait3A_832 = arith.constant 0 : i32
    %dma_wait3A_833 = tpu.memref_slice %arg2[%dma_wait3A_831, %dma_wait3A_832] : memref<10000x128xf32, #tpu.memory_space<hbm>> -> memref<96x128xf32, #tpu.memory_space<hbm>>
    tpu.wait_dma2 semaphore(%arg15 : memref<!tpu.dma_semaphore, #tpu.memory_space<semaphore_mem>>) src(%dma_wait3A_833 : memref<96x128xf32, #tpu.memory_space<hbm>>) dst(%dma_wait3A_830 : memref<96x128xf32, #tpu.memory_space<vmem>>)
    %dma_start3A_834 = arith.constant 0 : i32
    %dma_start3A_835 = arith.constant 0 : i32
    %dma_start3A_836 = arith.constant 0 : i32
    %dma_start3A_837 = arith.constant 0 : i32
    %dma_start3A_838 = tpu.memref_slice %arg10[%dma_start3A_834, %dma_start3A_836, %dma_start3A_837] : memref<3x96x128xf32, #tpu.memory_space<vmem>> -> memref<1x96x128xf32, #tpu.memory_space<vmem>>
    %dma_start3A_839 = tpu.memref_squeeze %dma_start3A_838 : memref<1x96x128xf32, #tpu.memory_space<vmem>> -> memref<96x128xf32, #tpu.memory_space<vmem>>
    %dma_start3A_840 = arith.constant 0 : i32
    %dma_start3A_841 = tpu.memref_slice %arg9[%dma_start3A_835, %dma_start3A_840] : memref<3x96xi32, #tpu.memory_space<vmem>> -> memref<1x96xi32, #tpu.memory_space<vmem>>
    %dma_start3A_842 = tpu.memref_squeeze %dma_start3A_841 : memref<1x96xi32, #tpu.memory_space<vmem>> -> memref<96xi32, #tpu.memory_space<vmem>>
    %dma_start3A_843 = arith.constant 0 : i32
    %dma_start3A_844 = arith.constant 0 : i32
    %dma_start3A_845 = tpu.memref_slice %arg14[%dma_start3A_843, %dma_start3A_844] : memref<10000x128xf32, #tpu.memory_space<vmem_shared>> -> memref<10000x128xf32, #tpu.memory_space<vmem_shared>>
    tpu.enqueue_indirect_dma source(%dma_start3A_839 : memref<96x128xf32, #tpu.memory_space<vmem>>) target(%dma_start3A_845 : memref<10000x128xf32, #tpu.memory_space<vmem_shared>>) offsets(%dma_start3A_842 : memref<96xi32, #tpu.memory_space<vmem>>) semaphore(%arg18 : memref<!tpu.dma_semaphore, #tpu.memory_space<semaphore_mem>>) {add = true}
    %dma_wait3A_846 = arith.constant 2 : i32
    %dma_wait3A_847 = arith.constant 0 : i32
    %dma_wait3A_848 = arith.constant 0 : i32
    %dma_wait3A_849 = tpu.memref_slice %arg10[%dma_wait3A_846, %dma_wait3A_847, %dma_wait3A_848] : memref<3x96x128xf32, #tpu.memory_space<vmem>> -> memref<1x96x128xf32, #tpu.memory_space<vmem>>
    %dma_wait3A_850 = tpu.memref_squeeze %dma_wait3A_849 : memref<1x96x128xf32, #tpu.memory_space<vmem>> -> memref<96x128xf32, #tpu.memory_space<vmem>>
    %dma_wait3A_851 = arith.constant 0 : i32
    %dma_wait3A_852 = arith.constant 0 : i32
    %dma_wait3A_853 = tpu.memref_slice %arg14[%dma_wait3A_851, %dma_wait3A_852] : memref<10000x128xf32, #tpu.memory_space<vmem_shared>> -> memref<96x128xf32, #tpu.memory_space<vmem_shared>>
    %dma_wait3A_854 = arith.constant 0 : i32
    %dma_wait3A_855 = arith.constant 0 : i32
    %dma_wait3A_856 = tpu.memref_slice %arg14[%dma_wait3A_854, %dma_wait3A_855] : memref<10000x128xf32, #tpu.memory_space<vmem_shared>> -> memref<96x128xf32, #tpu.memory_space<vmem_shared>>
    %dma_wait3A_857 = arith.constant 0 : i32
    %dma_wait3A_858 = arith.constant 0 : i32
    %dma_wait3A_859 = tpu.memref_slice %arg10[%dma_wait3A_846, %dma_wait3A_857, %dma_wait3A_858] : memref<3x96x128xf32, #tpu.memory_space<vmem>> -> memref<1x96x128xf32, #tpu.memory_space<vmem>>
    %dma_wait3A_860 = tpu.memref_squeeze %dma_wait3A_859 : memref<1x96x128xf32, #tpu.memory_space<vmem>> -> memref<96x128xf32, #tpu.memory_space<vmem>>
    tpu.wait_dma2 semaphore(%arg20 : memref<!tpu.dma_semaphore, #tpu.memory_space<semaphore_mem>>) src(%dma_wait3A_860 : memref<96x128xf32, #tpu.memory_space<vmem>>) dst(%dma_wait3A_856 : memref<96x128xf32, #tpu.memory_space<vmem_shared>>)
    %dma_wait3A_861 = arith.constant 1 : i32
    %dma_wait3A_862 = arith.constant 0 : i32
    %dma_wait3A_863 = arith.constant 0 : i32
    %dma_wait3A_864 = tpu.memref_slice %arg10[%dma_wait3A_861, %dma_wait3A_862, %dma_wait3A_863] : memref<3x96x128xf32, #tpu.memory_space<vmem>> -> memref<1x96x128xf32, #tpu.memory_space<vmem>>
    %dma_wait3A_865 = tpu.memref_squeeze %dma_wait3A_864 : memref<1x96x128xf32, #tpu.memory_space<vmem>> -> memref<96x128xf32, #tpu.memory_space<vmem>>
    %dma_wait3A_866 = arith.constant 0 : i32
    %dma_wait3A_867 = arith.constant 0 : i32
    %dma_wait3A_868 = tpu.memref_slice %arg2[%dma_wait3A_866, %dma_wait3A_867] : memref<10000x128xf32, #tpu.memory_space<hbm>> -> memref<96x128xf32, #tpu.memory_space<hbm>>
    %dma_wait3A_869 = arith.constant 0 : i32
    %dma_wait3A_870 = arith.constant 0 : i32
    %dma_wait3A_871 = tpu.memref_slice %arg10[%dma_wait3A_861, %dma_wait3A_869, %dma_wait3A_870] : memref<3x96x128xf32, #tpu.memory_space<vmem>> -> memref<1x96x128xf32, #tpu.memory_space<vmem>>
    %dma_wait3A_872 = tpu.memref_squeeze %dma_wait3A_871 : memref<1x96x128xf32, #tpu.memory_space<vmem>> -> memref<96x128xf32, #tpu.memory_space<vmem>>
    %dma_wait3A_873 = arith.constant 0 : i32
    %dma_wait3A_874 = arith.constant 0 : i32
    %dma_wait3A_875 = tpu.memref_slice %arg2[%dma_wait3A_873, %dma_wait3A_874] : memref<10000x128xf32, #tpu.memory_space<hbm>> -> memref<96x128xf32, #tpu.memory_space<hbm>>
    tpu.wait_dma2 semaphore(%arg16 : memref<!tpu.dma_semaphore, #tpu.memory_space<semaphore_mem>>) src(%dma_wait3A_875 : memref<96x128xf32, #tpu.memory_space<hbm>>) dst(%dma_wait3A_872 : memref<96x128xf32, #tpu.memory_space<vmem>>)
    %dma_start3A_876 = arith.constant 1 : i32
    %dma_start3A_877 = arith.constant 1 : i32
    %dma_start3A_878 = arith.constant 0 : i32
    %dma_start3A_879 = arith.constant 0 : i32
    %dma_start3A_880 = tpu.memref_slice %arg10[%dma_start3A_876, %dma_start3A_878, %dma_start3A_879] : memref<3x96x128xf32, #tpu.memory_space<vmem>> -> memref<1x96x128xf32, #tpu.memory_space<vmem>>
    %dma_start3A_881 = tpu.memref_squeeze %dma_start3A_880 : memref<1x96x128xf32, #tpu.memory_space<vmem>> -> memref<96x128xf32, #tpu.memory_space<vmem>>
    %dma_start3A_882 = arith.constant 0 : i32
    %dma_start3A_883 = tpu.memref_slice %arg9[%dma_start3A_877, %dma_start3A_882] : memref<3x96xi32, #tpu.memory_space<vmem>> -> memref<1x96xi32, #tpu.memory_space<vmem>>
    %dma_start3A_884 = tpu.memref_squeeze %dma_start3A_883 : memref<1x96xi32, #tpu.memory_space<vmem>> -> memref<96xi32, #tpu.memory_space<vmem>>
    %dma_start3A_885 = arith.constant 0 : i32
    %dma_start3A_886 = arith.constant 0 : i32
    %dma_start3A_887 = tpu.memref_slice %arg14[%dma_start3A_885, %dma_start3A_886] : memref<10000x128xf32, #tpu.memory_space<vmem_shared>> -> memref<10000x128xf32, #tpu.memory_space<vmem_shared>>
    tpu.enqueue_indirect_dma source(%dma_start3A_881 : memref<96x128xf32, #tpu.memory_space<vmem>>) target(%dma_start3A_887 : memref<10000x128xf32, #tpu.memory_space<vmem_shared>>) offsets(%dma_start3A_884 : memref<96xi32, #tpu.memory_space<vmem>>) semaphore(%arg19 : memref<!tpu.dma_semaphore, #tpu.memory_space<semaphore_mem>>) {add = true}
    %dma_wait3A_888 = arith.constant 0 : i32
    %dma_wait3A_889 = arith.constant 0 : i32
    %dma_wait3A_890 = arith.constant 0 : i32
    %dma_wait3A_891 = tpu.memref_slice %arg10[%dma_wait3A_888, %dma_wait3A_889, %dma_wait3A_890] : memref<3x96x128xf32, #tpu.memory_space<vmem>> -> memref<1x96x128xf32, #tpu.memory_space<vmem>>
    %dma_wait3A_892 = tpu.memref_squeeze %dma_wait3A_891 : memref<1x96x128xf32, #tpu.memory_space<vmem>> -> memref<96x128xf32, #tpu.memory_space<vmem>>
    %dma_wait3A_893 = arith.constant 0 : i32
    %dma_wait3A_894 = arith.constant 0 : i32
    %dma_wait3A_895 = tpu.memref_slice %arg14[%dma_wait3A_893, %dma_wait3A_894] : memref<10000x128xf32, #tpu.memory_space<vmem_shared>> -> memref<96x128xf32, #tpu.memory_space<vmem_shared>>
    %dma_wait3A_896 = arith.constant 0 : i32
    %dma_wait3A_897 = arith.constant 0 : i32
    %dma_wait3A_898 = tpu.memref_slice %arg14[%dma_wait3A_896, %dma_wait3A_897] : memref<10000x128xf32, #tpu.memory_space<vmem_shared>> -> memref<96x128xf32, #tpu.memory_space<vmem_shared>>
    %dma_wait3A_899 = arith.constant 0 : i32
    %dma_wait3A_900 = arith.constant 0 : i32
    %dma_wait3A_901 = tpu.memref_slice %arg10[%dma_wait3A_888, %dma_wait3A_899, %dma_wait3A_900] : memref<3x96x128xf32, #tpu.memory_space<vmem>> -> memref<1x96x128xf32, #tpu.memory_space<vmem>>
    %dma_wait3A_902 = tpu.memref_squeeze %dma_wait3A_901 : memref<1x96x128xf32, #tpu.memory_space<vmem>> -> memref<96x128xf32, #tpu.memory_space<vmem>>
    tpu.wait_dma2 semaphore(%arg18 : memref<!tpu.dma_semaphore, #tpu.memory_space<semaphore_mem>>) src(%dma_wait3A_902 : memref<96x128xf32, #tpu.memory_space<vmem>>) dst(%dma_wait3A_898 : memref<96x128xf32, #tpu.memory_space<vmem_shared>>)
    %dma_wait3A_903 = arith.constant 1 : i32
    %dma_wait3A_904 = arith.constant 0 : i32
    %dma_wait3A_905 = arith.constant 0 : i32
    %dma_wait3A_906 = tpu.memref_slice %arg10[%dma_wait3A_903, %dma_wait3A_904, %dma_wait3A_905] : memref<3x96x128xf32, #tpu.memory_space<vmem>> -> memref<1x96x128xf32, #tpu.memory_space<vmem>>
    %dma_wait3A_907 = tpu.memref_squeeze %dma_wait3A_906 : memref<1x96x128xf32, #tpu.memory_space<vmem>> -> memref<96x128xf32, #tpu.memory_space<vmem>>
    %dma_wait3A_908 = arith.constant 0 : i32
    %dma_wait3A_909 = arith.constant 0 : i32
    %dma_wait3A_910 = tpu.memref_slice %arg14[%dma_wait3A_908, %dma_wait3A_909] : memref<10000x128xf32, #tpu.memory_space<vmem_shared>> -> memref<96x128xf32, #tpu.memory_space<vmem_shared>>
    %dma_wait3A_911 = arith.constant 0 : i32
    %dma_wait3A_912 = arith.constant 0 : i32
    %dma_wait3A_913 = tpu.memref_slice %arg14[%dma_wait3A_911, %dma_wait3A_912] : memref<10000x128xf32, #tpu.memory_space<vmem_shared>> -> memref<96x128xf32, #tpu.memory_space<vmem_shared>>
    %dma_wait3A_914 = arith.constant 0 : i32
    %dma_wait3A_915 = arith.constant 0 : i32
    %dma_wait3A_916 = tpu.memref_slice %arg10[%dma_wait3A_903, %dma_wait3A_914, %dma_wait3A_915] : memref<3x96x128xf32, #tpu.memory_space<vmem>> -> memref<1x96x128xf32, #tpu.memory_space<vmem>>
    %dma_wait3A_917 = tpu.memref_squeeze %dma_wait3A_916 : memref<1x96x128xf32, #tpu.memory_space<vmem>> -> memref<96x128xf32, #tpu.memory_space<vmem>>
    tpu.wait_dma2 semaphore(%arg19 : memref<!tpu.dma_semaphore, #tpu.memory_space<semaphore_mem>>) src(%dma_wait3A_917 : memref<96x128xf32, #tpu.memory_space<vmem>>) dst(%dma_wait3A_913 : memref<96x128xf32, #tpu.memory_space<vmem_shared>>)
    %get3A_918 = arith.constant 9984 : index
    %get3A_919 = tpu.vector_load %arg7[%get3A_918] {strides = array<i32>} : memref<10000xi32, #tpu.memory_space<vmem>>, vector<16xi32>,
    %get3A_920 = vector.shape_cast %get3A_919 : vector<16xi32> to vector<16xi32>
    %shift_right_logical3A_921 = arith.constant 14 : i32
    %shift_right_logical3A_922 = vector.broadcast %shift_right_logical3A_921 : i32 to vector<16xi32>
    %shift_right_logical3A_923 = arith.shrui %get3A_920, %shift_right_logical3A_922 : vector<16xi32>
    %swap3A_924 = arith.constant 0 : index
    %swap3A_925 = tpu.vector_load %arg11[%swap3A_924] {strides = array<i32>} : memref<16xi32, #tpu.memory_space<vmem>>, vector<16xi32>,
    %swap3A_926 = vector.shape_cast %swap3A_925 : vector<16xi32> to vector<16xi32>
    %swap3A_927 = vector.shape_cast %shift_right_logical3A_923 : vector<16xi32> to vector<16xi32>
    tpu.vector_store %arg11[%swap3A_924], %swap3A_927 {strides = array<i32>} : memref<16xi32, #tpu.memory_space<vmem>>, vector<16xi32>,
    %and3A_928 = arith.constant 16383 : i32
    %and3A_929 = vector.broadcast %and3A_928 : i32 to vector<16xi32>
    %and3A_930 = arith.andi %get3A_920, %and3A_929 : vector<16xi32>
    %swap3A_931 = arith.constant 0 : index
    %swap3A_932 = tpu.vector_load %arg12[%swap3A_931] {strides = array<i32>} : memref<16xi32, #tpu.memory_space<vmem>>, vector<16xi32>,
    %swap3A_933 = vector.shape_cast %swap3A_932 : vector<16xi32> to vector<16xi32>
    %swap3A_934 = vector.shape_cast %and3A_930 : vector<16xi32> to vector<16xi32>
    tpu.vector_store %arg12[%swap3A_931], %swap3A_934 {strides = array<i32>} : memref<16xi32, #tpu.memory_space<vmem>>, vector<16xi32>,
    %dma_start3A_935 = arith.constant 0 : i32
    %dma_start3A_936 = arith.constant 0 : i32
    %dma_start3A_937 = tpu.memref_slice %arg2[%dma_start3A_935, %dma_start3A_936] : memref<10000x128xf32, #tpu.memory_space<hbm>> -> memref<10000x128xf32, #tpu.memory_space<hbm>>
    tpu.enqueue_indirect_dma source(%dma_start3A_937 : memref<10000x128xf32, #tpu.memory_space<hbm>>) target(%arg13 : memref<16x128xf32, #tpu.memory_space<vmem>>) offsets(%arg11 : memref<16xi32, #tpu.memory_space<vmem>>) semaphore(%arg15 : memref<!tpu.dma_semaphore, #tpu.memory_space<semaphore_mem>>)
    %dma_wait3A_938 = arith.constant 0 : i32
    %dma_wait3A_939 = arith.constant 0 : i32
    %dma_wait3A_940 = tpu.memref_slice %arg2[%dma_wait3A_938, %dma_wait3A_939] : memref<10000x128xf32, #tpu.memory_space<hbm>> -> memref<16x128xf32, #tpu.memory_space<hbm>>
    %dma_wait3A_941 = arith.constant 0 : i32
    %dma_wait3A_942 = arith.constant 0 : i32
    %dma_wait3A_943 = tpu.memref_slice %arg2[%dma_wait3A_941, %dma_wait3A_942] : memref<10000x128xf32, #tpu.memory_space<hbm>> -> memref<16x128xf32, #tpu.memory_space<hbm>>
    tpu.wait_dma2 semaphore(%arg15 : memref<!tpu.dma_semaphore, #tpu.memory_space<semaphore_mem>>) src(%dma_wait3A_943 : memref<16x128xf32, #tpu.memory_space<hbm>>) dst(%arg13 : memref<16x128xf32, #tpu.memory_space<vmem>>)
    "tpu.region"() ({
      %run_scoped3A = tpu.sem_alloc : memref<!tpu.dma_semaphore, #tpu.memory_space<semaphore_mem>>
      %dma_start3A_977 = arith.constant 0 : i32
      %dma_start3A_978 = arith.constant 0 : i32
      %dma_start3A_979 = tpu.memref_slice %arg14[%dma_start3A_977, %dma_start3A_978] : memref<10000x128xf32, #tpu.memory_space<vmem_shared>> -> memref<10000x128xf32, #tpu.memory_space<vmem_shared>>
      tpu.enqueue_indirect_dma source(%arg13 : memref<16x128xf32, #tpu.memory_space<vmem>>) target(%dma_start3A_979 : memref<10000x128xf32, #tpu.memory_space<vmem_shared>>) offsets(%arg12 : memref<16xi32, #tpu.memory_space<vmem>>) semaphore(%run_scoped3A : memref<!tpu.dma_semaphore, #tpu.memory_space<semaphore_mem>>) {add = true}
      %dma_wait3A_980 = arith.constant 0 : i32
      %dma_wait3A_981 = arith.constant 0 : i32
      %dma_wait3A_982 = tpu.memref_slice %arg14[%dma_wait3A_980, %dma_wait3A_981] : memref<10000x128xf32, #tpu.memory_space<vmem_shared>> -> memref<10000x128xf32, #tpu.memory_space<vmem_shared>>
      tpu.wait_indirect_dma semaphore(%run_scoped3A : memref<!tpu.dma_semaphore, #tpu.memory_space<semaphore_mem>>) src(%arg13 : memref<16x128xf32, #tpu.memory_space<vmem>>) dst(%dma_wait3A_982 : memref<10000x128xf32, #tpu.memory_space<vmem_shared>>)
      tpu.yield
    }) : () -> ()
    %barrier3A_944 = arith.constant 0 : index
    tpu.barrier barrier_id(%barrier3A_944)
    %lt3A_945 = arith.constant 15 : i32
    %lt3A_946 = arith.cmpi slt, %arg1, %lt3A_945 : i32
    %eq3A_947 = arith.constant 0 : i32
    %eq3A_948 = arith.cmpi eq, %arg0, %eq3A_947 : i32
    %and3A_949 = arith.andi %lt3A_946, %eq3A_948 : i1
    %convert_element_type3A_950 = arith.extui %and3A_949 : i1 to i32
    %cond3A_951 = arith.constant 0 : i32
    %cond3A_952 = arith.cmpi ne, %convert_element_type3A_950, %cond3A_951 : i32
    scf.if %cond3A_952 {
      %mul3A_977 = arith.constant 624 : i32
      %mul3A_978 = arith.muli %arg1, %mul3A_977 : i32
      %mul3A_979 = arith.constant 624 : i32
      %mul3A_980 = arith.muli %arg1, %mul3A_979 : i32
      "tpu.region"() ({
        %run_scoped3A = tpu.sem_alloc : memref<!tpu.dma_semaphore, #tpu.memory_space<semaphore_mem>>
        %dma_start3A_981 = arith.constant 0 : i32
        %dma_start3A_982 = tpu.memref_slice %arg5[%mul3A_980, %dma_start3A_981] : memref<10000x128xf32, #tpu.memory_space<hbm>> -> memref<624x128xf32, #tpu.memory_space<hbm>>
        %dma_start3A_983 = arith.constant 0 : i32
        %dma_start3A_984 = tpu.memref_slice %arg14[%mul3A_978, %dma_start3A_983] : memref<10000x128xf32, #tpu.memory_space<vmem_shared>> -> memref<624x128xf32, #tpu.memory_space<vmem_shared>>
        tpu.enqueue_dma source(%dma_start3A_984 : memref<624x128xf32, #tpu.memory_space<vmem_shared>>) target(%dma_start3A_982 : memref<624x128xf32, #tpu.memory_space<hbm>>) target_semaphore(%run_scoped3A : memref<!tpu.dma_semaphore, #tpu.memory_space<semaphore_mem>>)
        %dma_wait3A_985 = arith.constant 0 : i32
        %dma_wait3A_986 = tpu.memref_slice %arg5[%mul3A_980, %dma_wait3A_985] : memref<10000x128xf32, #tpu.memory_space<hbm>> -> memref<624x128xf32, #tpu.memory_space<hbm>>
        %dma_wait3A_987 = arith.constant 0 : i32
        %dma_wait3A_988 = tpu.memref_slice %arg14[%mul3A_978, %dma_wait3A_987] : memref<10000x128xf32, #tpu.memory_space<vmem_shared>> -> memref<624x128xf32, #tpu.memory_space<vmem_shared>>
        tpu.wait_dma2 semaphore(%run_scoped3A : memref<!tpu.dma_semaphore, #tpu.memory_space<semaphore_mem>>) src(%dma_wait3A_988 : memref<624x128xf32, #tpu.memory_space<vmem_shared>>) dst(%dma_wait3A_986 : memref<624x128xf32, #tpu.memory_space<hbm>>)
        tpu.yield
      }) : () -> ()
    } else {
    }
    %lt3A_953 = arith.constant 15 : i32
    %lt3A_954 = arith.cmpi slt, %arg1, %lt3A_953 : i32
    %eq3A_955 = arith.constant 1 : i32
    %eq3A_956 = arith.cmpi eq, %arg0, %eq3A_955 : i32
    %and3A_957 = arith.andi %lt3A_954, %eq3A_956 : i1
    %convert_element_type3A_958 = arith.extui %and3A_957 : i1 to i32
    %cond3A_959 = arith.constant 0 : i32
    %cond3A_960 = arith.cmpi ne, %convert_element_type3A_958, %cond3A_959 : i32
    scf.if %cond3A_960 {
      %mul3A_977 = arith.constant 624 : i32
      %mul3A_978 = arith.muli %arg1, %mul3A_977 : i32
      %mul3A_979 = arith.constant 624 : i32
      %mul3A_980 = arith.muli %arg1, %mul3A_979 : i32
      "tpu.region"() ({
        %run_scoped3A = tpu.sem_alloc : memref<!tpu.dma_semaphore, #tpu.memory_space<semaphore_mem>>
        %dma_start3A_981 = arith.constant 0 : i32
        %dma_start3A_982 = tpu.memref_slice %arg6[%mul3A_980, %dma_start3A_981] : memref<10000x128xf32, #tpu.memory_space<hbm>> -> memref<624x128xf32, #tpu.memory_space<hbm>>
        %dma_start3A_983 = arith.constant 0 : i32
        %dma_start3A_984 = tpu.memref_slice %arg14[%mul3A_978, %dma_start3A_983] : memref<10000x128xf32, #tpu.memory_space<vmem_shared>> -> memref<624x128xf32, #tpu.memory_space<vmem_shared>>
        tpu.enqueue_dma source(%dma_start3A_984 : memref<624x128xf32, #tpu.memory_space<vmem_shared>>) target(%dma_start3A_982 : memref<624x128xf32, #tpu.memory_space<hbm>>) target_semaphore(%run_scoped3A : memref<!tpu.dma_semaphore, #tpu.memory_space<semaphore_mem>>)
        %dma_wait3A_985 = arith.constant 0 : i32
        %dma_wait3A_986 = tpu.memref_slice %arg6[%mul3A_980, %dma_wait3A_985] : memref<10000x128xf32, #tpu.memory_space<hbm>> -> memref<624x128xf32, #tpu.memory_space<hbm>>
        %dma_wait3A_987 = arith.constant 0 : i32
        %dma_wait3A_988 = tpu.memref_slice %arg14[%mul3A_978, %dma_wait3A_987] : memref<10000x128xf32, #tpu.memory_space<vmem_shared>> -> memref<624x128xf32, #tpu.memory_space<vmem_shared>>
        tpu.wait_dma2 semaphore(%run_scoped3A : memref<!tpu.dma_semaphore, #tpu.memory_space<semaphore_mem>>) src(%dma_wait3A_988 : memref<624x128xf32, #tpu.memory_space<vmem_shared>>) dst(%dma_wait3A_986 : memref<624x128xf32, #tpu.memory_space<hbm>>)
        tpu.yield
      }) : () -> ()
    } else {
    }
    %eq3A_961 = arith.constant 15 : i32
    %eq3A_962 = arith.cmpi eq, %arg1, %eq3A_961 : i32
    %eq3A_963 = arith.constant 0 : i32
    %eq3A_964 = arith.cmpi eq, %arg0, %eq3A_963 : i32
    %and3A_965 = arith.andi %eq3A_962, %eq3A_964 : i1
    %convert_element_type3A_966 = arith.extui %and3A_965 : i1 to i32
    %cond3A_967 = arith.constant 0 : i32
    %cond3A_968 = arith.cmpi ne, %convert_element_type3A_966, %cond3A_967 : i32
    scf.if %cond3A_968 {
      "tpu.region"() ({
        %run_scoped3A = tpu.sem_alloc : memref<!tpu.dma_semaphore, #tpu.memory_space<semaphore_mem>>
        %dma_start3A_977 = arith.constant 9360 : i32
        %dma_start3A_978 = arith.constant 0 : i32
        %dma_start3A_979 = tpu.memref_slice %arg5[%dma_start3A_977, %dma_start3A_978] : memref<10000x128xf32, #tpu.memory_space<hbm>> -> memref<640x128xf32, #tpu.memory_space<hbm>>
        %dma_start3A_980 = arith.constant 9360 : i32
        %dma_start3A_981 = arith.constant 0 : i32
        %dma_start3A_982 = tpu.memref_slice %arg14[%dma_start3A_980, %dma_start3A_981] : memref<10000x128xf32, #tpu.memory_space<vmem_shared>> -> memref<640x128xf32, #tpu.memory_space<vmem_shared>>
        tpu.enqueue_dma source(%dma_start3A_982 : memref<640x128xf32, #tpu.memory_space<vmem_shared>>) target(%dma_start3A_979 : memref<640x128xf32, #tpu.memory_space<hbm>>) target_semaphore(%run_scoped3A : memref<!tpu.dma_semaphore, #tpu.memory_space<semaphore_mem>>)
        %dma_wait3A_983 = arith.constant 9360 : i32
        %dma_wait3A_984 = arith.constant 0 : i32
        %dma_wait3A_985 = tpu.memref_slice %arg5[%dma_wait3A_983, %dma_wait3A_984] : memref<10000x128xf32, #tpu.memory_space<hbm>> -> memref<640x128xf32, #tpu.memory_space<hbm>>
        %dma_wait3A_986 = arith.constant 9360 : i32
        %dma_wait3A_987 = arith.constant 0 : i32
        %dma_wait3A_988 = tpu.memref_slice %arg14[%dma_wait3A_986, %dma_wait3A_987] : memref<10000x128xf32, #tpu.memory_space<vmem_shared>> -> memref<640x128xf32, #tpu.memory_space<vmem_shared>>
        tpu.wait_dma2 semaphore(%run_scoped3A : memref<!tpu.dma_semaphore, #tpu.memory_space<semaphore_mem>>) src(%dma_wait3A_988 : memref<640x128xf32, #tpu.memory_space<vmem_shared>>) dst(%dma_wait3A_985 : memref<640x128xf32, #tpu.memory_space<hbm>>)
        tpu.yield
      }) : () -> ()
    } else {
    }
    %eq3A_969 = arith.constant 15 : i32
    %eq3A_970 = arith.cmpi eq, %arg1, %eq3A_969 : i32
    %eq3A_971 = arith.constant 1 : i32
    %eq3A_972 = arith.cmpi eq, %arg0, %eq3A_971 : i32
    %and3A_973 = arith.andi %eq3A_970, %eq3A_972 : i1
    %convert_element_type3A_974 = arith.extui %and3A_973 : i1 to i32
    %cond3A_975 = arith.constant 0 : i32
    %cond3A_976 = arith.cmpi ne, %convert_element_type3A_974, %cond3A_975 : i32
    scf.if %cond3A_976 {
      "tpu.region"() ({
        %run_scoped3A = tpu.sem_alloc : memref<!tpu.dma_semaphore, #tpu.memory_space<semaphore_mem>>
        %dma_start3A_977 = arith.constant 9360 : i32
        %dma_start3A_978 = arith.constant 0 : i32
        %dma_start3A_979 = tpu.memref_slice %arg6[%dma_start3A_977, %dma_start3A_978] : memref<10000x128xf32, #tpu.memory_space<hbm>> -> memref<640x128xf32, #tpu.memory_space<hbm>>
        %dma_start3A_980 = arith.constant 9360 : i32
        %dma_start3A_981 = arith.constant 0 : i32
        %dma_start3A_982 = tpu.memref_slice %arg14[%dma_start3A_980, %dma_start3A_981] : memref<10000x128xf32, #tpu.memory_space<vmem_shared>> -> memref<640x128xf32, #tpu.memory_space<vmem_shared>>
        tpu.enqueue_dma source(%dma_start3A_982 : memref<640x128xf32, #tpu.memory_space<vmem_shared>>) target(%dma_start3A_979 : memref<640x128xf32, #tpu.memory_space<hbm>>) target_semaphore(%run_scoped3A : memref<!tpu.dma_semaphore, #tpu.memory_space<semaphore_mem>>)
        %dma_wait3A_983 = arith.constant 9360 : i32
        %dma_wait3A_984 = arith.constant 0 : i32
        %dma_wait3A_985 = tpu.memref_slice %arg6[%dma_wait3A_983, %dma_wait3A_984] : memref<10000x128xf32, #tpu.memory_space<hbm>> -> memref<640x128xf32, #tpu.memory_space<hbm>>
        %dma_wait3A_986 = arith.constant 9360 : i32
        %dma_wait3A_987 = arith.constant 0 : i32
        %dma_wait3A_988 = tpu.memref_slice %arg14[%dma_wait3A_986, %dma_wait3A_987] : memref<10000x128xf32, #tpu.memory_space<vmem_shared>> -> memref<640x128xf32, #tpu.memory_space<vmem_shared>>
        tpu.wait_dma2 semaphore(%run_scoped3A : memref<!tpu.dma_semaphore, #tpu.memory_space<semaphore_mem>>) src(%dma_wait3A_988 : memref<640x128xf32, #tpu.memory_space<vmem_shared>>) dst(%dma_wait3A_985 : memref<640x128xf32, #tpu.memory_space<hbm>>)
        tpu.yield
      }) : () -> ()
    } else {
    }
    return
  }
}

</mosaic_0001>

<sc_bundles>
// kernel: _sc_aggregate.3.cloned.1.call-start
scs
__scs_entry_jumppad:
0x0: {  	(pc) =	sbr.rel $0x88, $3  }
0x1: {  	(tag) =	ssettag $0x0;
	lr =	simm.s32 $0x1  }
0x2: {  	[smem:$0x3F9E] =	sst lr;
	_ =	strace $0xD0000000  }
0x3: {  	_ = 	snop  }
0x4: {  	_ = 	snop  }
0x5: {  	_ = 	snop  }
0x6: {  	_ = 	snop  }
0x7: {  	_ = 	snop  }
__scs_overlays_trampoline_lowered:
0x8: {  	[smem:$0x3FAD] =	sst s0  }
0x9: {  	[smem:$0x3FAE] =	sst s1  }
0xa: {  	[smem:$0x3FAF] =	sst s2  }
0xb: {  	[smem:$0x3FB0] =	sst s3  }
0xc: {  	[smem:$0x3FB1] =	sst s4  }
0xd: {  	[smem:$0x3FB2] =	sst s5  }
0xe: {  	[smem:$0x3FB3] =	sst s6  }
0xf: {  	[smem:$0x3FB4] =	sst s7  }
0x10: {  	[smem:$0x3FB5] =	sst s8  }
0x11: {  	[smem:$0x3FB6] =	sst s9;
	s0 =	simm.s32 @!p0 $0x0  }
0x12: {  	s1 =	sld [smem:$0x3F9C];
	s0 =	simm.s32 @p0 $0x1  }
0x13: {  	[smem:$0x3FB7] =	sst s0;
	s0 =	simm.s32 @!p1 $0x0  }
0x14: {  	s2 =	sld [smem:$0x3F9B];
	s0 =	simm.s32 @p1 $0x1  }
0x15: {  	[smem:$0x3FB8] =	sst s0;
	s0 =	simm.s32 @!p2 $0x0  }
0x16: {  	s3 =	sld [smem:$0x3FDB];
	s0 =	simm.s32 @p2 $0x1  }
0x17: {  	s4 =	simm.s32 $0x1BF5;
	[smem:$0x3FBA] =	sst s0  }
0x18: {  	s0 =	sld [smem:$0x3F9D];
	_ =	swait.ge [sflag:s4], $0x0  }
0x19: {  	s7 =	sld [smem:$0x3F9E]  }
0x1a: {  	s8 =	sadd.s32 $0xFFFFE003, lr  }
0x1b: {  	s9 =	sadd.s32 $0xFFFFFEF7, lr;
	s5 =	simm.s32 $0xFFFFFFFF;
	p2 =	slt.u32 s8, $0xFFFFF086  }
0x1c: {  	p1 =	slt.u32 s9, $0xF7A;
	s5 =	simm.s32 @!p2 $0x0  }
0x1d: {  	s5 =	simm.s32 @p1 $0x1;
	p0 =	seq.s32 s7, s2  }
0x1e: {  	s7 =	smul.u32 @!p0 $0xF7A, s2;
	p2 =	seq.s32 @!p0 s5, $0x0  }
0x1f: {  	s9 =	smul.u32 $0xF7A, s1;
	s8 =	simm.s32 @!p0 $0x1BF5;
	p2 =	por !p2, p0  }
0x20: {  	[sflag:s8] =	ssyncset.s32 @!p0 $0xFFFFF086;
	s6 =	sadd.s32 @!p0 s3, s7;
	s7 =	simm.s32 @!p0 $0x108  }
0x21: {  	s3 =	sadd.s32 s3, s9;
	s6 =	sadd.s32 @!p0 $0x88, s6;
	s7 =	simm.s32 @p2 $0x1082  }
0x22: {  	[simem:s7], [sflag:s8] =	dma.local @!p0 [hbm:s6], $0xF7A  }
0x23: {  	s9 =	sor.u32 $0xD0000000, s2;
	s6 =	simm.s32 $0x108;
	_ =	swait.ge @!p0 [sflag:s8], $0x0  }
0x24: {  	s3 =	sadd.s32 $0x88, s3;
	s6 =	simm.s32 @!p1 $0x1082;
	[sflag:s4] =	ssyncset.s32 $0xFFFFF086  }
0x25: {  	[simem:s6], [sflag:s4] =	dma.local [hbm:s3], $0xF7A  }
0x26: {  	[smem:$0x3F9E] =	sst s1;
	(tag) =	ssettag s2;
	_ =	strace s9  }
0x27: {  	s1 =	sld [smem:$0x3FAE]  }
0x28: {  	s2 =	sld [smem:$0x3FAF]  }
0x29: {  	s4 =	sld [smem:$0x3FB1]  }
0x2a: {  	p0 =	seq.s32 s5, $0x0;
	s5 =	sld [smem:$0x3FB2]  }
0x2b: {  	s6 =	sld [smem:$0x3FB3]  }
0x2c: {  	s7 =	sld [smem:$0x3FB4]  }
0x2d: {  	s3 =	simm.s32 $0x108;
	s8 =	sld [smem:$0x3FB5]  }
0x2e: {  	s3 =	simm.s32 @!p0 $0x1082;
	s9 =	sld [smem:$0x3FB6]  }
0x2f: {  	lr =	sadd.s32 s0, s3;
	s0 =	sld [smem:$0x3FAD]  }
0x30: {  	s3 =	sld [smem:$0x3FB0]  }
0x31: {  	[smem:$0x3FB9] =	sst s10  }
0x32: {  	s10 =	sld [smem:$0x3FB7];
	_ =	sdelay $0x3  }
0x33: {  	p0 =	seq.s32 s10, $0x1;
	s10 =	sld [smem:$0x3FB9];
	_ =	sdelay $0x3  }
0x34: {  	[smem:$0x3FB9] =	sst s10  }
0x35: {  	s10 =	sld [smem:$0x3FB8];
	_ =	sdelay $0x3  }
0x36: {  	p1 =	seq.s32 s10, $0x1;
	s10 =	sld [smem:$0x3FB9];
	_ =	sdelay $0x3  }
0x37: {  	[smem:$0x3FB9] =	sst s10  }
0x38: {  	s10 =	sld [smem:$0x3FBA]  }
0x39: {  	_ = 	snop;
	(pc) =	sbr.ind lr, $3  }
0x3a: {  	_ = 	snop  }
0x3b: {  	_ = 	snop  }
0x3c: {  	p2 =	seq.s32 s10, $0x1;
	s10 =	sld [smem:$0x3FB9]  }
0x3d: {  	_ =	shalt  }
0x3e: {  	_ =	shalt  }
0x3f: {  	_ =	shalt  }
0x40: {  	_ =	shalt  }
0x41: {  	_ =	shalt  }
0x42: {  	_ =	shalt  }
0x43: {  	_ =	shalt  }
0x44: {  	_ =	shalt  }
0x45: {  	_ =	shalt  }
0x46: {  	_ =	shalt  }
0x47: {  	_ =	shalt  }
0x48: {  	_ =	shalt  }
0x49: {  	_ =	shalt  }
0x4a: {  	_ =	shalt  }
0x4b: {  	_ =	shalt  }
0x4c: {  	_ =	shalt  }
0x4d: {  	_ =	shalt  }
0x4e: {  	_ =	shalt  }
0x4f: {  	_ =	shalt  }
0x50: {  	_ =	shalt  }
0x51: {  	_ =	shalt  }
0x52: {  	_ =	shalt  }
0x53: {  	_ =	shalt  }
0x54: {  	_ =	shalt  }
0x55: {  	_ =	shalt  }
0x56: {  	_ =	shalt  }
0x57: {  	_ =	shalt  }
0x58: {  	_ =	shalt  }
0x59: {  	_ =	shalt  }
0x5a: {  	_ =	shalt  }
0x5b: {  	_ =	shalt  }
0x5c: {  	_ =	shalt  }
0x5d: {  	_ =	shalt  }
0x5e: {  	_ =	shalt  }
0x5f: {  	_ =	shalt  }
0x60: {  	_ =	shalt  }
0x61: {  	_ =	shalt  }
0x62: {  	_ =	shalt  }
0x63: {  	_ =	shalt  }
0x64: {  	_ =	shalt  }
0x65: {  	_ =	shalt  }
0x66: {  	_ =	shalt  }
0x67: {  	_ =	shalt  }
0x68: {  	_ =	shalt  }
0x69: {  	_ =	shalt  }
0x6a: {  	_ =	shalt  }
0x6b: {  	_ =	shalt  }
0x6c: {  	_ =	shalt  }
0x6d: {  	_ =	shalt  }
0x6e: {  	_ =	shalt  }
0x6f: {  	_ =	shalt  }
0x70: {  	_ =	shalt  }
0x71: {  	_ =	shalt  }
0x72: {  	_ =	shalt  }
0x73: {  	_ =	shalt  }
0x74: {  	_ =	shalt  }
0x75: {  	_ =	shalt  }
0x76: {  	_ =	shalt  }
0x77: {  	_ =	shalt  }
0x78: {  	_ =	shalt  }
0x79: {  	_ =	shalt  }
0x7a: {  	_ =	shalt  }
0x7b: {  	_ =	shalt  }
0x7c: {  	_ =	shalt  }
0x7d: {  	_ =	shalt  }
0x7e: {  	_ =	shalt  }
0x7f: {  	_ =	shalt  }
0x80: {  	_ =	shalt  }
0x81: {  	_ =	shalt  }
0x82: {  	_ =	shalt  }
0x83: {  	_ =	shalt  }
0x84: {  	_ =	shalt  }
0x85: {  	_ =	shalt  }
0x86: {  	_ =	shalt  }
0x87: {  	_ =	shalt  }
.Lfunc_end0:
.L_simem_size_0:
called_computation_lowered:
.L_overlay_start_0:
0x88: {  	s2 =	sld [smem:$0x3FD9]  }
0x89: {  	s3 =	sld [smem:$0x3FFE];
	_ =	sdelay $0x1  }
0x8a: {  	s1 =	srdreg.scid  }
0x8b: {  	s0 =	sand.u32 $0x1, s1  }
0x8c: {  	s15 =	sshll.u32 s0, $0xA;
	s2 =	sadd.s32 s3, s2  }
0x8d: {  	s2 =	sadd.s32 s2, s15  }
0x8e: {  	[smem:$0x3FC5] =	sst s2  }
0x8f: {  	_ = 	snop  }
0x90: {  	s2 =	sld [smem:$0x3FD0]  }
0x91: {  	s16 =	sld [smem:$0x3FC9]  }
0x92: {  	s4 =	sld [smem:$0x3FC8]  }
0x93: {  	s6 =	simm.s32 $0xA;
	s7 =	simm.s32 $0x10;
	s5 =	sld [smem:$0x3FC7]  }
0x94: {  	[smem:s7], [sflag:s6] =	dma.local [hbm:s2], $0x1  }
0x95: {  	_ =	swait.eq [sflag:s6], $0x1  }
0x96: {  	[sflag:s6] =	ssyncset.done $0x0  }
0x97: {  	s17 =	sld [smem:$0x10];
	[sflag:s6] =	ssyncadd.s32 $0xFFFFFFFF  }
0x98: {  	s18 =	sld [smem:$0x11];
	(tm) =	ssettm $0x1  }
0x99: {  	s19 =	sld [smem:$0x3FFB];
	_ =	sdelay $0x3  }
0x9a: {  	_ =	strace s19  }
0x9b: {  	s7 =	sld [smem:$0x3FFC];
	_ =	sdelay $0x3  }
0x9c: {  	_ =	strace s7  }
0x9d: {  	s7 =	sld [smem:$0x3FFD];
	_ =	sdelay $0x3  }
0x9e: {  	_ =	strace s7  }
0x9f: {  	_ =	strace $0x8FFFFFFF  }
0xa0: {  	s20 =	sld [smem:$0x3FDB];
	_ =	sdelay $0x1  }
0xa1: {  	s8 =	simm.s32 $_scs_section_size  }
0xa2: {  	s9 =	simm.s32 $_size__tile_overlayer_lowered;
	s10 =	simm.s32 $_tile_overlayer_lowered  }
0xa3: {  	s23 =	simm.s32 $0x1BFF;
	s22 =	sshll.u32 s10, $0x1;
	s7 =	sadd.s32 s8, s20  }
0xa4: {  	s11 =	simm.s32 $0x0;
	s21 =	sshll.u32 s9, $0x1;
	s9 =	sadd.s32 s22, s7  }
0xa5: {  	[timem:s11], [sflag:s23] =	dma.local [hbm:s9], s21  }
0xa6: {  	_ =	swait.ge [sflag:s23], s21  }
0xa7: {  	s8 =	ssub.s32 $0x0, s21;
	[sflag:s23] =	ssyncset.done $0x0  }
0xa8: {  	[sflag:s23] =	ssyncadd.s32 s8;
	_ =	sdelay $0x1  }
0xa9: {  	s24 =	simm.s32 $0x1B8B  }
0xaa: {  	_ =	swait.ge [sflag:s24], $0x1  }
0xab: {  	[sflag:s24] =	ssyncset.done $0x0  }
0xac: {  	s25 =	simm.s32 $0x1B8E;
	[sflag:s24] =	ssyncadd.s32 $0xFFFFFFFF  }
0xad: {  	s26 =	simm.s32 $execute0_lowered;
	[smem:$0x3FD2] =	sst s25  }
0xae: {  	s8 =	sshll.u32 s26, $0x1;
	_ =	strace $0x80000046;
	[dreg:$0x1] =	wrdreg $0xFFFFFFFF  }
0xaf: {  	s28 =	simm.s32 $_size_execute0_lowered;
	s7 =	sadd.s32 s7, s8;
	[dreg:$0x0] =	wrdreg $0x0  }
0xb0: {  	s8 =	sshll.u32 s28, $0x1;
	[dreg:$0x2] =	wrdreg s7  }
0xb1: {  	[dreg:$0x3] =	wrdreg s8  }
0xb2: {  	[dreg:$0x4] =	wrdreg $0xC0  }
0xb3: {  	_ =	task [dreg:s11], $0x5FFFF  }
0xb4: {  	[dreg:$0x1] =	wrdreg $0xFFFFFFFF  }
0xb5: {  	[dreg:$0x0] =	wrdreg $0x60  }
0xb6: {  	[dreg:$0x2] =	wrdreg s16  }
0xb7: {  	[dreg:$0x3] =	wrdreg s4  }
0xb8: {  	[dreg:$0x4] =	wrdreg s5  }
0xb9: {  	[dreg:$0x5] =	wrdreg s17  }
0xba: {  	[dreg:$0x6] =	wrdreg s18  }
0xbb: {  	[dreg:$0x7] =	wrdreg $0xC4800  }
0xbc: {  	[dreg:$0x8] =	wrdreg $0x9  }
0xbd: {  	_ =	task.clear_ibuf [dreg:s11], $0x9FFFF;
	_ =	strace $0x90000046  }
0xbe: {  	s29 =	simm.s32 $0x9;
	_ =	strace $0x80000048  }
0xbf: {  	_ =	swait.ge [sflag:s29], $0x1  }
0xc0: {  	[sflag:s29] =	ssyncadd.s32 $0xFFFFFFFF  }
0xc1: {  	_ =	strace $0x90000048  }
0xc2: {  	_ =	sfence  }
0xc3: {  	s30 =	sld [smem:$0x0];
	_ =	sdelay $0x2  }
0xc4: {  	s31 =	sshll.u32 s1, $0xD;
	s1 =	sshrl.u32 s1, $0x2  }
0xc5: {  	s3 =	sand.u32 $0x4000, s31;
	s1 =	sadd.s32 s1, s30  }
0xc6: {  	s0 =	sor.u32 s3, s0;
	s1 =	sshll.u32 s1, $0x11  }
0xc7: {  	s0 =	sor.u32 s1, s0  }
0xc8: {  	s0 =	sadd.s32 $0x8F2B, s0  }
0xc9: {  	[sflag:s0] =	ssyncadd.remote.s32 $0x1  }
0xca: {  	_ =	sfence.sel $0xFFFF  }
0xcb: {  	[dreg:$0x0] =	wrdreg $0xFFFFFFFF;
	(pc) =	sbr.abs _section_cstart, $3  }
0xcc: {  	[dreg:$0x1] =	wrdreg $0xFFFFFFFF  }
0xcd: {  	_ =	task.clear_ibuf [dreg:s11], $0x2FFFF;
	_ =	strace $0x9FFFFFFF  }
0xce: {  	(tm) =	ssettm $0x7FFFFFFF  }
0xcf: {  	_ =	shalt  }
tec
execute0_lowered:
.L_overlay_start_1:
0x0: {  	(tag) =	ssettag $0x1  }
0x1: {  	s1 =	rddreg [dreg:$0x0]  }
0x2: {  	s0 =	rddreg [dreg:$0x1]  }
0x3: {  	s2 =	rddreg [dreg:$0x3]  }
0x4: {  	s4 =	rddreg [dreg:$0x4]  }
0x5: {  	s3 =	rddreg [dreg:$0x5];
	s6 =	simm.s32 $0x0;
	s5 =	srdreg.scid  }
0x6: {  	s17 =	simm.s32 $0x8;
	s18 =	simm.s32 $0x60;
	s28 =	simm.s32 $0x2  }
0x7: {  	s29 =	simm.s32 $0x2A00;
	s30 =	simm.s32 $0x4;
	s31 =	simm.s32 $0x3  }
0x8: {  	[smem:$0x7FF] =	sst s6;
	s8 =	sand.u32 $0x1, s5;
	s5 =	stileid.u32  }
0x9: {  	s6 =	sadd.s32 $0x124800, s3;
	s24 =	sadd.s32 $0x24900, s2;
	s25 =	sadd.s32 $0x24900, s4  }
0xa: {  	_ =	strace $0x80000047;
	s19 =	ssub.s32 $0x2, s8;
	s9 =	sshll.u32 s5, $0x1  }
0xb: {  	s10 =	smul.u32 $0x4E000, s5;
	p0 =	seq.s32 s5, $0xF;
	p2 =	sne.s32 s5, $0xF  }
0xc: {  	p3 =	seq.s32 s8, $0x0;
	s21 =	smul.u32 $0x2700, s5;
	[dreg:$0xa] =	wrdreg s24  }
0xd: {  	p4 =	seq.s32 s8, $0x1;
	[dreg:$0xb] =	wrdreg s25;
	s24 =	simm.s32 $0x2980  }
0xe: {  	s25 =	simm.s32 $0x2880;
	s7 =	sshrl.u32 s19, $0x1;
	s9 =	sor.u32 s8, s9  }
0xf: {  	p1 =	por !p2, !p3;
	p2 =	por !p2, !p4;
	p3 =	por !p3, !p0  }
0x10: {  	p4 =	por !p4, !p0;
	s14 =	sshrl.u32 @p0 s6, $0x3;
	s8 =	simm.s32 $0x10  }
0x11: {  	s11 =	ssub.s32 s19, s7;
	s20 =	sshrl.u32 s10, $0x2;
	s9 =	smul.u32 $0x4E2, s9  }
0x12: {  	p1 =	por !p1, !p1;
	s22 =	sadd.s32 s2, s21;
	p2 =	por !p2, !p2  }
0x13: {  	s23 =	sadd.s32 s4, s21;
	p3 =	por !p3, !p3;
	p4 =	por !p4, !p4  }
0x14: {  	s19 =	simm.s32 $0x2780;
	s21 =	simm.s32 $0x2800;
	s4 =	simm.s32 $0x5  }
0x15: {  	s2 =	simm.s32 $0x6;
	s10 =	simm.s32 $0x0;
	[dreg:$0x8] =	wrdreg s22  }
0x16: {  	s7 =	sadd.s32 s20, s3;
	[dreg:$0x9] =	wrdreg s23;
	s26 =	smax.u32 s11, $0x1  }
0x17: {  	s20 =	simm.s32 $0x2B80;
	s22 =	simm.s32 $0x5B80;
	s23 =	simm.s32 $0x1  }
0x18: {  	s0 =	sadd.s32 s0, s9;
	[dreg:$0xc] =	wrdreg s26;
	s16 =	sshrl.u32 @!p0 s7, $0x3  }
0x19: {  	s26 =	simm.s32 $0x8B80;
	[dreg:$0x7] =	wrdreg s0;
	s0 =	sshll.u32 @!p0 s5, $0x6  }
0x1a: {  	s9 =	simm.s32 $0xBC80;
	s15 =	sor.u32 @!p0 $0x1C07, s0;
	s0 =	simm.s32 $0x2A80  }
.LBB2_1:
0x1b: {  	s11 =	simm.s32 @p0 $0x1FC7;
	s12 =	rddreg [dreg:$0x2]  }
0x1c: {  	[spmem:s14], [sflag:s11] =	dma.local @p0 [hbm:s12], $0x2800  }
0x1d: {  	[spmem:s16], [sflag:s15] =	dma.local @!p0 [hbm:s12], $0x2700  }
0x1e: {  	s13 =	simm.s32 $0x0;
	s12 =	rddreg [dreg:$0x7]  }
0x1f: {  	[tilespmem:s13], [sflag:$0x8] =	stream.linear.gather [hbm4b:s12+s13], $0x2710, $0x38;
	[tilespmem:$0x1FD00] =	vst v63  }
0x20: {  	_ =	swait.ge [sflag:s17], $0x2710  }
0x21: {  	[sflag:s17] =	ssyncset.done $0x0  }
0x22: {  	[sflag:s17] =	ssyncadd.s32 $0xFFFFD8F0  }
0x23: {  	v0 =	vld [tilespmem:$0x0];
	_ =	sdelay $0x1  }
0x24: {  	v1 =	vld [tilespmem:$0x10];
	_ =	sdelay $0x1  }
0x25: {  	v2 =	vld [tilespmem:$0x20]  }
0x26: {  	v3 =	vshrl.u32 v0, $0xE  }
0x27: {  	v0 =	vand.u32 $0x3FFF, v0;
	[tilespmem:$0x2780] =	vst v3;
	v3 =	vld [tilespmem:$0x30]  }
0x28: {  	[tilespmem:$0x2980] =	vst v0;
	v0 =	vshrl.u32 v1, $0xE  }
0x29: {  	[tilespmem:$0x2790] =	vst v0;
	v0 =	vand.u32 $0x3FFF, v1;
	v1 =	vld [tilespmem:$0x40]  }
0x2a: {  	[tilespmem:$0x2990] =	vst v0;
	v0 =	vshrl.u32 v2, $0xE  }
0x2b: {  	[tilespmem:$0x27A0] =	vst v0;
	v0 =	vand.u32 $0x3FFF, v2;
	v2 =	vld [tilespmem:$0x50]  }
0x2c: {  	[tilespmem:$0x29A0] =	vst v0;
	v0 =	vshrl.u32 v3, $0xE  }
0x2d: {  	[tilespmem:$0x27B0] =	vst v0;
	v0 =	vand.u32 $0x3FFF, v3  }
0x2e: {  	[tilespmem:$0x29B0] =	vst v0;
	v0 =	vshrl.u32 v1, $0xE  }
0x2f: {  	[tilespmem:$0x27C0] =	vst v0;
	v0 =	vand.u32 $0x3FFF, v1  }
0x30: {  	[tilespmem:$0x29C0] =	vst v0;
	v0 =	vshrl.u32 v2, $0xE  }
0x31: {  	[tilespmem:$0x27D0] =	vst v0;
	v0 =	vand.u32 $0x3FFF, v2  }
0x32: {  	[tilespmem:$0x29D0] =	vst v0  }
0x33: {  	[tilespmem:s20], [sflag:$0x1] =	stream.indirect.gather [hbm4b:s1+s18], $0x80, s19, s18, $0xb8;
	[tilespmem:$0x1FD00] =	vst v63  }
0x34: {  	v0 =	vld [tilespmem:$0x60];
	_ =	sdelay $0x1  }
0x35: {  	v1 =	vld [tilespmem:$0x70];
	_ =	sdelay $0x1  }
0x36: {  	v2 =	vld [tilespmem:$0x80]  }
0x37: {  	v3 =	vshrl.u32 v0, $0xE  }
0x38: {  	v0 =	vand.u32 $0x3FFF, v0;
	[tilespmem:$0x2800] =	vst v3;
	v3 =	vld [tilespmem:$0x90]  }
0x39: {  	[tilespmem:$0x2A00] =	vst v0;
	v0 =	vshrl.u32 v1, $0xE  }
0x3a: {  	[tilespmem:$0x2810] =	vst v0;
	v0 =	vand.u32 $0x3FFF, v1;
	v1 =	vld [tilespmem:$0xA0]  }
0x3b: {  	[tilespmem:$0x2A10] =	vst v0;
	v0 =	vshrl.u32 v2, $0xE  }
0x3c: {  	[tilespmem:$0x2820] =	vst v0;
	v0 =	vand.u32 $0x3FFF, v2;
	v2 =	vld [tilespmem:$0xB0]  }
0x3d: {  	[tilespmem:$0x2A20] =	vst v0;
	v0 =	vshrl.u32 v3, $0xE  }
0x3e: {  	[tilespmem:$0x2830] =	vst v0;
	v0 =	vand.u32 $0x3FFF, v3  }
0x3f: {  	[tilespmem:$0x2A30] =	vst v0;
	v0 =	vshrl.u32 v1, $0xE  }
0x40: {  	[tilespmem:$0x2840] =	vst v0;
	v0 =	vand.u32 $0x3FFF, v1  }
0x41: {  	[tilespmem:$0x2A40] =	vst v0;
	v0 =	vshrl.u32 v2, $0xE  }
0x42: {  	[tilespmem:$0x2850] =	vst v0;
	v0 =	vand.u32 $0x3FFF, v2  }
0x43: {  	s11 =	simm.s32 @p0 $0x7;
	[tilespmem:$0x2A50] =	vst v0  }
0x44: {  	[tilespmem:s22], [sflag:$0x2] =	stream.indirect.gather [hbm4b:s1+s18], $0x80, s21, s18, $0xb8;
	[tilespmem:$0x1FD00] =	vst v63  }
0x45: {  	_ =	swait.ge @p0 [sflag:s11], $0x2800  }
0x46: {  	[sflag:s11] =	ssyncset.done @p0 $0x0  }
0x47: {  	[sflag:s11] =	ssyncadd.s32 @p0 $0xFFFFD800;
	s11 =	simm.s32 @!p0 $0x7  }
0x48: {  	_ =	swait.ge @!p0 [sflag:s11], $0x2700  }
0x49: {  	[sflag:s11] =	ssyncset.done @!p0 $0x0  }
0x4a: {  	[sflag:s11] =	ssyncadd.s32 @!p0 $0xFFFFD900  }
0x4b: {  	[bflag:$0x0] =	sbarrier.arrive $0xFFFF  }
0x4c: {  	_ =	swait.ge [sflag:s23], $0x3000  }
0x4d: {  	[sflag:s23] =	ssyncset.done $0x0  }
0x4e: {  	[sflag:s23] =	ssyncadd.s32 $0xFFFFD000  }
0x4f: {  	[spmem:s3] =	stream.indirect.scatter.add.f32 [tilespmem:s20], [sflag:$0x4], $0x80, s24, s18, $0xb8;
	[tilespmem:$0x1FD00] =	vst v63  }
0x50: {  	v0 =	vld [tilespmem:$0xC0];
	_ =	sdelay $0x1  }
0x51: {  	v1 =	vld [tilespmem:$0xD0];
	_ =	sdelay $0x1  }
0x52: {  	v2 =	vld [tilespmem:$0xE0]  }
0x53: {  	v3 =	vshrl.u32 v0, $0xE  }
0x54: {  	v0 =	vand.u32 $0x3FFF, v0;
	[tilespmem:$0x2880] =	vst v3;
	v3 =	vld [tilespmem:$0xF0]  }
0x55: {  	[tilespmem:$0x2A80] =	vst v0;
	v0 =	vshrl.u32 v1, $0xE  }
0x56: {  	[tilespmem:$0x2890] =	vst v0;
	v0 =	vand.u32 $0x3FFF, v1;
	v1 =	vld [tilespmem:$0x100]  }
0x57: {  	[tilespmem:$0x2A90] =	vst v0;
	v0 =	vshrl.u32 v2, $0xE  }
0x58: {  	[tilespmem:$0x28A0] =	vst v0;
	v0 =	vand.u32 $0x3FFF, v2;
	v2 =	vld [tilespmem:$0x110]  }
0x59: {  	[tilespmem:$0x2AA0] =	vst v0;
	v0 =	vshrl.u32 v3, $0xE  }
0x5a: {  	[tilespmem:$0x28B0] =	vst v0;
	v0 =	vand.u32 $0x3FFF, v3  }
0x5b: {  	[tilespmem:$0x2AB0] =	vst v0;
	v0 =	vshrl.u32 v1, $0xE  }
0x5c: {  	[tilespmem:$0x28C0] =	vst v0;
	v0 =	vand.u32 $0x3FFF, v1  }
0x5d: {  	[tilespmem:$0x2AC0] =	vst v0;
	v0 =	vshrl.u32 v2, $0xE  }
0x5e: {  	[tilespmem:$0x28D0] =	vst v0;
	v0 =	vand.u32 $0x3FFF, v2  }
0x5f: {  	[tilespmem:$0x2AD0] =	vst v0  }
0x60: {  	[tilespmem:s26], [sflag:$0x3] =	stream.indirect.gather [hbm4b:s1+s18], $0x80, s25, s18, $0xb8;
	[tilespmem:$0x1FD00] =	vst v63  }
0x61: {  	_ =	swait.ge [sflag:s28], $0x3000  }
0x62: {  	[sflag:s28] =	ssyncset.done $0x0  }
0x63: {  	[sflag:s28] =	ssyncadd.s32 $0xFFFFD000  }
0x64: {  	[spmem:s3] =	stream.indirect.scatter.add.f32 [tilespmem:s22], [sflag:$0x5], $0x80, s29, s18, $0xb8;
	[tilespmem:$0x1FD00] =	vst v63  }
0x65: {  	_ =	swait.ge [sflag:s30], $0x3000  }
0x66: {  	[sflag:s30] =	ssyncset.done $0x0  }
0x67: {  	[sflag:s30] =	ssyncadd.s32 $0xFFFFD000  }
0x68: {  	v0 =	vld [tilespmem:$0x120];
	_ =	sdelay $0x1  }
0x69: {  	v1 =	vld [tilespmem:$0x130];
	_ =	sdelay $0x1  }
0x6a: {  	v2 =	vld [tilespmem:$0x140]  }
0x6b: {  	v3 =	vshrl.u32 v0, $0xE  }
0x6c: {  	v0 =	vand.u32 $0x3FFF, v0;
	[tilespmem:$0x2780] =	vst v3;
	v3 =	vld [tilespmem:$0x150]  }
0x6d: {  	[tilespmem:$0x2980] =	vst v0;
	v0 =	vshrl.u32 v1, $0xE  }
0x6e: {  	[tilespmem:$0x2790] =	vst v0;
	v0 =	vand.u32 $0x3FFF, v1;
	v1 =	vld [tilespmem:$0x160]  }
0x6f: {  	[tilespmem:$0x2990] =	vst v0;
	v0 =	vshrl.u32 v2, $0xE  }
0x70: {  	[tilespmem:$0x27A0] =	vst v0;
	v0 =	vand.u32 $0x3FFF, v2;
	v2 =	vld [tilespmem:$0x170]  }
0x71: {  	[tilespmem:$0x29A0] =	vst v0;
	v0 =	vshrl.u32 v3, $0xE  }
0x72: {  	[tilespmem:$0x27B0] =	vst v0;
	v0 =	vand.u32 $0x3FFF, v3  }
0x73: {  	[tilespmem:$0x29B0] =	vst v0;
	v0 =	vshrl.u32 v1, $0xE  }
0x74: {  	[tilespmem:$0x27C0] =	vst v0;
	v0 =	vand.u32 $0x3FFF, v1  }
0x75: {  	[tilespmem:$0x29C0] =	vst v0;
	v0 =	vshrl.u32 v2, $0xE  }
0x76: {  	[tilespmem:$0x27D0] =	vst v0;
	v0 =	vand.u32 $0x3FFF, v2  }
0x77: {  	[tilespmem:$0x29D0] =	vst v0  }
0x78: {  	[tilespmem:s20], [sflag:$0x1] =	stream.indirect.gather [hbm4b:s1+s18], $0x80, s19, s18, $0xb8;
	[tilespmem:$0x1FD00] =	vst v63  }
0x79: {  	_ =	swait.ge [sflag:s31], $0x3000  }
0x7a: {  	[sflag:s31] =	ssyncset.done $0x0  }
0x7b: {  	[sflag:s31] =	ssyncadd.s32 $0xFFFFD000  }
0x7c: {  	[spmem:s3] =	stream.indirect.scatter.add.f32 [tilespmem:s26], [sflag:$0x6], $0x80, s0, s18, $0xb8;
	[tilespmem:$0x1FD00] =	vst v63  }
0x7d: {  	_ =	swait.ge [sflag:s4], $0x3000  }
0x7e: {  	[sflag:s4] =	ssyncset.done $0x0  }
0x7f: {  	[sflag:s4] =	ssyncadd.s32 $0xFFFFD000  }
0x80: {  	v0 =	vld [tilespmem:$0x180];
	_ =	sdelay $0x1  }
0x81: {  	v1 =	vld [tilespmem:$0x190];
	_ =	sdelay $0x1  }
0x82: {  	v2 =	vld [tilespmem:$0x1A0]  }
0x83: {  	v3 =	vshrl.u32 v0, $0xE  }
0x84: {  	v0 =	vand.u32 $0x3FFF, v0;
	[tilespmem:$0x2800] =	vst v3;
	v3 =	vld [tilespmem:$0x1B0]  }
0x85: {  	[tilespmem:$0x2A00] =	vst v0;
	v0 =	vshrl.u32 v1, $0xE  }
0x86: {  	[tilespmem:$0x2810] =	vst v0;
	v0 =	vand.u32 $0x3FFF, v1;
	v1 =	vld [tilespmem:$0x1C0]  }
0x87: {  	[tilespmem:$0x2A10] =	vst v0;
	v0 =	vshrl.u32 v2, $0xE  }
0x88: {  	[tilespmem:$0x2820] =	vst v0;
	v0 =	vand.u32 $0x3FFF, v2;
	v2 =	vld [tilespmem:$0x1D0]  }
0x89: {  	[tilespmem:$0x2A20] =	vst v0;
	v0 =	vshrl.u32 v3, $0xE  }
0x8a: {  	[tilespmem:$0x2830] =	vst v0;
	v0 =	vand.u32 $0x3FFF, v3  }
0x8b: {  	[tilespmem:$0x2A30] =	vst v0;
	v0 =	vshrl.u32 v1, $0xE  }
0x8c: {  	[tilespmem:$0x2840] =	vst v0;
	v0 =	vand.u32 $0x3FFF, v1  }
0x8d: {  	[tilespmem:$0x2A40] =	vst v0;
	v0 =	vshrl.u32 v2, $0xE  }
0x8e: {  	[tilespmem:$0x2850] =	vst v0;
	v0 =	vand.u32 $0x3FFF, v2  }
0x8f: {  	[tilespmem:$0x2A50] =	vst v0  }
0x90: {  	[tilespmem:s22], [sflag:$0x2] =	stream.indirect.gather [hbm4b:s1+s18], $0x80, s21, s18, $0xb8;
	[tilespmem:$0x1FD00] =	vst v63  }
0x91: {  	_ =	swait.ge [sflag:s23], $0x3000  }
0x92: {  	[sflag:s23] =	ssyncset.done $0x0  }
0x93: {  	[sflag:s23] =	ssyncadd.s32 $0xFFFFD000  }
0x94: {  	[spmem:s3] =	stream.indirect.scatter.add.f32 [tilespmem:s20], [sflag:$0x4], $0x80, s24, s18, $0xb8;
	[tilespmem:$0x1FD00] =	vst v63  }
0x95: {  	_ =	swait.ge [sflag:s2], $0x3000  }
0x96: {  	[sflag:s2] =	ssyncset.done $0x0  }
0x97: {  	s11 =	simm.s32 $0x2F0;
	[sflag:s2] =	ssyncadd.s32 $0xFFFFD000  }
0x98: {  	v0 =	vld [tilespmem:s11+$0xFFFFFEF0];
	_ =	sdelay $0x4  }
0x99: {  	v1 =	vshrl.u32 v0, $0xE  }
0x9a: {  	v0 =	vand.u32 $0x3FFF, v0;
	[tilespmem:$0x2880] =	vst v1  }
0x9b: {  	[tilespmem:$0x2A80] =	vst v0  }
0x9c: {  	v0 =	vld [tilespmem:s11+$0xFFFFFF00];
	_ =	sdelay $0x4  }
0x9d: {  	v1 =	vshrl.u32 v0, $0xE  }
0x9e: {  	v0 =	vand.u32 $0x3FFF, v0;
	[tilespmem:$0x2890] =	vst v1  }
0x9f: {  	[tilespmem:$0x2A90] =	vst v0  }
0xa0: {  	v0 =	vld [tilespmem:s11+$0xFFFFFF10];
	_ =	sdelay $0x4  }
0xa1: {  	v1 =	vshrl.u32 v0, $0xE  }
0xa2: {  	v0 =	vand.u32 $0x3FFF, v0;
	[tilespmem:$0x28A0] =	vst v1  }
0xa3: {  	[tilespmem:$0x2AA0] =	vst v0  }
0xa4: {  	v0 =	vld [tilespmem:s11+$0xFFFFFF20];
	_ =	sdelay $0x4  }
0xa5: {  	v1 =	vshrl.u32 v0, $0xE  }
0xa6: {  	v0 =	vand.u32 $0x3FFF, v0;
	[tilespmem:$0x28B0] =	vst v1  }
0xa7: {  	[tilespmem:$0x2AB0] =	vst v0  }
0xa8: {  	v0 =	vld [tilespmem:s11+$0xFFFFFF30];
	_ =	sdelay $0x4  }
0xa9: {  	v1 =	vshrl.u32 v0, $0xE  }
0xaa: {  	v0 =	vand.u32 $0x3FFF, v0;
	[tilespmem:$0x28C0] =	vst v1  }
0xab: {  	[tilespmem:$0x2AC0] =	vst v0  }
0xac: {  	v0 =	vld [tilespmem:s11+$0xFFFFFF40];
	_ =	sdelay $0x4  }
0xad: {  	v1 =	vshrl.u32 v0, $0xE  }
0xae: {  	v0 =	vand.u32 $0x3FFF, v0;
	[tilespmem:$0x28D0] =	vst v1  }
0xaf: {  	[tilespmem:$0x2AD0] =	vst v0  }
0xb0: {  	[tilespmem:s26], [sflag:$0x3] =	stream.indirect.gather [hbm4b:s1+s18], $0x80, s25, s18, $0xb8;
	[tilespmem:$0x1FD00] =	vst v63  }
0xb1: {  	_ =	swait.ge [sflag:s28], $0x3000  }
0xb2: {  	[sflag:s28] =	ssyncset.done $0x0  }
0xb3: {  	[sflag:s28] =	ssyncadd.s32 $0xFFFFD000  }
0xb4: {  	[spmem:s3] =	stream.indirect.scatter.add.f32 [tilespmem:s22], [sflag:$0x5], $0x80, s29, s18, $0xb8;
	[tilespmem:$0x1FD00] =	vst v63  }
0xb5: {  	_ =	swait.ge [sflag:s30], $0x3000  }
0xb6: {  	[sflag:s30] =	ssyncset.done $0x0  }
0xb7: {  	[sflag:s30] =	ssyncadd.s32 $0xFFFFD000  }
0xb8: {  	v0 =	vld [tilespmem:s11+$0xFFFFFF50];
	_ =	sdelay $0x4  }
0xb9: {  	v1 =	vshrl.u32 v0, $0xE  }
0xba: {  	v0 =	vand.u32 $0x3FFF, v0;
	[tilespmem:$0x2780] =	vst v1  }
0xbb: {  	[tilespmem:$0x2980] =	vst v0  }
0xbc: {  	v0 =	vld [tilespmem:s11+$0xFFFFFF60];
	_ =	sdelay $0x4  }
0xbd: {  	v1 =	vshrl.u32 v0, $0xE  }
0xbe: {  	v0 =	vand.u32 $0x3FFF, v0;
	[tilespmem:$0x2790] =	vst v1  }
0xbf: {  	[tilespmem:$0x2990] =	vst v0  }
0xc0: {  	v0 =	vld [tilespmem:s11+$0xFFFFFF70];
	_ =	sdelay $0x4  }
0xc1: {  	v1 =	vshrl.u32 v0, $0xE  }
0xc2: {  	v0 =	vand.u32 $0x3FFF, v0;
	[tilespmem:$0x27A0] =	vst v1  }
0xc3: {  	[tilespmem:$0x29A0] =	vst v0  }
0xc4: {  	v0 =	vld [tilespmem:s11+$0xFFFFFF80];
	_ =	sdelay $0x4  }
0xc5: {  	v1 =	vshrl.u32 v0, $0xE  }
0xc6: {  	v0 =	vand.u32 $0x3FFF, v0;
	[tilespmem:$0x27B0] =	vst v1  }
0xc7: {  	[tilespmem:$0x29B0] =	vst v0  }
0xc8: {  	v0 =	vld [tilespmem:s11+$0xFFFFFF90];
	_ =	sdelay $0x4  }
0xc9: {  	v1 =	vshrl.u32 v0, $0xE  }
0xca: {  	v0 =	vand.u32 $0x3FFF, v0;
	[tilespmem:$0x27C0] =	vst v1  }
0xcb: {  	[tilespmem:$0x29C0] =	vst v0  }
0xcc: {  	v0 =	vld [tilespmem:s11+$0xFFFFFFA0];
	_ =	sdelay $0x4  }
0xcd: {  	v1 =	vshrl.u32 v0, $0xE  }
0xce: {  	v0 =	vand.u32 $0x3FFF, v0;
	[tilespmem:$0x27D0] =	vst v1  }
0xcf: {  	[tilespmem:$0x29D0] =	vst v0  }
0xd0: {  	[tilespmem:s20], [sflag:$0x1] =	stream.indirect.gather [hbm4b:s1+s18], $0x80, s19, s18, $0xb8;
	[tilespmem:$0x1FD00] =	vst v63  }
0xd1: {  	_ =	swait.ge [sflag:s31], $0x3000  }
0xd2: {  	[sflag:s31] =	ssyncset.done $0x0  }
0xd3: {  	[sflag:s31] =	ssyncadd.s32 $0xFFFFD000  }
0xd4: {  	[spmem:s3] =	stream.indirect.scatter.add.f32 [tilespmem:s26], [sflag:$0x6], $0x80, s0, s18, $0xb8;
	[tilespmem:$0x1FD00] =	vst v63  }
0xd5: {  	_ =	swait.ge [sflag:s4], $0x3000  }
0xd6: {  	[sflag:s4] =	ssyncset.done $0x0  }
0xd7: {  	[sflag:s4] =	ssyncadd.s32 $0xFFFFD000  }
0xd8: {  	v0 =	vld [tilespmem:s11+$0xFFFFFFB0];
	_ =	sdelay $0x4  }
0xd9: {  	v1 =	vshrl.u32 v0, $0xE  }
0xda: {  	v0 =	vand.u32 $0x3FFF, v0;
	[tilespmem:$0x2800] =	vst v1  }
0xdb: {  	[tilespmem:$0x2A00] =	vst v0  }
0xdc: {  	v0 =	vld [tilespmem:s11+$0xFFFFFFC0];
	_ =	sdelay $0x4  }
0xdd: {  	v1 =	vshrl.u32 v0, $0xE  }
0xde: {  	v0 =	vand.u32 $0x3FFF, v0;
	[tilespmem:$0x2810] =	vst v1  }
0xdf: {  	[tilespmem:$0x2A10] =	vst v0  }
0xe0: {  	v0 =	vld [tilespmem:s11+$0xFFFFFFD0];
	_ =	sdelay $0x4  }
0xe1: {  	v1 =	vshrl.u32 v0, $0xE  }
0xe2: {  	v0 =	vand.u32 $0x3FFF, v0;
	[tilespmem:$0x2820] =	vst v1  }
0xe3: {  	[tilespmem:$0x2A20] =	vst v0  }
0xe4: {  	v0 =	vld [tilespmem:s11+$0xFFFFFFE0];
	_ =	sdelay $0x4  }
0xe5: {  	s12 =	simm.s32 $0x1040;
	v1 =	vshrl.u32 v0, $0xE;
	v0 =	vand.u32 $0x3FFF, v0  }
.LBB2_2:
0xe6: {  	p5 =	sne.s32 s12, $0x9BC0;
	[tilespmem:$0x2830] =	vst v1;
	s13 =	smov.u32 s12;
	s12 =	sadd.s32 $0x480, s12  }
0xe7: {  	[tilespmem:$0x2A30] =	vst v0  }
0xe8: {  	v0 =	vld [tilespmem:s11+$0xFFFFFFF0];
	_ =	sdelay $0x4  }
0xe9: {  	v1 =	vshrl.u32 v0, $0xE;
	v0 =	vand.u32 $0x3FFF, v0  }
0xea: {  	[tilespmem:$0x2840] =	vst v1  }
0xeb: {  	[tilespmem:$0x2A40] =	vst v0  }
0xec: {  	v0 =	vld [tilespmem:s11+$0x0];
	_ =	sdelay $0x4  }
0xed: {  	v1 =	vshrl.u32 v0, $0xE;
	v0 =	vand.u32 $0x3FFF, v0  }
0xee: {  	[tilespmem:$0x2850] =	vst v1  }
0xef: {  	[tilespmem:$0x2A50] =	vst v0  }
0xf0: {  	[tilespmem:s22], [sflag:$0x2] =	stream.indirect.gather [hbm4b:s1+s18], $0x80, s21, s18, $0xb8;
	[tilespmem:$0x1FD00] =	vst v63  }
0xf1: {  	_ =	swait.ge [sflag:s23], $0x3000  }
0xf2: {  	[sflag:s23] =	ssyncset.done $0x0  }
0xf3: {  	[sflag:s23] =	ssyncadd.s32 $0xFFFFD000  }
0xf4: {  	[spmem:s3] =	stream.indirect.scatter.add.f32 [tilespmem:s20], [sflag:$0x4], $0x80, s24, s18, $0xb8;
	[tilespmem:$0x1FD00] =	vst v63  }
0xf5: {  	_ =	swait.ge [sflag:s2], $0x3000  }
0xf6: {  	[sflag:s2] =	ssyncset.done $0x0  }
0xf7: {  	s11 =	sshra.s32 s13, $0x2;
	[sflag:s2] =	ssyncadd.s32 $0xFFFFD000  }
0xf8: {  	v0 =	vld [tilespmem:s11+$0xFFFFFEF0];
	_ =	sdelay $0x4  }
0xf9: {  	v1 =	vshrl.u32 v0, $0xE;
	v0 =	vand.u32 $0x3FFF, v0  }
0xfa: {  	[tilespmem:$0x2880] =	vst v1  }
0xfb: {  	[tilespmem:$0x2A80] =	vst v0  }
0xfc: {  	v0 =	vld [tilespmem:s11+$0xFFFFFF00];
	_ =	sdelay $0x4  }
0xfd: {  	v1 =	vshrl.u32 v0, $0xE;
	v0 =	vand.u32 $0x3FFF, v0  }
0xfe: {  	[tilespmem:$0x2890] =	vst v1  }
0xff: {  	[tilespmem:$0x2A90] =	vst v0  }
0x100: {  	v0 =	vld [tilespmem:s11+$0xFFFFFF10];
	_ =	sdelay $0x4  }
0x101: {  	v1 =	vshrl.u32 v0, $0xE;
	v0 =	vand.u32 $0x3FFF, v0  }
0x102: {  	[tilespmem:$0x28A0] =	vst v1  }
0x103: {  	[tilespmem:$0x2AA0] =	vst v0  }
0x104: {  	v0 =	vld [tilespmem:s11+$0xFFFFFF20];
	_ =	sdelay $0x4  }
0x105: {  	v1 =	vshrl.u32 v0, $0xE;
	v0 =	vand.u32 $0x3FFF, v0  }
0x106: {  	[tilespmem:$0x28B0] =	vst v1  }
0x107: {  	[tilespmem:$0x2AB0] =	vst v0  }
0x108: {  	v0 =	vld [tilespmem:s11+$0xFFFFFF30];
	_ =	sdelay $0x4  }
0x109: {  	v1 =	vshrl.u32 v0, $0xE;
	v0 =	vand.u32 $0x3FFF, v0  }
0x10a: {  	[tilespmem:$0x28C0] =	vst v1  }
0x10b: {  	[tilespmem:$0x2AC0] =	vst v0  }
0x10c: {  	v0 =	vld [tilespmem:s11+$0xFFFFFF40];
	_ =	sdelay $0x4  }
0x10d: {  	v1 =	vshrl.u32 v0, $0xE;
	v0 =	vand.u32 $0x3FFF, v0  }
0x10e: {  	[tilespmem:$0x28D0] =	vst v1  }
0x10f: {  	[tilespmem:$0x2AD0] =	vst v0  }
0x110: {  	[tilespmem:s26], [sflag:$0x3] =	stream.indirect.gather [hbm4b:s1+s18], $0x80, s25, s18, $0xb8;
	[tilespmem:$0x1FD00] =	vst v63  }
0x111: {  	_ =	swait.ge [sflag:s28], $0x3000  }
0x112: {  	[sflag:s28] =	ssyncset.done $0x0  }
0x113: {  	[sflag:s28] =	ssyncadd.s32 $0xFFFFD000  }
0x114: {  	[spmem:s3] =	stream.indirect.scatter.add.f32 [tilespmem:s22], [sflag:$0x5], $0x80, s29, s18, $0xb8;
	[tilespmem:$0x1FD00] =	vst v63  }
0x115: {  	_ =	swait.ge [sflag:s30], $0x3000  }
0x116: {  	[sflag:s30] =	ssyncset.done $0x0  }
0x117: {  	[sflag:s30] =	ssyncadd.s32 $0xFFFFD000  }
0x118: {  	v0 =	vld [tilespmem:s11+$0xFFFFFF50];
	_ =	sdelay $0x4  }
0x119: {  	v1 =	vshrl.u32 v0, $0xE;
	v0 =	vand.u32 $0x3FFF, v0  }
0x11a: {  	[tilespmem:$0x2780] =	vst v1  }
0x11b: {  	[tilespmem:$0x2980] =	vst v0  }
0x11c: {  	v0 =	vld [tilespmem:s11+$0xFFFFFF60];
	_ =	sdelay $0x4  }
0x11d: {  	v1 =	vshrl.u32 v0, $0xE;
	v0 =	vand.u32 $0x3FFF, v0  }
0x11e: {  	[tilespmem:$0x2790] =	vst v1  }
0x11f: {  	[tilespmem:$0x2990] =	vst v0  }
0x120: {  	v0 =	vld [tilespmem:s11+$0xFFFFFF70];
	_ =	sdelay $0x4  }
0x121: {  	v1 =	vshrl.u32 v0, $0xE;
	v0 =	vand.u32 $0x3FFF, v0  }
0x122: {  	[tilespmem:$0x27A0] =	vst v1  }
0x123: {  	[tilespmem:$0x29A0] =	vst v0  }
0x124: {  	v0 =	vld [tilespmem:s11+$0xFFFFFF80];
	_ =	sdelay $0x4  }
0x125: {  	v1 =	vshrl.u32 v0, $0xE;
	v0 =	vand.u32 $0x3FFF, v0  }
0x126: {  	[tilespmem:$0x27B0] =	vst v1  }
0x127: {  	[tilespmem:$0x29B0] =	vst v0  }
0x128: {  	v0 =	vld [tilespmem:s11+$0xFFFFFF90];
	_ =	sdelay $0x4  }
0x129: {  	v1 =	vshrl.u32 v0, $0xE;
	v0 =	vand.u32 $0x3FFF, v0  }
0x12a: {  	[tilespmem:$0x27C0] =	vst v1  }
0x12b: {  	[tilespmem:$0x29C0] =	vst v0  }
0x12c: {  	v0 =	vld [tilespmem:s11+$0xFFFFFFA0];
	_ =	sdelay $0x4  }
0x12d: {  	v1 =	vshrl.u32 v0, $0xE;
	v0 =	vand.u32 $0x3FFF, v0  }
0x12e: {  	[tilespmem:$0x27D0] =	vst v1  }
0x12f: {  	[tilespmem:$0x29D0] =	vst v0  }
0x130: {  	[tilespmem:s20], [sflag:$0x1] =	stream.indirect.gather [hbm4b:s1+s18], $0x80, s19, s18, $0xb8;
	[tilespmem:$0x1FD00] =	vst v63  }
0x131: {  	_ =	swait.ge [sflag:s31], $0x3000  }
0x132: {  	[sflag:s31] =	ssyncset.done $0x0  }
0x133: {  	[sflag:s31] =	ssyncadd.s32 $0xFFFFD000  }
0x134: {  	[spmem:s3] =	stream.indirect.scatter.add.f32 [tilespmem:s26], [sflag:$0x6], $0x80, s0, s18, $0xb8;
	[tilespmem:$0x1FD00] =	vst v63  }
0x135: {  	_ =	swait.ge [sflag:s4], $0x3000  }
0x136: {  	[sflag:s4] =	ssyncset.done $0x0  }
0x137: {  	[sflag:s4] =	ssyncadd.s32 $0xFFFFD000  }
0x138: {  	v0 =	vld [tilespmem:s11+$0xFFFFFFB0];
	_ =	sdelay $0x4  }
0x139: {  	v1 =	vshrl.u32 v0, $0xE;
	v0 =	vand.u32 $0x3FFF, v0  }
0x13a: {  	[tilespmem:$0x2800] =	vst v1  }
0x13b: {  	[tilespmem:$0x2A00] =	vst v0  }
0x13c: {  	v0 =	vld [tilespmem:s11+$0xFFFFFFC0];
	_ =	sdelay $0x4  }
0x13d: {  	v1 =	vshrl.u32 v0, $0xE;
	v0 =	vand.u32 $0x3FFF, v0  }
0x13e: {  	[tilespmem:$0x2810] =	vst v1  }
0x13f: {  	[tilespmem:$0x2A10] =	vst v0  }
0x140: {  	v0 =	vld [tilespmem:s11+$0xFFFFFFD0];
	_ =	sdelay $0x4  }
0x141: {  	v1 =	vshrl.u32 v0, $0xE;
	v0 =	vand.u32 $0x3FFF, v0  }
0x142: {  	[tilespmem:$0x2820] =	vst v1  }
0x143: {  	[tilespmem:$0x2A20] =	vst v0  }
0x144: {  	v0 =	vld [tilespmem:s11+$0xFFFFFFE0]  }
.Ltmp0:
0x145: {  	(pc) =	sbr.rel @p5 .LBB2_2-.Ltmp0, $2  }
0x146: {  	_ =	sdelay $0x2  }
0x147: {  	v1 =	vshrl.u32 v0, $0xE;
	v0 =	vand.u32 $0x3FFF, v0  }
0x148: {  	[tilespmem:$0x2830] =	vst v1  }
0x149: {  	[tilespmem:$0x2A30] =	vst v0  }
0x14a: {  	v0 =	vld [tilespmem:s11+$0xFFFFFFF0];
	_ =	sdelay $0x4  }
0x14b: {  	v60 =	vshrl.u32 v0, $0xE  }
0x14c: {  	v0 =	vand.u32 $0x3FFF, v0;
	[tilespmem:$0x2840] =	vst v60  }
0x14d: {  	[tilespmem:$0x2A40] =	vst v0  }
0x14e: {  	v0 =	vld [tilespmem:s11+$0x0];
	_ =	sdelay $0x4  }
0x14f: {  	v61 =	vshrl.u32 v0, $0xE  }
0x150: {  	v0 =	vand.u32 $0x3FFF, v0;
	[tilespmem:$0x2850] =	vst v61  }
0x151: {  	[tilespmem:$0x2A50] =	vst v0  }
0x152: {  	[tilespmem:s22], [sflag:$0x2] =	stream.indirect.gather [hbm4b:s1+s18], $0x80, s21, s18, $0xb8;
	[tilespmem:$0x1FD00] =	vst v63  }
0x153: {  	_ =	swait.ge [sflag:s23], $0x3000  }
0x154: {  	[sflag:s23] =	ssyncset.done $0x0  }
0x155: {  	[sflag:s23] =	ssyncadd.s32 $0xFFFFD000  }
0x156: {  	[spmem:s3] =	stream.indirect.scatter.add.f32 [tilespmem:s20], [sflag:$0x4], $0x80, s24, s18, $0xb8;
	[tilespmem:$0x1FD00] =	vst v63  }
0x157: {  	_ =	swait.ge [sflag:s2], $0x3000  }
0x158: {  	[sflag:s2] =	ssyncset.done $0x0  }
0x159: {  	[sflag:s2] =	ssyncadd.s32 $0xFFFFD000  }
0x15a: {  	_ =	swait.ge [sflag:s28], $0x3000  }
0x15b: {  	[sflag:s28] =	ssyncset.done $0x0  }
0x15c: {  	[sflag:s28] =	ssyncadd.s32 $0xFFFFD000  }
0x15d: {  	[spmem:s3] =	stream.indirect.scatter.add.f32 [tilespmem:s22], [sflag:$0x5], $0x80, s29, s18, $0xb8;
	[tilespmem:$0x1FD00] =	vst v63  }
0x15e: {  	_ =	swait.ge [sflag:s30], $0x3000  }
0x15f: {  	[sflag:s30] =	ssyncset.done $0x0  }
0x160: {  	[sflag:s30] =	ssyncadd.s32 $0xFFFFD000  }
0x161: {  	_ =	swait.ge [sflag:s4], $0x3000  }
0x162: {  	[sflag:s4] =	ssyncset.done $0x0  }
0x163: {  	[sflag:s4] =	ssyncadd.s32 $0xFFFFD000  }
0x164: {  	v62 =	vld [tilespmem:$0x2700];
	_ =	sdelay $0x4  }
0x165: {  	v63 =	vshrl.u32 v62, $0xE  }
0x166: {  	v0 =	vand.u32 $0x3FFF, v62;
	[tilespmem:$0xBB80] =	vst v63  }
0x167: {  	s13 =	simm.s32 $0xBB80;
	[tilespmem:$0xBC00] =	vst v0  }
0x168: {  	[tilespmem:s9], [sflag:$0x1] =	stream.indirect.gather [hbm4b:s1+s8], $0x80, s13, s8, $0xb8;
	[tilespmem:$0x1FD00] =	vst v63  }
0x169: {  	_ =	swait.ge [sflag:s23], $0x800  }
0x16a: {  	[sflag:s23] =	ssyncset.done $0x0  }
0x16b: {  	s12 =	simm.s32 $0xBC00;
	[sflag:s23] =	ssyncadd.s32 $0xFFFFF800  }
0x16c: {  	[spmem:s3] =	stream.indirect.scatter.add.f32 [tilespmem:s9], [sflag:$0x8], $0x80, s12, s8, $0xb8;
	[tilespmem:$0x1FD00] =	vst v63  }
0x16d: {  	_ =	swait.ge [sflag:s17], $0x800  }
0x16e: {  	[sflag:s17] =	ssyncset.done $0x0  }
0x16f: {  	[sflag:s17] =	ssyncadd.s32 $0xFFFFF800  }
0x170: {  	s11 =	sshll.u32 @p1 s5, $0x6;
	[bflag:$0x0] =	sbarrier.arrive $0xFFFF  }
0x171: {  	s11 =	sor.u32 @p1 $0x1C08, s11;
	s12 =	sshrl.u32 @p1 s7, $0x3;
	s13 =	rddreg [dreg:$0x8]  }
0x172: {  	[hbm:s13], [sflag:s11] =	dma.local @p1 [spmem:s12], $0x2700  }
0x173: {  	s11 =	simm.s32 @p1 $0x8  }
0x174: {  	_ =	swait.ge @p1 [sflag:s11], $0x2700  }
0x175: {  	s12 =	sshll.u32 @p2 s5, $0x6;
	[sflag:s11] =	ssyncset.done @p1 $0x0;
	s13 =	rddreg [dreg:$0x9]  }
0x176: {  	[sflag:s11] =	ssyncadd.s32 @p1 $0xFFFFD900;
	s11 =	sor.u32 @p2 $0x1C08, s12;
	s12 =	sshrl.u32 @p2 s7, $0x3  }
0x177: {  	[hbm:s13], [sflag:s11] =	dma.local @p2 [spmem:s12], $0x2700  }
0x178: {  	s11 =	simm.s32 @p2 $0x8  }
0x179: {  	_ =	swait.ge @p2 [sflag:s11], $0x2700  }
0x17a: {  	s12 =	simm.s32 @p3 $0x1FC8;
	[sflag:s11] =	ssyncset.done @p2 $0x0  }
0x17b: {  	s13 =	rddreg [dreg:$0xa];
	[sflag:s11] =	ssyncadd.s32 @p2 $0xFFFFD900;
	s11 =	sshrl.u32 @p3 s6, $0x3  }
0x17c: {  	[hbm:s13], [sflag:s12] =	dma.local @p3 [spmem:s11], $0x2800  }
0x17d: {  	s11 =	simm.s32 @p3 $0x8  }
0x17e: {  	_ =	swait.ge @p3 [sflag:s11], $0x2800  }
0x17f: {  	s12 =	simm.s32 @p4 $0x1FC8;
	[sflag:s11] =	ssyncset.done @p3 $0x0  }
0x180: {  	s13 =	rddreg [dreg:$0xb];
	[sflag:s11] =	ssyncadd.s32 @p3 $0xFFFFD800;
	s11 =	sshrl.u32 @p4 s6, $0x3  }
0x181: {  	[hbm:s13], [sflag:s12] =	dma.local @p4 [spmem:s11], $0x2800  }
0x182: {  	s11 =	simm.s32 @p4 $0x8  }
0x183: {  	_ =	swait.ge @p4 [sflag:s11], $0x2800  }
0x184: {  	s10 =	sadd.s32 $0x1, s10;
	s13 =	rddreg [dreg:$0xc]  }
0x185: {  	p5 =	sne.s32 s10, s13  }
.Ltmp1:
0x186: {  	_ = 	snop;
	(pc) =	sbr.rel @p5 .LBB2_1-.Ltmp1, $3  }
0x187: {  	_ =	sdelay $0x1  }
0x188: {  	[sflag:s11] =	ssyncset.done @p4 $0x0  }
0x189: {  	[sflag:s11] =	ssyncadd.s32 @p4 $0xFFFFD800  }
0x18a: {  	_ =	sfence.sel $0x180000  }
0x18b: {  	[bflag:$0x0] =	sbarrier.arrive $0xFFFF  }
0x18c: {  	_ =	strace $0x90000047  }
0x18d: {  	[bflag:$0x2] =	sbarrier.arrive $0xFFFF  }
0x18e: {  	p0 =	sne.s32 s5, $0x0;
	s0 =	rddreg [dreg:$0x6]  }
0x18f: {  	s0 =	sadd.s32 @!p0 $0x100000, s0  }
0x190: {  	[sflag:s0] =	ssyncadd.tile.s32 @!p0 $0x1;
	_ =	shalt  }
.Lfunc_end2:
_tile_overlayer_lowered:
.L_overlay_start_2:
0x191: {  	(tag) =	ssettag $0x2  }
0x192: {  	s0 =	rddreg [dreg:$0x0];
	s2 =	stileid.u32  }
0x193: {  	s1 =	rddreg [dreg:$0x1];
	p0 =	sne.s32 s2, $0x0  }
0x194: {  	s3 =	rddreg [dreg:$0x2];
	[bflag:$0x3] =	sbarrier.arrive $0xFFFF;
	s2 =	simm.s32 @!p0 $0x1C08  }
0x195: {  	[timem:s3], [sflag:s2] =	dma.local @!p0 [hbm:s0], s1  }
0x196: {  	s0 =	simm.s32 @!p0 $0x8  }
0x197: {  	_ =	swait.ge @!p0 [sflag:s0], s1  }
0x198: {  	s1 =	ssub.s32 @!p0 $0x0, s1;
	[sflag:s0] =	ssyncset.done @!p0 $0x0  }
0x199: {  	[sflag:s0] =	ssyncadd.s32 @!p0 s1  }
0x19a: {  	[bflag:$0x3] =	sbarrier.arrive $0xFFFF  }
0x19b: {  	_ =	shalt  }

</sc_bundles>
